<compile_context>
chip_gen: v7x
topology: tpu7x:2x2x1
jax: 0.10.2.dev20260603
libtpu: 0.0.44.dev20260713+nightly
codegen_flags: <defaults>
</compile_context>

<pallas_src>
import dataclasses
import functools
import math

import jax
import jax.numpy as jnp
from jax import lax
from jax.experimental import pallas as pl
from jax.experimental.pallas import tpu as pltpu
from jax.experimental.pallas import tpu_sc as plsc

N_NODES = 100000
B = 4096
GROUP = 3 * B
FANOUT = 16
D_NODE = 128
D_EDGE = 16
D_TIME = 100
D_EMBED = 128
N_HEADS = 2
DH = D_EMBED // N_HEADS

GATHER_WIN = 128
M_BLK = 64
R_BLK = M_BLK * FANOUT
G_BLK = 512
P_BLK = 512
N_WORKERS = 32
TS_ROWS = (N_NODES + 127) // 128
TS_SLICE = 3136
TS_PAD = N_WORKERS * TS_SLICE


_COS_COEFFS = (
    0.9999999997244845, -0.4999999994844787, 0.04166666491096737,
    -0.001388887075225163, 2.4800753857600428e-05, -2.7537477718681674e-07,
    2.062132069269307e-09, -9.768685860223059e-12,
)


def _fast_cos(x):
  f32 = jnp.float32
  n = jnp.floor(x * f32(0.15915494309189535) + f32(0.5))
  r = (x - n * f32(6.28125)) - n * f32(0.0019353071795864769)
  t = r * r
  acc = jnp.full_like(t, f32(_COS_COEFFS[7]))
  for k in range(6, -1, -1):
    acc = acc * t + f32(_COS_COEFFS[k])
  return acc


def _sc_mesh():
  return plsc.VectorSubcoreMesh(core_axis_name="core", subcore_axis_name="subcore")


def _sc_gather(memory, idx_all, ts_tab=None, ts_row_idx=None):
  k_rows = idx_all.shape[0]
  idx2 = idx_all.reshape(1, k_rows)
  with_ts = ts_tab is not None
  if with_ts:
    k_ts = ts_row_idx.shape[0]
    tsr2 = ts_row_idx.reshape(1, k_ts)
    out_type = (
        jax.ShapeDtypeStruct((k_rows, D_EMBED), jnp.float32),
        jax.ShapeDtypeStruct((k_ts, 128), jnp.float32),
    )
  else:
    out_type = jax.ShapeDtypeStruct((k_rows, D_EMBED), jnp.float32)

  @pl.kernel(out_type=out_type, mesh=_sc_mesh())
  def gather_kernel(mem_hbm, idx_hbm, *rest):
    if with_ts:
      ts_hbm, tsr_hbm, rows_hbm, tsrows_hbm = rest
    else:
      rows_hbm, = rest

    def row_body(i_vmem, o_vmem):
      pltpu.sync_copy(mem_hbm.at[i_vmem.at[0]], o_vmem)

    pltpu.emit_pipeline(
        row_body,
        grid=(k_rows // GATHER_WIN,),
        in_specs=[pl.BlockSpec((1, GATHER_WIN), lambda i: (0, i))],
        out_specs=[pl.BlockSpec((GATHER_WIN, D_EMBED), lambda i: (i, 0))],
        core_axis_name=("core", "subcore"),
        dimension_semantics=(pltpu.PARALLEL,),
    )(idx_hbm, rows_hbm)

    if with_ts:
      def ts_body(i_vmem, o_vmem):
        pltpu.sync_copy(ts_hbm.at[i_vmem.at[0]], o_vmem)

      pltpu.emit_pipeline(
          ts_body,
          grid=(k_ts // GATHER_WIN,),
          in_specs=[pl.BlockSpec((1, GATHER_WIN), lambda i: (0, i))],
          out_specs=[pl.BlockSpec((GATHER_WIN, 128), lambda i: (i, 0))],
          core_axis_name=("core", "subcore"),
          dimension_semantics=(pltpu.PARALLEL,),
      )(tsr_hbm, tsrows_hbm)

  if with_ts:
    return gather_kernel(memory, idx2, ts_tab, tsr2)
  return gather_kernel(memory, idx2)


def _sc_scatter(new_mem, win_src, dst_idx, mail_ts, ts_in, mem_ref):
  n_upd = dst_idx.shape[0]
  win2 = win_src.reshape(1, n_upd)
  dst2 = dst_idx.reshape(1, n_upd)

  cp = pltpu.CompilerParams()
  if "needs_layout_passes" in pltpu.CompilerParams.__dataclass_fields__:
    cp = dataclasses.replace(cp, needs_layout_passes=False)

  @pl.kernel(
      out_type=jax.ShapeDtypeStruct((TS_PAD,), jnp.float32),
      mesh=_sc_mesh(),
      compiler_params=cp,
      scratch_types=[
          pltpu.VMEM((GATHER_WIN, D_EMBED), jnp.float32),
          pltpu.VMEM((TS_SLICE,), jnp.float32),
          pltpu.VMEM((n_upd,), jnp.int32),
          pltpu.VMEM((n_upd,), jnp.int32),
          pltpu.VMEM((n_upd,), jnp.float32),
      ],
  )
  def scatter_kernel(nm_hbm, win_hbm, dst_hbm, mts_hbm, tsin_hbm, mem_hbm,
                     tsout_hbm, rows_vmem, tsslice_v, upd_v, win_v, mail_v):
    def body(w_vmem, d_vmem):
      pltpu.sync_copy(nm_hbm.at[w_vmem.at[0]], rows_vmem)
      pltpu.sync_copy(rows_vmem, mem_hbm.at[d_vmem.at[0]])

    pltpu.emit_pipeline(
        body,
        grid=(n_upd // GATHER_WIN,),
        in_specs=[
            pl.BlockSpec((1, GATHER_WIN), lambda i: (0, i)),
            pl.BlockSpec((1, GATHER_WIN), lambda i: (0, i)),
        ],
        out_specs=[],
        core_axis_name=("core", "subcore"),
        dimension_semantics=(pltpu.PARALLEL,),
    )(win_hbm, dst_hbm)

    wid = lax.axis_index("core") * 16 + lax.axis_index("subcore")
    base = wid * TS_SLICE
    pltpu.sync_copy(tsin_hbm.at[pl.ds(base, TS_SLICE)], tsslice_v)
    pltpu.sync_copy(dst_hbm.at[0], upd_v)
    pltpu.sync_copy(win_hbm.at[0], win_v)
    pltpu.sync_copy(mts_hbm, mail_v)

    @pl.loop(0, n_upd // 16)
    def _(c):
      iv = upd_v[pl.ds(c * 16, 16)]
      wv = win_v[pl.ds(c * 16, 16)]
      vals = plsc.load_gather(mail_v, [wv])
      mask = (iv >= base) & (iv < base + TS_SLICE)
      plsc.store_scatter(tsslice_v, [iv - base], vals, mask=mask)

    pltpu.sync_copy(tsslice_v, tsout_hbm.at[pl.ds(base, TS_SLICE)])

  return scatter_kernel(new_mem, win2, dst2, mail_ts, ts_in, mem_ref)


def _attn_body(gdst_ref, dstf_ref, gsrc_ref, srcf_ref, edge_ref, delta_ref,
               maskb_ref, wt_ref, bt_ref, wqn_ref, wqt_ref, bq_ref,
               wkn_ref, wke_ref, wkt_ref, bk_ref,
               wvn_ref, wve_ref, wvt_ref, bv_ref,
               wo_ref, bo_ref, h_ref):
  f32 = jnp.float32
  nd = dstf_ref[...] + gdst_ref[...]
  t0 = _fast_cos(bt_ref[...])
  q = (jnp.dot(nd, wqn_ref[...], preferred_element_type=f32)
       + jnp.dot(t0, wqt_ref[...], preferred_element_type=f32)
       + bq_ref[...])
  ns = srcf_ref[...] + gsrc_ref[...]
  te = _fast_cos(delta_ref[...] * wt_ref[...] + bt_ref[...])
  k = (jnp.dot(ns, wkn_ref[...], preferred_element_type=f32)
       + jnp.dot(edge_ref[...], wke_ref[...], preferred_element_type=f32)
       + jnp.dot(te, wkt_ref[...], preferred_element_type=f32)
       + bk_ref[...])
  v = (jnp.dot(ns, wvn_ref[...], preferred_element_type=f32)
       + jnp.dot(edge_ref[...], wve_ref[...], preferred_element_type=f32)
       + jnp.dot(te, wvt_ref[...], preferred_element_type=f32)
       + bv_ref[...])
  scale = f32(1.0 / math.sqrt(DH))
  maskb = maskb_ref[...]
  outs = []
  for h in range(N_HEADS):
    qh = q[:, h * DH:(h + 1) * DH] * scale
    kh = k[:, h * DH:(h + 1) * DH]
    vh = v[:, h * DH:(h + 1) * DH]
    s = lax.dot_general(qh, kh, (((1,), (1,)), ((), ())),
                        preferred_element_type=f32)
    e = jnp.exp(s + maskb)
    a = e / jnp.sum(e, axis=1, keepdims=True)
    outs.append(lax.dot_general(a, vh, (((1,), (0,)), ((), ())),
                                preferred_element_type=f32))
  out = jnp.concatenate(outs, axis=1)
  proj = jnp.dot(out, wo_ref[...], preferred_element_type=f32) + bo_ref[...]
  h_ref[...] = jnp.maximum(proj + nd, 0.0)


def _gru_body(h_ref, pm_ref, tsrows_ref, lane_ref, mts_ref, ef_ref,
              wtm_ref, btm_ref, wim_ref, wip_ref, wit_ref, wie_ref, bih_ref,
              whh_ref, bhh_ref, nm_ref):
  f32 = jnp.float32
  lane_iota = lax.broadcasted_iota(jnp.int32, (G_BLK, 128), 1)
  sel = (lane_iota == lane_ref[...]).astype(f32)
  pts = jnp.sum(tsrows_ref[...] * sel, axis=1, keepdims=True)
  dt = jnp.maximum(mts_ref[...] - pts, 0.0)
  tf = _fast_cos(dt * wtm_ref[...] + btm_ref[...])
  pm = pm_ref[...]
  gi = (jnp.dot(h_ref[...], wim_ref[...], preferred_element_type=f32)
        + jnp.dot(pm, wip_ref[...], preferred_element_type=f32)
        + jnp.dot(tf, wit_ref[...], preferred_element_type=f32)
        + jnp.dot(ef_ref[...], wie_ref[...], preferred_element_type=f32)
        + bih_ref[...])
  gh = jnp.dot(pm, whh_ref[...], preferred_element_type=f32) + bhh_ref[...]
  i_r, i_z, i_n = gi[:, 0:128], gi[:, 128:256], gi[:, 256:384]
  h_r, h_z, h_n = gh[:, 0:128], gh[:, 128:256], gh[:, 256:384]
  r = jax.nn.sigmoid(i_r + h_r)
  z = jax.nn.sigmoid(i_z + h_z)
  n = jnp.tanh(i_n + r * h_n)
  nm_ref[...] = (1.0 - z) * n + z * pm


def _pred_body(sh_ref, dh_ref, nh_ref, wps_ref, bps_ref, wpd_ref, bpd_ref,
               wpo_ref, bpo_ref, pos_ref, neg_ref):
  f32 = jnp.float32
  sproj = jnp.dot(sh_ref[...], wps_ref[...], preferred_element_type=f32) + bps_ref[...]
  dproj = jnp.dot(dh_ref[...], wpd_ref[...], preferred_element_type=f32) + bpd_ref[...]
  nproj = jnp.dot(nh_ref[...], wpd_ref[...], preferred_element_type=f32) + bpd_ref[...]
  hp = jnp.maximum(sproj + dproj, 0.0)
  hn = jnp.maximum(sproj + nproj, 0.0)
  pos_ref[...] = jnp.dot(hp, wpo_ref[...], preferred_element_type=f32) + bpo_ref[...]
  neg_ref[...] = jnp.dot(hn, wpo_ref[...], preferred_element_type=f32) + bpo_ref[...]


def _row2(x):
  return x.reshape(1, -1)


def kernel(dst_nodes, src_nodes, dst_feat, src_feat, edge_feat_nbr,
           delta_ts_nbr, root_ts, root_edge_feat, memory, memory_ts, params):
  p = params
  f32 = jnp.float32
  n_upd = 2 * B

  dst_nodes = dst_nodes.astype(jnp.int32)
  src_flat = src_nodes.reshape(-1).astype(jnp.int32)
  upd_idx = dst_nodes[:n_upd]

  idx_all = jnp.concatenate([dst_nodes, src_flat], axis=0)
  ts_tab = jnp.pad(memory_ts, (0, TS_ROWS * 128 - N_NODES)).reshape(TS_ROWS, 128)
  ts_row_idx = upd_idx // 128
  ts_lane = (upd_idx % 128).reshape(-1, 1)
  rows, ts_rows = _sc_gather(memory, idx_all, ts_tab, ts_row_idx)

  srcf_flat = src_feat.reshape(GROUP * FANOUT, D_NODE)
  edge_flat = edge_feat_nbr.reshape(GROUP * FANOUT, D_EDGE)
  delta_flat = delta_ts_nbr.reshape(GROUP * FANOUT, 1)

  mrow = jnp.arange(M_BLK, dtype=jnp.int32).reshape(-1, 1)
  mcol = jnp.arange(R_BLK, dtype=jnp.int32).reshape(1, -1) // FANOUT
  maskb = jnp.where(mcol == mrow, 0.0, -1e30).astype(f32)

  wq = p["Wq"]
  wk = p["Wk"]
  wv = p["Wv"]
  full = lambda s: pl.BlockSpec(s, lambda i: tuple(0 for _ in s))
  weights = (
      maskb,
      _row2(p["wt_attn"]), _row2(p["bt_attn"]),
      wq[:D_EMBED], wq[D_EMBED:], _row2(p["bq"]),
      wk[:D_EMBED], wk[D_EMBED:D_EMBED + D_EDGE], wk[D_EMBED + D_EDGE:], _row2(p["bk"]),
      wv[:D_EMBED], wv[D_EMBED:D_EMBED + D_EDGE], wv[D_EMBED + D_EDGE:], _row2(p["bv"]),
      p["Wo"], _row2(p["bo"]),
  )
  wspecs = (
      full((M_BLK, R_BLK)),
      full((1, D_TIME)), full((1, D_TIME)),
      full((D_EMBED, D_EMBED)), full((D_TIME, D_EMBED)), full((1, D_EMBED)),
      full((D_EMBED, D_EMBED)), full((D_EDGE, D_EMBED)), full((D_TIME, D_EMBED)), full((1, D_EMBED)),
      full((D_EMBED, D_EMBED)), full((D_EDGE, D_EMBED)), full((D_TIME, D_EMBED)), full((1, D_EMBED)),
      full((D_EMBED, D_EMBED)), full((1, D_EMBED)),
  )

  n_blk = GROUP // M_BLK
  src_off = GROUP // R_BLK
  h_total = pl.pallas_call(
      _attn_body,
      grid=(n_blk,),
      in_specs=[
          pl.BlockSpec((M_BLK, D_EMBED), lambda i: (i, 0)),
          pl.BlockSpec((M_BLK, D_NODE), lambda i: (i, 0)),
          pl.BlockSpec((R_BLK, D_EMBED), lambda i: (i + src_off, 0)),
          pl.BlockSpec((R_BLK, D_NODE), lambda i: (i, 0)),
          pl.BlockSpec((R_BLK, D_EDGE), lambda i: (i, 0)),
          pl.BlockSpec((R_BLK, 1), lambda i: (i, 0)),
      ] + list(wspecs),
      out_specs=pl.BlockSpec((M_BLK, D_EMBED), lambda i: (i, 0)),
      out_shape=jax.ShapeDtypeStruct((GROUP, D_EMBED), f32),
  )(rows, dst_feat, rows, srcf_flat, edge_flat, delta_flat, *weights)

  mail_ts = jnp.concatenate([root_ts, root_ts], axis=0)
  edge_upd = jnp.concatenate([root_edge_feat, root_edge_feat], axis=0)
  wih_t = p["W_ih"].T
  whh_t = p["W_hh"].T
  d_gin = 3 * D_EMBED

  new_mem = pl.pallas_call(
      _gru_body,
      grid=(n_upd // G_BLK,),
      in_specs=[
          pl.BlockSpec((G_BLK, D_EMBED), lambda i: (i, 0)),
          pl.BlockSpec((G_BLK, D_EMBED), lambda i: (i, 0)),
          pl.BlockSpec((G_BLK, 128), lambda i: (i, 0)),
          pl.BlockSpec((G_BLK, 1), lambda i: (i, 0)),
          pl.BlockSpec((G_BLK, 1), lambda i: (i, 0)),
          pl.BlockSpec((G_BLK, D_EDGE), lambda i: (i, 0)),
          full((1, D_TIME)), full((1, D_TIME)),
          full((D_EMBED, d_gin)), full((D_EMBED, d_gin)),
          full((D_TIME, d_gin)), full((D_EDGE, d_gin)), full((1, d_gin)),
          full((D_EMBED, d_gin)), full((1, d_gin)),
      ],
      out_specs=pl.BlockSpec((G_BLK, D_EMBED), lambda i: (i, 0)),
      out_shape=jax.ShapeDtypeStruct((n_upd, D_EMBED), f32),
  )(
      h_total, rows, ts_rows, ts_lane, mail_ts.reshape(-1, 1), edge_upd,
      _row2(p["wt_mem"]), _row2(p["bt_mem"]),
      wih_t[:D_EMBED], wih_t[D_EMBED:2 * D_EMBED],
      wih_t[2 * D_EMBED:2 * D_EMBED + D_TIME], wih_t[2 * D_EMBED + D_TIME:],
      _row2(p["b_ih"]), whh_t, _row2(p["b_hh"]),
  )

  pos_scores, neg_scores = pl.pallas_call(
      _pred_body,
      grid=(B // P_BLK,),
      in_specs=[
          pl.BlockSpec((P_BLK, D_EMBED), lambda i: (i, 0)),
          pl.BlockSpec((P_BLK, D_EMBED), lambda i: (i + B // P_BLK, 0)),
          pl.BlockSpec((P_BLK, D_EMBED), lambda i: (i + 2 * (B // P_BLK), 0)),
          full((D_EMBED, D_EMBED)), full((1, D_EMBED)),
          full((D_EMBED, D_EMBED)), full((1, D_EMBED)),
          full((D_EMBED, 1)), full((1, 1)),
      ],
      out_specs=[
          pl.BlockSpec((P_BLK, 1), lambda i: (i, 0)),
          pl.BlockSpec((P_BLK, 1), lambda i: (i, 0)),
      ],
      out_shape=[
          jax.ShapeDtypeStruct((B, 1), f32),
          jax.ShapeDtypeStruct((B, 1), f32),
      ],
  )(
      h_total, h_total, h_total,
      p["Wp_src"], _row2(p["bp_src"]), p["Wp_dst"], _row2(p["bp_dst"]),
      p["Wp_out"], _row2(p["bp_out"]),
  )

  order = jnp.zeros((N_NODES,), jnp.int32).at[upd_idx].max(
      jnp.arange(n_upd, dtype=jnp.int32))
  win_src = order[upd_idx]

  mem_ref = jax.new_ref(lax.optimization_barrier(memory))
  ts_in = jnp.pad(memory_ts, (0, TS_PAD - N_NODES))
  ts_out = _sc_scatter(new_mem, win_src, upd_idx, mail_ts, ts_in, mem_ref)
  new_memory = mem_ref[...]
  new_memory_ts = ts_out[:N_NODES]

  return (pos_scores, neg_scores, new_memory, new_memory_ts)

# --- scband reference (transcript-rebuilt; emitter-appended) ---
"""Pipeline reference for scband-atlas-tgn-31911607009495 (READ-ONLY COPY).

The authoritative reference and input builder live on the scoring server;
editing this copy changes nothing except your own understanding.
"""

import jax, jax.numpy as jnp
import numpy as np

N_NODES = 100000
B = 4096
GROUP = 3 * B
FANOUT = 16
D_NODE = 128
D_EDGE = 16
D_TIME = 100
D_EMBED = 128
N_HEADS = 2


def time_encode(t, w, b):
    return jnp.cos(t[..., None] * w + b)


def gru_cell(x, h, W_ih, b_ih, W_hh, b_hh):
    gi = x @ W_ih.T + b_ih
    gh = h @ W_hh.T + b_hh
    i_r, i_z, i_n = jnp.split(gi, 3, axis=1)
    h_r, h_z, h_n = jnp.split(gh, 3, axis=1)
    r = jax.nn.sigmoid(i_r + h_r)
    z = jax.nn.sigmoid(i_z + h_z)
    n = jnp.tanh(i_n + r * h_n)
    return (1.0 - z) * n + z * h


def make_params(key):
    ks = jax.random.split(key, 16)
    s = 0.05
    d_qin = D_EMBED + D_TIME
    d_kin = D_EMBED + D_EDGE + D_TIME
    d_gru_in = 2 * D_EMBED + D_EDGE + D_TIME
    return {
        'wt_attn': jax.random.normal(ks[0], (D_TIME,), dtype=jnp.float32) * s,
        'bt_attn': jax.random.normal(ks[1], (D_TIME,), dtype=jnp.float32) * s,
        'Wq': jax.random.normal(ks[2], (d_qin, D_EMBED), dtype=jnp.float32) * s,
        'bq': jnp.zeros((D_EMBED,), jnp.float32),
        'Wk': jax.random.normal(ks[3], (d_kin, D_EMBED), dtype=jnp.float32) * s,
        'bk': jnp.zeros((D_EMBED,), jnp.float32),
        'Wv': jax.random.normal(ks[4], (d_kin, D_EMBED), dtype=jnp.float32) * s,
        'bv': jnp.zeros((D_EMBED,), jnp.float32),
        'Wo': jax.random.normal(ks[5], (D_EMBED, D_EMBED), dtype=jnp.float32) * s,
        'bo': jnp.zeros((D_EMBED,), jnp.float32),
        'wt_mem': jax.random.normal(ks[6], (D_TIME,), dtype=jnp.float32) * s,
        'bt_mem': jax.random.normal(ks[7], (D_TIME,), dtype=jnp.float32) * s,
        'W_ih': jax.random.normal(ks[8], (3 * D_EMBED, d_gru_in), dtype=jnp.float32) * s,
        'b_ih': jnp.zeros((3 * D_EMBED,), jnp.float32),
        'W_hh': jax.random.normal(ks[9], (3 * D_EMBED, D_EMBED), dtype=jnp.float32) * s,
        'b_hh': jnp.zeros((3 * D_EMBED,), jnp.float32),
        'Wp_src': jax.random.normal(ks[10], (D_EMBED, D_EMBED), dtype=jnp.float32) * s,
        'bp_src': jnp.zeros((D_EMBED,), jnp.float32),
        'Wp_dst': jax.random.normal(ks[11], (D_EMBED, D_EMBED), dtype=jnp.float32) * s,
        'bp_dst': jnp.zeros((D_EMBED,), jnp.float32),
        'Wp_out': jax.random.normal(ks[12], (D_EMBED, 1), dtype=jnp.float32) * s,
        'bp_out': jnp.zeros((1,), jnp.float32),
    }


def setup_inputs(seed: int = 0):
    key = jax.random.key(seed)
    ks = jax.random.split(key, 12)
    inp = {}
    inp['dst_nodes'] = jax.random.randint(ks[0], (GROUP,), 0, N_NODES)
    inp['src_nodes'] = jax.random.randint(ks[1], (GROUP, FANOUT), 0, N_NODES)
    inp['dst_feat'] = jax.random.normal(ks[2], (GROUP, D_NODE), dtype=jnp.float32)
    inp['src_feat'] = jax.random.normal(ks[3], (GROUP, FANOUT, D_NODE), dtype=jnp.float32)
    inp['edge_feat_nbr'] = jax.random.normal(ks[4], (GROUP, FANOUT, D_EDGE), dtype=jnp.float32)
    inp['delta_ts_nbr'] = jax.random.uniform(ks[5], (GROUP, FANOUT), dtype=jnp.float32) * 100.0
    inp['root_ts'] = jax.random.uniform(ks[6], (B,), dtype=jnp.float32) * 1000.0
    inp['root_edge_feat'] = jax.random.normal(ks[7], (B, D_EDGE), dtype=jnp.float32)
    inp['memory'] = jax.random.normal(ks[8], (N_NODES, D_EMBED), dtype=jnp.float32) * 0.1
    inp['memory_ts'] = jnp.zeros((N_NODES,), dtype=jnp.float32)
    inp['params'] = make_params(ks[9])
    return inp


def temporal_attn(dst_nodes, src_nodes, dst_feat, src_feat, edge_feat, delta_ts, memory, p):
    M = dst_feat.shape[0]
    dh = D_EMBED // N_HEADS
    node_dst = dst_feat + memory[dst_nodes]
    node_src = src_feat + memory[src_nodes]
    t0 = time_encode(jnp.zeros((M,), jnp.float32), p['wt_attn'], p['bt_attn'])
    te = time_encode(delta_ts, p['wt_attn'], p['bt_attn'])
    q = jnp.concatenate([node_dst, t0], axis=-1) @ p['Wq'] + p['bq']
    kin = jnp.concatenate([node_src, edge_feat, te], axis=-1)
    k = kin @ p['Wk'] + p['bk']
    v = kin @ p['Wv'] + p['bv']
    qh = q.reshape(M, N_HEADS, dh)
    kh = k.reshape(M, FANOUT, N_HEADS, dh)
    vh = v.reshape(M, FANOUT, N_HEADS, dh)
    scores = jnp.einsum('mhd,mfhd->mhf', qh, kh) / np.sqrt(dh)
    a = jax.nn.softmax(scores, axis=-1)
    out = jnp.einsum('mhf,mfhd->mhd', a, vh).reshape(M, D_EMBED)
    return jax.nn.relu(out @ p['Wo'] + p['bo'] + node_dst)


def edge_predictor(src_h, dst_h, p):
    h = jax.nn.relu(src_h @ p['Wp_src'] + p['bp_src'] + dst_h @ p['Wp_dst'] + p['bp_dst'])
    return h @ p['Wp_out'] + p['bp_out']


def reference(dst_nodes, src_nodes, dst_feat, src_feat, edge_feat_nbr, delta_ts_nbr, root_ts, root_edge_feat, memory, memory_ts, params):
    p = params
    h_l = temporal_attn(dst_nodes, src_nodes, dst_feat, src_feat, edge_feat_nbr, delta_ts_nbr, memory, p)
    group = 3 * B
    N_l = h_l.shape[0]
    fanout = max(1, N_l // group)
    h_total = h_l.reshape(group, fanout, -1).mean(axis=1)
    src_h = h_total[0:B]
    dst_h = h_total[B:2 * B]
    neg_h = h_total[2 * B:3 * B]
    update_nodes = dst_nodes[0:2 * B]
    update_msgs = h_total[0:2 * B]
    mail_ts = jnp.tile(root_ts, 2)
    prev_ts = jax.lax.stop_gradient(memory_ts[update_nodes])
    delta_t = jnp.maximum(mail_ts - prev_ts, 0.0)
    time_feat = time_encode(delta_t, p['wt_mem'], p['bt_mem'])
    edge_feat = jnp.tile(root_edge_feat, (2, 1))
    prev_mem = jax.lax.stop_gradient(memory[update_nodes])
    x = jnp.concatenate([update_msgs, prev_mem, time_feat, edge_feat], axis=1)
    new_mem = gru_cell(x, prev_mem, p['W_ih'], p['b_ih'], p['W_hh'], p['b_hh'])
    new_memory = memory.at[update_nodes].set(jax.lax.stop_gradient(new_mem))
    new_memory_ts = memory_ts.at[update_nodes].set(mail_ts)
    pos_scores = edge_predictor(src_h, dst_h, p)
    neg_scores = edge_predictor(src_h, neg_h, p)
    return (pos_scores, neg_scores, new_memory, new_memory_ts)

if __name__ == "__main__":
    import jax
    _d = setup_inputs()
    print(jax.jit(kernel)(*tuple(_d.values())))

</pallas_src>

<mosaic_0001>
#map = affine_map<(d0, d1) -> (0, 0)>
module attributes {stable_mosaic.version = 14 : i64} {
  func.func @gather_kernel(%arg0: i32, %arg1: i32, %arg2: memref<100000x128xf32, #tpu.memory_space<hbm>>, %arg3: memref<1x208896xi32, #tpu.memory_space<hbm>>, %arg4: memref<782x128xf32, #tpu.memory_space<hbm>>, %arg5: memref<1x8192xi32, #tpu.memory_space<hbm>>, %arg6: memref<208896x128xf32, #tpu.memory_space<hbm>>, %arg7: memref<8192x128xf32, #tpu.memory_space<hbm>>) attributes {dimension_semantics = [#tpu.dimension_semantics<core_parallel>, #tpu.dimension_semantics<subcore_parallel>], iteration_bounds = array<i64: 2, 16>, scalar_prefetch = 0 : i64, scratch_operands = 0 : i64, tpu.core_type = #tpu.core_type<sc_vector_subcore>, window_params = [{transform_indices = #map}, {transform_indices = #map}, {transform_indices = #map}, {transform_indices = #map}, {transform_indices = #map}, {transform_indices = #map}]} {
    %mul3A = arith.constant 1 : i32
    %mul3A_0 = arith.muli %arg1, %mul3A : i32
    %add3A = arith.constant 0 : i32
    %add3A_1 = arith.addi %add3A, %mul3A_0 : i32
    %mul3A_2 = arith.constant 16 : i32
    %mul3A_3 = arith.muli %arg0, %mul3A_2 : i32
    %add3A_4 = arith.addi %add3A_1, %mul3A_3 : i32
    %mul3A_5 = arith.constant 51 : i32
    %mul3A_6 = arith.muli %add3A_4, %mul3A_5 : i32
    "tpu.region"() ({
      %run_scoped3A = memref.alloca() : memref<2x1x128xi32, #tpu.memory_space<vmem>>
      %run_scoped3A_16 = tpu.sem_alloc : memref<2x!tpu.dma_semaphore, #tpu.memory_space<semaphore_mem>>
      %run_scoped3A_17 = memref.alloca() : memref<2x128x128xf32, #tpu.memory_space<vmem>>
      %run_scoped3A_18 = tpu.sem_alloc : memref<2x!tpu.dma_semaphore, #tpu.memory_space<semaphore_mem>>
      %add3A_19 = arith.constant 0 : i32
      %add3A_20 = arith.addi %add3A_19, %mul3A_6 : i32
      %select_n3A = arith.constant true
      %select_n3A_21 = arith.constant 0 : i32
      %select_n3A_22 = arith.constant -1 : i32
      %select_n3A_23 = arith.select %select_n3A, %select_n3A_22, %select_n3A_21 : i32
      %eq3A = arith.constant -1 : i32
      %eq3A_24 = arith.cmpi eq, %select_n3A_23, %eq3A : i32
      %select_n3A_25 = arith.constant 50 : i32
      %select_n3A_26 = arith.select %eq3A_24, %select_n3A_25, %select_n3A_23 : i32
      %add3A_27 = arith.addi %select_n3A_26, %mul3A_6 : i32
      %select_n3A_28 = arith.constant true
      %select_n3A_29 = arith.constant 0 : i32
      %select_n3A_30 = arith.constant 1 : i32
      %select_n3A_31 = arith.select %select_n3A_28, %select_n3A_30, %select_n3A_29 : i32
      %eq3A_32 = arith.constant 51 : i32
      %eq3A_33 = arith.cmpi eq, %select_n3A_31, %eq3A_32 : i32
      %select_n3A_34 = arith.constant 0 : i32
      %select_n3A_35 = arith.select %eq3A_33, %select_n3A_34, %select_n3A_31 : i32
      %add3A_36 = arith.addi %select_n3A_35, %mul3A_6 : i32
      %add3A_37 = arith.constant 1 : i32
      %add3A_38 = arith.addi %select_n3A_35, %add3A_37 : i32
      %select_n3A_39 = arith.constant true
      %select_n3A_40 = arith.select %select_n3A_39, %add3A_38, %select_n3A_35 : i32
      %eq3A_41 = arith.constant 51 : i32
      %eq3A_42 = arith.cmpi eq, %select_n3A_40, %eq3A_41 : i32
      %select_n3A_43 = arith.constant 0 : i32
      %select_n3A_44 = arith.select %eq3A_42, %select_n3A_43, %select_n3A_40 : i32
      %add3A_45 = arith.addi %select_n3A_44, %mul3A_6 : i32
      "tpu.trace_start"() <{level = 10 : i32, message = "ep_initialize_0"}> : () -> ()
      %rem3A = arith.constant 0 : i32
      %rem3A_46 = arith.constant 2 : i32
      %rem3A_47 = arith.remui %rem3A, %rem3A_46 : i32
      %mul3A_48 = arith.constant 128 : i32
      %mul3A_49 = arith.muli %mul3A_48, %add3A_20 : i32
      %dma_start3A = arith.constant 0 : i32
      %dma_start3A_50 = arith.constant 0 : i32
      %dma_start3A_51 = tpu.memref_slice %run_scoped3A[%rem3A_47, %dma_start3A, %dma_start3A_50] : memref<2x1x128xi32, #tpu.memory_space<vmem>> -> memref<1x1x128xi32, #tpu.memory_space<vmem>>
      %dma_start3A_52 = tpu.memref_squeeze %dma_start3A_51 : memref<1x1x128xi32, #tpu.memory_space<vmem>> -> memref<1x128xi32, #tpu.memory_space<vmem>>
      %dma_start3A_53 = arith.constant 0 : i32
      %dma_start3A_54 = tpu.memref_slice %arg3[%dma_start3A_53, %mul3A_49] : memref<1x208896xi32, #tpu.memory_space<hbm>> -> memref<1x128xi32, #tpu.memory_space<hbm>>
      %dma_start3A_55 = tpu.memref_slice %run_scoped3A_16[%rem3A_47] : memref<2x!tpu.dma_semaphore, #tpu.memory_space<semaphore_mem>> -> memref<1x!tpu.dma_semaphore, #tpu.memory_space<semaphore_mem>>
      %dma_start3A_56 = tpu.memref_squeeze %dma_start3A_55 : memref<1x!tpu.dma_semaphore, #tpu.memory_space<semaphore_mem>> -> memref<!tpu.dma_semaphore, #tpu.memory_space<semaphore_mem>>
      %dma_start3A_57 = arith.constant 0 : i32
      %dma_start3A_58 = arith.constant 0 : i32
      %dma_start3A_59 = tpu.memref_slice %run_scoped3A[%rem3A_47, %dma_start3A_57, %dma_start3A_58] : memref<2x1x128xi32, #tpu.memory_space<vmem>> -> memref<1x1x128xi32, #tpu.memory_space<vmem>>
      %dma_start3A_60 = tpu.memref_squeeze %dma_start3A_59 : memref<1x1x128xi32, #tpu.memory_space<vmem>> -> memref<1x128xi32, #tpu.memory_space<vmem>>
      %dma_start3A_61 = arith.constant 0 : i32
      %dma_start3A_62 = tpu.memref_slice %arg3[%dma_start3A_61, %mul3A_49] : memref<1x208896xi32, #tpu.memory_space<hbm>> -> memref<1x128xi32, #tpu.memory_space<hbm>>
      tpu.enqueue_dma source(%dma_start3A_62 : memref<1x128xi32, #tpu.memory_space<hbm>>) target(%dma_start3A_60 : memref<1x128xi32, #tpu.memory_space<vmem>>) target_semaphore(%dma_start3A_56 : memref<!tpu.dma_semaphore, #tpu.memory_space<semaphore_mem>>)
      %add3A_63 = arith.constant 0 : i32
      %add3A_64 = arith.constant 1 : i32
      %add3A_65 = arith.addi %add3A_63, %add3A_64 : i32
      %select_n3A_66 = arith.constant true
      %select_n3A_67 = arith.constant 0 : i32
      %select_n3A_68 = arith.select %select_n3A_66, %add3A_65, %select_n3A_67 : i32
      "tpu.trace_stop"() : () -> ()
      %scan3A = arith.constant 0 : i32
      %scan3A_69 = arith.constant 0 : i32
      %scan3A_70 = arith.constant 0 : i32
      %scan3A_71 = arith.constant 0 : i32
      %scan3A_72 = arith.constant 0 : i32
      %scan3A_73 = arith.constant 51 : i32
      %scan3A_74 = arith.addi %scan3A_72, %scan3A_73 : i32
      %scan3A_75 = arith.constant 1 : i32
      %scan3A_76:5 = scf.for %scan3A_130 = %scan3A_72 to %scan3A_74 step %scan3A_75 iter_args(%scan3A_131 = %select_n3A_68, %scan3A_132 = %scan3A, %scan3A_133 = %scan3A_69, %scan3A_134 = %scan3A_70, %scan3A_135 = %scan3A_71) -> (i32, i32, i32, i32, i32)  : i32 {
        %eq3A_136 = arith.constant 0 : i32
        %eq3A_137 = arith.cmpi eq, %scan3A_130, %eq3A_136 : i32
        %eq3A_138 = arith.constant 50 : i32
        %eq3A_139 = arith.cmpi eq, %scan3A_130, %eq3A_138 : i32
        %add3A_140 = arith.addi %scan3A_135, %mul3A_6 : i32
        %sub3A_141 = arith.constant 1 : i32
        %sub3A_142 = arith.subi %scan3A_135, %sub3A_141 : i32
        %select_n3A_143 = arith.constant true
        %select_n3A_144 = arith.select %select_n3A_143, %sub3A_142, %scan3A_135 : i32
        %eq3A_145 = arith.constant -1 : i32
        %eq3A_146 = arith.cmpi eq, %select_n3A_144, %eq3A_145 : i32
        %select_n3A_147 = arith.constant 50 : i32
        %select_n3A_148 = arith.select %eq3A_146, %select_n3A_147, %select_n3A_144 : i32
        %add3A_149 = arith.addi %select_n3A_148, %mul3A_6 : i32
        %add3A_150 = arith.constant 1 : i32
        %add3A_151 = arith.addi %scan3A_135, %add3A_150 : i32
        %select_n3A_152 = arith.constant true
        %select_n3A_153 = arith.select %select_n3A_152, %add3A_151, %scan3A_135 : i32
        %eq3A_154 = arith.constant 51 : i32
        %eq3A_155 = arith.cmpi eq, %select_n3A_153, %eq3A_154 : i32
        %select_n3A_156 = arith.constant 0 : i32
        %select_n3A_157 = arith.select %eq3A_155, %select_n3A_156, %select_n3A_153 : i32
        %add3A_158 = arith.addi %select_n3A_157, %mul3A_6 : i32
        %add3A_159 = arith.constant 1 : i32
        %add3A_160 = arith.addi %select_n3A_157, %add3A_159 : i32
        %select_n3A_161 = arith.constant true
        %select_n3A_162 = arith.select %select_n3A_161, %add3A_160, %select_n3A_157 : i32
        %eq3A_163 = arith.constant 51 : i32
        %eq3A_164 = arith.cmpi eq, %select_n3A_162, %eq3A_163 : i32
        %select_n3A_165 = arith.constant 0 : i32
        %select_n3A_166 = arith.select %eq3A_164, %select_n3A_165, %select_n3A_162 : i32
        %add3A_167 = arith.addi %select_n3A_166, %mul3A_6 : i32
        %ne3A = arith.cmpi ne, %add3A_140, %add3A_158 : i32
        %or3A = arith.constant false
        %or3A_168 = arith.ori %or3A, %ne3A : i1
        %ge3A = arith.constant 50 : i32
        %ge3A_169 = arith.cmpi sge, %scan3A_130, %ge3A : i32
        %not3A = arith.constant true
        %not3A_170 = arith.xori %ge3A_169, %not3A : i1
        %and3A = arith.andi %or3A_168, %not3A_170 : i1
        %convert_element_type3A = arith.extui %and3A : i1 to i32
        %cond3A = arith.constant 0 : i32
        %cond3A_171 = arith.cmpi ne, %convert_element_type3A, %cond3A : i32
        scf.if %cond3A_171 {
          "tpu.trace_start"() <{level = 10 : i32, message = "ep_copy_in"}> : () -> ()
          %rem3A_273 = arith.constant 2 : i32
          %rem3A_274 = arith.remui %scan3A_131, %rem3A_273 : i32
          %mul3A_275 = arith.constant 128 : i32
          %mul3A_276 = arith.muli %mul3A_275, %add3A_158 : i32
          %dma_start3A_277 = arith.constant 0 : i32
          %dma_start3A_278 = arith.constant 0 : i32
          %dma_start3A_279 = tpu.memref_slice %run_scoped3A[%rem3A_274, %dma_start3A_277, %dma_start3A_278] : memref<2x1x128xi32, #tpu.memory_space<vmem>> -> memref<1x1x128xi32, #tpu.memory_space<vmem>>
          %dma_start3A_280 = tpu.memref_squeeze %dma_start3A_279 : memref<1x1x128xi32, #tpu.memory_space<vmem>> -> memref<1x128xi32, #tpu.memory_space<vmem>>
          %dma_start3A_281 = arith.constant 0 : i32
          %dma_start3A_282 = tpu.memref_slice %arg3[%dma_start3A_281, %mul3A_276] : memref<1x208896xi32, #tpu.memory_space<hbm>> -> memref<1x128xi32, #tpu.memory_space<hbm>>
          %dma_start3A_283 = tpu.memref_slice %run_scoped3A_16[%rem3A_274] : memref<2x!tpu.dma_semaphore, #tpu.memory_space<semaphore_mem>> -> memref<1x!tpu.dma_semaphore, #tpu.memory_space<semaphore_mem>>
          %dma_start3A_284 = tpu.memref_squeeze %dma_start3A_283 : memref<1x!tpu.dma_semaphore, #tpu.memory_space<semaphore_mem>> -> memref<!tpu.dma_semaphore, #tpu.memory_space<semaphore_mem>>
          %dma_start3A_285 = arith.constant 0 : i32
          %dma_start3A_286 = arith.constant 0 : i32
          %dma_start3A_287 = tpu.memref_slice %run_scoped3A[%rem3A_274, %dma_start3A_285, %dma_start3A_286] : memref<2x1x128xi32, #tpu.memory_space<vmem>> -> memref<1x1x128xi32, #tpu.memory_space<vmem>>
          %dma_start3A_288 = tpu.memref_squeeze %dma_start3A_287 : memref<1x1x128xi32, #tpu.memory_space<vmem>> -> memref<1x128xi32, #tpu.memory_space<vmem>>
          %dma_start3A_289 = arith.constant 0 : i32
          %dma_start3A_290 = tpu.memref_slice %arg3[%dma_start3A_289, %mul3A_276] : memref<1x208896xi32, #tpu.memory_space<hbm>> -> memref<1x128xi32, #tpu.memory_space<hbm>>
          tpu.enqueue_dma source(%dma_start3A_290 : memref<1x128xi32, #tpu.memory_space<hbm>>) target(%dma_start3A_288 : memref<1x128xi32, #tpu.memory_space<vmem>>) target_semaphore(%dma_start3A_284 : memref<!tpu.dma_semaphore, #tpu.memory_space<semaphore_mem>>)
          "tpu.trace_stop"() : () -> ()
        } else {
        }
        %and3A_172 = arith.constant true
        %and3A_173 = arith.andi %and3A, %and3A_172 : i1
        %add3A_174 = arith.constant 1 : i32
        %add3A_175 = arith.addi %scan3A_131, %add3A_174 : i32
        %select_n3A_176 = arith.select %and3A_173, %add3A_175, %scan3A_131 : i32
        %ne3A_177 = arith.cmpi ne, %add3A_140, %add3A_158 : i32
        %or3A_178 = arith.constant false
        %or3A_179 = arith.ori %or3A_178, %ne3A_177 : i1
        %or3A_180 = arith.constant false
        %or3A_181 = arith.ori %or3A_179, %or3A_180 : i1
        %ge3A_182 = arith.constant 50 : i32
        %ge3A_183 = arith.cmpi sge, %scan3A_130, %ge3A_182 : i32
        %not3A_184 = arith.constant true
        %not3A_185 = arith.xori %ge3A_183, %not3A_184 : i1
        %and3A_186 = arith.andi %or3A_181, %not3A_185 : i1
        %ne3A_187 = arith.cmpi ne, %add3A_140, %add3A_149 : i32
        %or3A_188 = arith.constant false
        %or3A_189 = arith.ori %or3A_188, %ne3A_187 : i1
        %or3A_190 = arith.ori %or3A_189, %eq3A_137 : i1
        %convert_element_type3A_191 = arith.extui %or3A_190 : i1 to i32
        %cond3A_192 = arith.constant 0 : i32
        %cond3A_193 = arith.cmpi ne, %convert_element_type3A_191, %cond3A_192 : i32
        scf.if %cond3A_193 {
          "tpu.trace_start"() <{level = 10 : i32, message = "ep_wait_in"}> : () -> ()
          %mul3A_273 = arith.constant 128 : i32
          %mul3A_274 = arith.muli %mul3A_273, %add3A_140 : i32
          %rem3A_275 = arith.constant 2 : i32
          %rem3A_276 = arith.remui %scan3A_132, %rem3A_275 : i32
          %dma_wait3A_277 = arith.constant 0 : i32
          %dma_wait3A_278 = arith.constant 0 : i32
          %dma_wait3A_279 = tpu.memref_slice %run_scoped3A[%rem3A_276, %dma_wait3A_277, %dma_wait3A_278] : memref<2x1x128xi32, #tpu.memory_space<vmem>> -> memref<1x1x128xi32, #tpu.memory_space<vmem>>
          %dma_wait3A_280 = tpu.memref_squeeze %dma_wait3A_279 : memref<1x1x128xi32, #tpu.memory_space<vmem>> -> memref<1x128xi32, #tpu.memory_space<vmem>>
          %dma_wait3A_281 = arith.constant 0 : i32
          %dma_wait3A_282 = tpu.memref_slice %arg3[%dma_wait3A_281, %mul3A_274] : memref<1x208896xi32, #tpu.memory_space<hbm>> -> memref<1x128xi32, #tpu.memory_space<hbm>>
          %dma_wait3A_283 = tpu.memref_slice %run_scoped3A_16[%rem3A_276] : memref<2x!tpu.dma_semaphore, #tpu.memory_space<semaphore_mem>> -> memref<1x!tpu.dma_semaphore, #tpu.memory_space<semaphore_mem>>
          %dma_wait3A_284 = tpu.memref_squeeze %dma_wait3A_283 : memref<1x!tpu.dma_semaphore, #tpu.memory_space<semaphore_mem>> -> memref<!tpu.dma_semaphore, #tpu.memory_space<semaphore_mem>>
          %dma_wait3A_285 = arith.constant 0 : i32
          %dma_wait3A_286 = arith.constant 0 : i32
          %dma_wait3A_287 = tpu.memref_slice %run_scoped3A[%rem3A_276, %dma_wait3A_285, %dma_wait3A_286] : memref<2x1x128xi32, #tpu.memory_space<vmem>> -> memref<1x1x128xi32, #tpu.memory_space<vmem>>
          %dma_wait3A_288 = tpu.memref_squeeze %dma_wait3A_287 : memref<1x1x128xi32, #tpu.memory_space<vmem>> -> memref<1x128xi32, #tpu.memory_space<vmem>>
          %dma_wait3A_289 = arith.constant 0 : i32
          %dma_wait3A_290 = tpu.memref_slice %arg3[%dma_wait3A_289, %mul3A_274] : memref<1x208896xi32, #tpu.memory_space<hbm>> -> memref<1x128xi32, #tpu.memory_space<hbm>>
          tpu.wait_dma2 semaphore(%dma_wait3A_284 : memref<!tpu.dma_semaphore, #tpu.memory_space<semaphore_mem>>) src(%dma_wait3A_290 : memref<1x128xi32, #tpu.memory_space<hbm>>) dst(%dma_wait3A_288 : memref<1x128xi32, #tpu.memory_space<vmem>>)
          "tpu.trace_stop"() : () -> ()
        } else {
        }
        %ne3A_194 = arith.cmpi ne, %add3A_140, %add3A_149 : i32
        %or3A_195 = arith.constant false
        %or3A_196 = arith.ori %or3A_195, %ne3A_194 : i1
        %or3A_197 = arith.constant false
        %or3A_198 = arith.ori %or3A_196, %or3A_197 : i1
        %or3A_199 = arith.ori %or3A_198, %eq3A_137 : i1
        %convert_element_type3A_200 = arith.extui %or3A_199 : i1 to i32
        %cond3A_201 = arith.constant 0 : i32
        %cond3A_202 = arith.cmpi ne, %convert_element_type3A_200, %cond3A_201 : i32
        scf.if %cond3A_202 {
        } else {
        }
        %rem3A_203 = arith.constant 2 : i32
        %rem3A_204 = arith.remui %scan3A_132, %rem3A_203 : i32
        %rem3A_205 = arith.constant 2 : i32
        %rem3A_206 = arith.remui %scan3A_133, %rem3A_205 : i32
        %run_scoped3A_207 = arith.constant 0 : i32
        "tpu.trace_start"() <{level = 10 : i32, message = "ep_run_kernel"}> : () -> ()
        "tpu.region"() ({
          %run_scoped3A_273 = tpu.sem_alloc : memref<!tpu.dma_semaphore, #tpu.memory_space<semaphore_mem>>
          %dma_start3A_274 = arith.constant 0 : i32
          %dma_start3A_275 = arith.constant 0 : i32
          %dma_start3A_276 = tpu.memref_slice %run_scoped3A_17[%rem3A_206, %dma_start3A_274, %dma_start3A_275] : memref<2x128x128xf32, #tpu.memory_space<vmem>> -> memref<1x128x128xf32, #tpu.memory_space<vmem>>
          %dma_start3A_277 = tpu.memref_squeeze %dma_start3A_276 : memref<1x128x128xf32, #tpu.memory_space<vmem>> -> memref<128x128xf32, #tpu.memory_space<vmem>>
          %dma_start3A_278 = arith.constant 0 : i32
          %dma_start3A_279 = arith.constant 0 : i32
          %dma_start3A_280 = tpu.memref_slice %run_scoped3A[%rem3A_204, %dma_start3A_278, %dma_start3A_279] : memref<2x1x128xi32, #tpu.memory_space<vmem>> -> memref<1x1x128xi32, #tpu.memory_space<vmem>>
          %dma_start3A_281 = tpu.memref_squeeze %dma_start3A_280 : memref<1x1x128xi32, #tpu.memory_space<vmem>> -> memref<1x128xi32, #tpu.memory_space<vmem>>
          %dma_start3A_282 = arith.constant 0 : i32
          %dma_start3A_283 = tpu.memref_slice %dma_start3A_281[%run_scoped3A_207, %dma_start3A_282] : memref<1x128xi32, #tpu.memory_space<vmem>> -> memref<1x128xi32, #tpu.memory_space<vmem>>
          %dma_start3A_284 = tpu.memref_squeeze %dma_start3A_283 : memref<1x128xi32, #tpu.memory_space<vmem>> -> memref<128xi32, #tpu.memory_space<vmem>>
          %dma_start3A_285 = arith.constant 0 : i32
          %dma_start3A_286 = arith.constant 0 : i32
          %dma_start3A_287 = tpu.memref_slice %arg2[%dma_start3A_285, %dma_start3A_286] : memref<100000x128xf32, #tpu.memory_space<hbm>> -> memref<100000x128xf32, #tpu.memory_space<hbm>>
          tpu.enqueue_indirect_dma source(%dma_start3A_287 : memref<100000x128xf32, #tpu.memory_space<hbm>>) target(%dma_start3A_277 : memref<128x128xf32, #tpu.memory_space<vmem>>) offsets(%dma_start3A_284 : memref<128xi32, #tpu.memory_space<vmem>>) semaphore(%run_scoped3A_273 : memref<!tpu.dma_semaphore, #tpu.memory_space<semaphore_mem>>)
          %dma_wait3A_288 = arith.constant 0 : i32
          %dma_wait3A_289 = arith.constant 0 : i32
          %dma_wait3A_290 = tpu.memref_slice %run_scoped3A_17[%rem3A_206, %dma_wait3A_288, %dma_wait3A_289] : memref<2x128x128xf32, #tpu.memory_space<vmem>> -> memref<1x128x128xf32, #tpu.memory_space<vmem>>
          %dma_wait3A_291 = tpu.memref_squeeze %dma_wait3A_290 : memref<1x128x128xf32, #tpu.memory_space<vmem>> -> memref<128x128xf32, #tpu.memory_space<vmem>>
          %dma_wait3A_292 = arith.constant 0 : i32
          %dma_wait3A_293 = arith.constant 0 : i32
          %dma_wait3A_294 = tpu.memref_slice %run_scoped3A[%rem3A_204, %dma_wait3A_292, %dma_wait3A_293] : memref<2x1x128xi32, #tpu.memory_space<vmem>> -> memref<1x1x128xi32, #tpu.memory_space<vmem>>
          %dma_wait3A_295 = tpu.memref_squeeze %dma_wait3A_294 : memref<1x1x128xi32, #tpu.memory_space<vmem>> -> memref<1x128xi32, #tpu.memory_space<vmem>>
          %dma_wait3A_296 = arith.constant 0 : i32
          %dma_wait3A_297 = tpu.memref_slice %dma_wait3A_295[%run_scoped3A_207, %dma_wait3A_296] : memref<1x128xi32, #tpu.memory_space<vmem>> -> memref<1x128xi32, #tpu.memory_space<vmem>>
          %dma_wait3A_298 = tpu.memref_squeeze %dma_wait3A_297 : memref<1x128xi32, #tpu.memory_space<vmem>> -> memref<128xi32, #tpu.memory_space<vmem>>
          %dma_wait3A_299 = arith.constant 0 : i32
          %dma_wait3A_300 = arith.constant 0 : i32
          %dma_wait3A_301 = tpu.memref_slice %arg2[%dma_wait3A_299, %dma_wait3A_300] : memref<100000x128xf32, #tpu.memory_space<hbm>> -> memref<100000x128xf32, #tpu.memory_space<hbm>>
          tpu.wait_indirect_dma semaphore(%run_scoped3A_273 : memref<!tpu.dma_semaphore, #tpu.memory_space<semaphore_mem>>) src(%dma_wait3A_301 : memref<100000x128xf32, #tpu.memory_space<hbm>>) dst(%dma_wait3A_291 : memref<128x128xf32, #tpu.memory_space<vmem>>)
          tpu.yield
        }) : () -> ()
        "tpu.trace_stop"() : () -> ()
        %ne3A_208 = arith.cmpi ne, %add3A_140, %add3A_158 : i32
        %or3A_209 = arith.constant false
        %or3A_210 = arith.ori %or3A_209, %ne3A_208 : i1
        %or3A_211 = arith.ori %or3A_210, %eq3A_139 : i1
        %convert_element_type3A_212 = arith.extui %or3A_211 : i1 to i32
        %cond3A_213 = arith.constant 0 : i32
        %cond3A_214 = arith.cmpi ne, %convert_element_type3A_212, %cond3A_213 : i32
        scf.if %cond3A_214 {
        } else {
        }
        %and3A_215 = arith.constant false
        %and3A_216 = arith.andi %or3A_211, %and3A_215 : i1
        %ne3A_217 = arith.cmpi ne, %add3A_140, %add3A_158 : i32
        %or3A_218 = arith.constant false
        %or3A_219 = arith.ori %or3A_218, %ne3A_217 : i1
        %or3A_220 = arith.constant false
        %or3A_221 = arith.ori %or3A_219, %or3A_220 : i1
        %or3A_222 = arith.ori %or3A_221, %eq3A_139 : i1
        %convert_element_type3A_223 = arith.extui %or3A_222 : i1 to i32
        %cond3A_224 = arith.constant 0 : i32
        %cond3A_225 = arith.cmpi ne, %convert_element_type3A_223, %cond3A_224 : i32
        scf.if %cond3A_225 {
          "tpu.trace_start"() <{level = 10 : i32, message = "ep_copy_out"}> : () -> ()
          %rem3A_273 = arith.constant 2 : i32
          %rem3A_274 = arith.remui %scan3A_133, %rem3A_273 : i32
          %mul3A_275 = arith.constant 128 : i32
          %mul3A_276 = arith.muli %mul3A_275, %add3A_140 : i32
          %dma_start3A_277 = arith.constant 0 : i32
          %dma_start3A_278 = arith.constant 0 : i32
          %dma_start3A_279 = tpu.memref_slice %run_scoped3A_17[%rem3A_274, %dma_start3A_277, %dma_start3A_278] : memref<2x128x128xf32, #tpu.memory_space<vmem>> -> memref<1x128x128xf32, #tpu.memory_space<vmem>>
          %dma_start3A_280 = tpu.memref_squeeze %dma_start3A_279 : memref<1x128x128xf32, #tpu.memory_space<vmem>> -> memref<128x128xf32, #tpu.memory_space<vmem>>
          %dma_start3A_281 = arith.constant 0 : i32
          %dma_start3A_282 = tpu.memref_slice %arg6[%mul3A_276, %dma_start3A_281] : memref<208896x128xf32, #tpu.memory_space<hbm>> -> memref<128x128xf32, #tpu.memory_space<hbm>>
          %dma_start3A_283 = tpu.memref_slice %run_scoped3A_18[%rem3A_274] : memref<2x!tpu.dma_semaphore, #tpu.memory_space<semaphore_mem>> -> memref<1x!tpu.dma_semaphore, #tpu.memory_space<semaphore_mem>>
          %dma_start3A_284 = tpu.memref_squeeze %dma_start3A_283 : memref<1x!tpu.dma_semaphore, #tpu.memory_space<semaphore_mem>> -> memref<!tpu.dma_semaphore, #tpu.memory_space<semaphore_mem>>
          %dma_start3A_285 = arith.constant 0 : i32
          %dma_start3A_286 = tpu.memref_slice %arg6[%mul3A_276, %dma_start3A_285] : memref<208896x128xf32, #tpu.memory_space<hbm>> -> memref<128x128xf32, #tpu.memory_space<hbm>>
          %dma_start3A_287 = arith.constant 0 : i32
          %dma_start3A_288 = arith.constant 0 : i32
          %dma_start3A_289 = tpu.memref_slice %run_scoped3A_17[%rem3A_274, %dma_start3A_287, %dma_start3A_288] : memref<2x128x128xf32, #tpu.memory_space<vmem>> -> memref<1x128x128xf32, #tpu.memory_space<vmem>>
          %dma_start3A_290 = tpu.memref_squeeze %dma_start3A_289 : memref<1x128x128xf32, #tpu.memory_space<vmem>> -> memref<128x128xf32, #tpu.memory_space<vmem>>
          tpu.enqueue_dma source(%dma_start3A_290 : memref<128x128xf32, #tpu.memory_space<vmem>>) target(%dma_start3A_286 : memref<128x128xf32, #tpu.memory_space<hbm>>) target_semaphore(%dma_start3A_284 : memref<!tpu.dma_semaphore, #tpu.memory_space<semaphore_mem>>)
          "tpu.trace_stop"() : () -> ()
        } else {
        }
        %and3A_226 = arith.constant true
        %and3A_227 = arith.andi %or3A_222, %and3A_226 : i1
        %add3A_228 = arith.constant 1 : i32
        %add3A_229 = arith.addi %scan3A_133, %add3A_228 : i32
        %select_n3A_230 = arith.select %and3A_227, %add3A_229, %scan3A_133 : i32
        %ne3A_231 = arith.cmpi ne, %add3A_140, %add3A_149 : i32
        %or3A_232 = arith.constant false
        %or3A_233 = arith.ori %or3A_232, %ne3A_231 : i1
        %not3A_234 = arith.constant true
        %not3A_235 = arith.xori %eq3A_137, %not3A_234 : i1
        %and3A_236 = arith.andi %or3A_233, %not3A_235 : i1
        %convert_element_type3A_237 = arith.extui %and3A_236 : i1 to i32
        %cond3A_238 = arith.constant 0 : i32
        %cond3A_239 = arith.cmpi ne, %convert_element_type3A_237, %cond3A_238 : i32
        scf.if %cond3A_239 {
        } else {
        }
        %and3A_240 = arith.constant false
        %and3A_241 = arith.andi %and3A_236, %and3A_240 : i1
        %ne3A_242 = arith.cmpi ne, %add3A_140, %add3A_149 : i32
        %or3A_243 = arith.constant false
        %or3A_244 = arith.ori %or3A_243, %ne3A_242 : i1
        %or3A_245 = arith.constant false
        %or3A_246 = arith.ori %or3A_244, %or3A_245 : i1
        %not3A_247 = arith.constant true
        %not3A_248 = arith.xori %eq3A_137, %not3A_247 : i1
        %and3A_249 = arith.andi %or3A_246, %not3A_248 : i1
        %convert_element_type3A_250 = arith.extui %and3A_249 : i1 to i32
        %cond3A_251 = arith.constant 0 : i32
        %cond3A_252 = arith.cmpi ne, %convert_element_type3A_250, %cond3A_251 : i32
        scf.if %cond3A_252 {
          "tpu.trace_start"() <{level = 10 : i32, message = "ep_wait_out"}> : () -> ()
          %rem3A_273 = arith.constant 2 : i32
          %rem3A_274 = arith.remui %scan3A_134, %rem3A_273 : i32
          %mul3A_275 = arith.constant 128 : i32
          %mul3A_276 = arith.muli %mul3A_275, %add3A_149 : i32
          %dma_wait3A_277 = arith.constant 0 : i32
          %dma_wait3A_278 = arith.constant 0 : i32
          %dma_wait3A_279 = tpu.memref_slice %run_scoped3A_17[%rem3A_274, %dma_wait3A_277, %dma_wait3A_278] : memref<2x128x128xf32, #tpu.memory_space<vmem>> -> memref<1x128x128xf32, #tpu.memory_space<vmem>>
          %dma_wait3A_280 = tpu.memref_squeeze %dma_wait3A_279 : memref<1x128x128xf32, #tpu.memory_space<vmem>> -> memref<128x128xf32, #tpu.memory_space<vmem>>
          %dma_wait3A_281 = arith.constant 0 : i32
          %dma_wait3A_282 = tpu.memref_slice %arg6[%mul3A_276, %dma_wait3A_281] : memref<208896x128xf32, #tpu.memory_space<hbm>> -> memref<128x128xf32, #tpu.memory_space<hbm>>
          %dma_wait3A_283 = tpu.memref_slice %run_scoped3A_18[%rem3A_274] : memref<2x!tpu.dma_semaphore, #tpu.memory_space<semaphore_mem>> -> memref<1x!tpu.dma_semaphore, #tpu.memory_space<semaphore_mem>>
          %dma_wait3A_284 = tpu.memref_squeeze %dma_wait3A_283 : memref<1x!tpu.dma_semaphore, #tpu.memory_space<semaphore_mem>> -> memref<!tpu.dma_semaphore, #tpu.memory_space<semaphore_mem>>
          %dma_wait3A_285 = arith.constant 0 : i32
          %dma_wait3A_286 = tpu.memref_slice %arg6[%mul3A_276, %dma_wait3A_285] : memref<208896x128xf32, #tpu.memory_space<hbm>> -> memref<128x128xf32, #tpu.memory_space<hbm>>
          %dma_wait3A_287 = arith.constant 0 : i32
          %dma_wait3A_288 = arith.constant 0 : i32
          %dma_wait3A_289 = tpu.memref_slice %run_scoped3A_17[%rem3A_274, %dma_wait3A_287, %dma_wait3A_288] : memref<2x128x128xf32, #tpu.memory_space<vmem>> -> memref<1x128x128xf32, #tpu.memory_space<vmem>>
          %dma_wait3A_290 = tpu.memref_squeeze %dma_wait3A_289 : memref<1x128x128xf32, #tpu.memory_space<vmem>> -> memref<128x128xf32, #tpu.memory_space<vmem>>
          tpu.wait_dma2 semaphore(%dma_wait3A_284 : memref<!tpu.dma_semaphore, #tpu.memory_space<semaphore_mem>>) src(%dma_wait3A_290 : memref<128x128xf32, #tpu.memory_space<vmem>>) dst(%dma_wait3A_286 : memref<128x128xf32, #tpu.memory_space<hbm>>)
          "tpu.trace_stop"() : () -> ()
        } else {
        }
        %and3A_253 = arith.constant true
        %and3A_254 = arith.andi %and3A_249, %and3A_253 : i1
        %add3A_255 = arith.constant 1 : i32
        %add3A_256 = arith.addi %scan3A_134, %add3A_255 : i32
        %select_n3A_257 = arith.select %and3A_254, %add3A_256, %scan3A_134 : i32
        %ne3A_258 = arith.cmpi ne, %add3A_140, %add3A_158 : i32
        %or3A_259 = arith.constant false
        %or3A_260 = arith.ori %or3A_259, %ne3A_258 : i1
        %or3A_261 = arith.ori %or3A_260, %eq3A_139 : i1
        %add3A_262 = arith.constant 1 : i32
        %add3A_263 = arith.addi %scan3A_132, %add3A_262 : i32
        %select_n3A_264 = arith.select %or3A_261, %add3A_263, %scan3A_132 : i32
        %add3A_265 = arith.constant 1 : i32
        %add3A_266 = arith.addi %scan3A_135, %add3A_265 : i32
        %select_n3A_267 = arith.constant true
        %select_n3A_268 = arith.select %select_n3A_267, %add3A_266, %scan3A_135 : i32
        %eq3A_269 = arith.constant 51 : i32
        %eq3A_270 = arith.cmpi eq, %select_n3A_268, %eq3A_269 : i32
        %select_n3A_271 = arith.constant 0 : i32
        %select_n3A_272 = arith.select %eq3A_270, %select_n3A_271, %select_n3A_268 : i32
        scf.yield %select_n3A_176, %select_n3A_264, %select_n3A_230, %select_n3A_257, %select_n3A_272 : i32, i32, i32, i32, i32
      }
      %scan3A_77 = arith.constant 51 : i32
      %sub3A = arith.constant 1 : i32
      %sub3A_78 = arith.subi %scan3A_76#4, %sub3A : i32
      %select_n3A_79 = arith.constant true
      %select_n3A_80 = arith.select %select_n3A_79, %sub3A_78, %scan3A_76#4 : i32
      %eq3A_81 = arith.constant -1 : i32
      %eq3A_82 = arith.cmpi eq, %select_n3A_80, %eq3A_81 : i32
      %select_n3A_83 = arith.constant 50 : i32
      %select_n3A_84 = arith.select %eq3A_82, %select_n3A_83, %select_n3A_80 : i32
      %add3A_85 = arith.addi %select_n3A_84, %mul3A_6 : i32
      %sub3A_86 = arith.constant 1 : i32
      %sub3A_87 = arith.subi %select_n3A_84, %sub3A_86 : i32
      %select_n3A_88 = arith.constant true
      %select_n3A_89 = arith.select %select_n3A_88, %sub3A_87, %select_n3A_84 : i32
      %eq3A_90 = arith.constant -1 : i32
      %eq3A_91 = arith.cmpi eq, %select_n3A_89, %eq3A_90 : i32
      %select_n3A_92 = arith.constant 50 : i32
      %select_n3A_93 = arith.select %eq3A_91, %select_n3A_92, %select_n3A_89 : i32
      %add3A_94 = arith.addi %select_n3A_93, %mul3A_6 : i32
      %add3A_95 = arith.constant 1 : i32
      %add3A_96 = arith.addi %select_n3A_84, %add3A_95 : i32
      %select_n3A_97 = arith.constant true
      %select_n3A_98 = arith.select %select_n3A_97, %add3A_96, %select_n3A_84 : i32
      %eq3A_99 = arith.constant 51 : i32
      %eq3A_100 = arith.cmpi eq, %select_n3A_98, %eq3A_99 : i32
      %select_n3A_101 = arith.constant 0 : i32
      %select_n3A_102 = arith.select %eq3A_100, %select_n3A_101, %select_n3A_98 : i32
      %add3A_103 = arith.addi %select_n3A_102, %mul3A_6 : i32
      %add3A_104 = arith.constant 1 : i32
      %add3A_105 = arith.addi %select_n3A_102, %add3A_104 : i32
      %select_n3A_106 = arith.constant true
      %select_n3A_107 = arith.select %select_n3A_106, %add3A_105, %select_n3A_102 : i32
      %eq3A_108 = arith.constant 51 : i32
      %eq3A_109 = arith.cmpi eq, %select_n3A_107, %eq3A_108 : i32
      %select_n3A_110 = arith.constant 0 : i32
      %select_n3A_111 = arith.select %eq3A_109, %select_n3A_110, %select_n3A_107 : i32
      %add3A_112 = arith.addi %select_n3A_111, %mul3A_6 : i32
      "tpu.trace_start"() <{level = 10 : i32, message = "ep_finalize"}> : () -> ()
      %rem3A_113 = arith.constant 2 : i32
      %rem3A_114 = arith.remui %scan3A_76#3, %rem3A_113 : i32
      %mul3A_115 = arith.constant 128 : i32
      %mul3A_116 = arith.muli %mul3A_115, %add3A_85 : i32
      %dma_wait3A = arith.constant 0 : i32
      %dma_wait3A_117 = arith.constant 0 : i32
      %dma_wait3A_118 = tpu.memref_slice %run_scoped3A_17[%rem3A_114, %dma_wait3A, %dma_wait3A_117] : memref<2x128x128xf32, #tpu.memory_space<vmem>> -> memref<1x128x128xf32, #tpu.memory_space<vmem>>
      %dma_wait3A_119 = tpu.memref_squeeze %dma_wait3A_118 : memref<1x128x128xf32, #tpu.memory_space<vmem>> -> memref<128x128xf32, #tpu.memory_space<vmem>>
      %dma_wait3A_120 = arith.constant 0 : i32
      %dma_wait3A_121 = tpu.memref_slice %arg6[%mul3A_116, %dma_wait3A_120] : memref<208896x128xf32, #tpu.memory_space<hbm>> -> memref<128x128xf32, #tpu.memory_space<hbm>>
      %dma_wait3A_122 = tpu.memref_slice %run_scoped3A_18[%rem3A_114] : memref<2x!tpu.dma_semaphore, #tpu.memory_space<semaphore_mem>> -> memref<1x!tpu.dma_semaphore, #tpu.memory_space<semaphore_mem>>
      %dma_wait3A_123 = tpu.memref_squeeze %dma_wait3A_122 : memref<1x!tpu.dma_semaphore, #tpu.memory_space<semaphore_mem>> -> memref<!tpu.dma_semaphore, #tpu.memory_space<semaphore_mem>>
      %dma_wait3A_124 = arith.constant 0 : i32
      %dma_wait3A_125 = tpu.memref_slice %arg6[%mul3A_116, %dma_wait3A_124] : memref<208896x128xf32, #tpu.memory_space<hbm>> -> memref<128x128xf32, #tpu.memory_space<hbm>>
      %dma_wait3A_126 = arith.constant 0 : i32
      %dma_wait3A_127 = arith.constant 0 : i32
      %dma_wait3A_128 = tpu.memref_slice %run_scoped3A_17[%rem3A_114, %dma_wait3A_126, %dma_wait3A_127] : memref<2x128x128xf32, #tpu.memory_space<vmem>> -> memref<1x128x128xf32, #tpu.memory_space<vmem>>
      %dma_wait3A_129 = tpu.memref_squeeze %dma_wait3A_128 : memref<1x128x128xf32, #tpu.memory_space<vmem>> -> memref<128x128xf32, #tpu.memory_space<vmem>>
      tpu.wait_dma2 semaphore(%dma_wait3A_123 : memref<!tpu.dma_semaphore, #tpu.memory_space<semaphore_mem>>) src(%dma_wait3A_129 : memref<128x128xf32, #tpu.memory_space<vmem>>) dst(%dma_wait3A_125 : memref<128x128xf32, #tpu.memory_space<hbm>>)
      "tpu.trace_stop"() : () -> ()
      tpu.yield
    }) : () -> ()
    %mul3A_7 = arith.constant 1 : i32
    %mul3A_8 = arith.muli %arg1, %mul3A_7 : i32
    %add3A_9 = arith.constant 0 : i32
    %add3A_10 = arith.addi %add3A_9, %mul3A_8 : i32
    %mul3A_11 = arith.constant 16 : i32
    %mul3A_12 = arith.muli %arg0, %mul3A_11 : i32
    %add3A_13 = arith.addi %add3A_10, %mul3A_12 : i32
    %mul3A_14 = arith.constant 2 : i32
    %mul3A_15 = arith.muli %add3A_13, %mul3A_14 : i32
    "tpu.region"() ({
      %run_scoped3A = memref.alloca() : memref<2x1x128xi32, #tpu.memory_space<vmem>>
      %run_scoped3A_16 = tpu.sem_alloc : memref<2x!tpu.dma_semaphore, #tpu.memory_space<semaphore_mem>>
      %run_scoped3A_17 = memref.alloca() : memref<2x128x128xf32, #tpu.memory_space<vmem>>
      %run_scoped3A_18 = tpu.sem_alloc : memref<2x!tpu.dma_semaphore, #tpu.memory_space<semaphore_mem>>
      %add3A_19 = arith.constant 0 : i32
      %add3A_20 = arith.addi %add3A_19, %mul3A_15 : i32
      %select_n3A = arith.constant true
      %select_n3A_21 = arith.constant 0 : i32
      %select_n3A_22 = arith.constant -1 : i32
      %select_n3A_23 = arith.select %select_n3A, %select_n3A_22, %select_n3A_21 : i32
      %eq3A = arith.constant -1 : i32
      %eq3A_24 = arith.cmpi eq, %select_n3A_23, %eq3A : i32
      %select_n3A_25 = arith.constant 1 : i32
      %select_n3A_26 = arith.select %eq3A_24, %select_n3A_25, %select_n3A_23 : i32
      %add3A_27 = arith.addi %select_n3A_26, %mul3A_15 : i32
      %select_n3A_28 = arith.constant true
      %select_n3A_29 = arith.constant 0 : i32
      %select_n3A_30 = arith.constant 1 : i32
      %select_n3A_31 = arith.select %select_n3A_28, %select_n3A_30, %select_n3A_29 : i32
      %eq3A_32 = arith.constant 2 : i32
      %eq3A_33 = arith.cmpi eq, %select_n3A_31, %eq3A_32 : i32
      %select_n3A_34 = arith.constant 0 : i32
      %select_n3A_35 = arith.select %eq3A_33, %select_n3A_34, %select_n3A_31 : i32
      %add3A_36 = arith.addi %select_n3A_35, %mul3A_15 : i32
      %add3A_37 = arith.constant 1 : i32
      %add3A_38 = arith.addi %select_n3A_35, %add3A_37 : i32
      %select_n3A_39 = arith.constant true
      %select_n3A_40 = arith.select %select_n3A_39, %add3A_38, %select_n3A_35 : i32
      %eq3A_41 = arith.constant 2 : i32
      %eq3A_42 = arith.cmpi eq, %select_n3A_40, %eq3A_41 : i32
      %select_n3A_43 = arith.constant 0 : i32
      %select_n3A_44 = arith.select %eq3A_42, %select_n3A_43, %select_n3A_40 : i32
      %add3A_45 = arith.addi %select_n3A_44, %mul3A_15 : i32
      "tpu.trace_start"() <{level = 10 : i32, message = "ep_initialize_0"}> : () -> ()
      %rem3A = arith.constant 0 : i32
      %rem3A_46 = arith.constant 2 : i32
      %rem3A_47 = arith.remui %rem3A, %rem3A_46 : i32
      %mul3A_48 = arith.constant 128 : i32
      %mul3A_49 = arith.muli %mul3A_48, %add3A_20 : i32
      %dma_start3A = arith.constant 0 : i32
      %dma_start3A_50 = arith.constant 0 : i32
      %dma_start3A_51 = tpu.memref_slice %run_scoped3A[%rem3A_47, %dma_start3A, %dma_start3A_50] : memref<2x1x128xi32, #tpu.memory_space<vmem>> -> memref<1x1x128xi32, #tpu.memory_space<vmem>>
      %dma_start3A_52 = tpu.memref_squeeze %dma_start3A_51 : memref<1x1x128xi32, #tpu.memory_space<vmem>> -> memref<1x128xi32, #tpu.memory_space<vmem>>
      %dma_start3A_53 = arith.constant 0 : i32
      %dma_start3A_54 = tpu.memref_slice %arg5[%dma_start3A_53, %mul3A_49] : memref<1x8192xi32, #tpu.memory_space<hbm>> -> memref<1x128xi32, #tpu.memory_space<hbm>>
      %dma_start3A_55 = tpu.memref_slice %run_scoped3A_16[%rem3A_47] : memref<2x!tpu.dma_semaphore, #tpu.memory_space<semaphore_mem>> -> memref<1x!tpu.dma_semaphore, #tpu.memory_space<semaphore_mem>>
      %dma_start3A_56 = tpu.memref_squeeze %dma_start3A_55 : memref<1x!tpu.dma_semaphore, #tpu.memory_space<semaphore_mem>> -> memref<!tpu.dma_semaphore, #tpu.memory_space<semaphore_mem>>
      %dma_start3A_57 = arith.constant 0 : i32
      %dma_start3A_58 = arith.constant 0 : i32
      %dma_start3A_59 = tpu.memref_slice %run_scoped3A[%rem3A_47, %dma_start3A_57, %dma_start3A_58] : memref<2x1x128xi32, #tpu.memory_space<vmem>> -> memref<1x1x128xi32, #tpu.memory_space<vmem>>
      %dma_start3A_60 = tpu.memref_squeeze %dma_start3A_59 : memref<1x1x128xi32, #tpu.memory_space<vmem>> -> memref<1x128xi32, #tpu.memory_space<vmem>>
      %dma_start3A_61 = arith.constant 0 : i32
      %dma_start3A_62 = tpu.memref_slice %arg5[%dma_start3A_61, %mul3A_49] : memref<1x8192xi32, #tpu.memory_space<hbm>> -> memref<1x128xi32, #tpu.memory_space<hbm>>
      tpu.enqueue_dma source(%dma_start3A_62 : memref<1x128xi32, #tpu.memory_space<hbm>>) target(%dma_start3A_60 : memref<1x128xi32, #tpu.memory_space<vmem>>) target_semaphore(%dma_start3A_56 : memref<!tpu.dma_semaphore, #tpu.memory_space<semaphore_mem>>)
      %add3A_63 = arith.constant 0 : i32
      %add3A_64 = arith.constant 1 : i32
      %add3A_65 = arith.addi %add3A_63, %add3A_64 : i32
      %select_n3A_66 = arith.constant true
      %select_n3A_67 = arith.constant 0 : i32
      %select_n3A_68 = arith.select %select_n3A_66, %add3A_65, %select_n3A_67 : i32
      "tpu.trace_stop"() : () -> ()
      %scan3A = arith.constant 0 : i32
      %scan3A_69 = arith.constant 0 : i32
      %scan3A_70 = arith.constant 0 : i32
      %scan3A_71 = arith.constant 0 : i32
      %scan3A_72 = arith.constant 0 : i32
      %scan3A_73 = arith.constant 2 : i32
      %scan3A_74 = arith.addi %scan3A_72, %scan3A_73 : i32
      %scan3A_75 = arith.constant 1 : i32
      %scan3A_76:5 = scf.for %scan3A_130 = %scan3A_72 to %scan3A_74 step %scan3A_75 iter_args(%scan3A_131 = %select_n3A_68, %scan3A_132 = %scan3A, %scan3A_133 = %scan3A_69, %scan3A_134 = %scan3A_70, %scan3A_135 = %scan3A_71) -> (i32, i32, i32, i32, i32)  : i32 {
        %eq3A_136 = arith.constant 0 : i32
        %eq3A_137 = arith.cmpi eq, %scan3A_130, %eq3A_136 : i32
        %eq3A_138 = arith.constant 1 : i32
        %eq3A_139 = arith.cmpi eq, %scan3A_130, %eq3A_138 : i32
        %add3A_140 = arith.addi %scan3A_135, %mul3A_15 : i32
        %sub3A_141 = arith.constant 1 : i32
        %sub3A_142 = arith.subi %scan3A_135, %sub3A_141 : i32
        %select_n3A_143 = arith.constant true
        %select_n3A_144 = arith.select %select_n3A_143, %sub3A_142, %scan3A_135 : i32
        %eq3A_145 = arith.constant -1 : i32
        %eq3A_146 = arith.cmpi eq, %select_n3A_144, %eq3A_145 : i32
        %select_n3A_147 = arith.constant 1 : i32
        %select_n3A_148 = arith.select %eq3A_146, %select_n3A_147, %select_n3A_144 : i32
        %add3A_149 = arith.addi %select_n3A_148, %mul3A_15 : i32
        %add3A_150 = arith.constant 1 : i32
        %add3A_151 = arith.addi %scan3A_135, %add3A_150 : i32
        %select_n3A_152 = arith.constant true
        %select_n3A_153 = arith.select %select_n3A_152, %add3A_151, %scan3A_135 : i32
        %eq3A_154 = arith.constant 2 : i32
        %eq3A_155 = arith.cmpi eq, %select_n3A_153, %eq3A_154 : i32
        %select_n3A_156 = arith.constant 0 : i32
        %select_n3A_157 = arith.select %eq3A_155, %select_n3A_156, %select_n3A_153 : i32
        %add3A_158 = arith.addi %select_n3A_157, %mul3A_15 : i32
        %add3A_159 = arith.constant 1 : i32
        %add3A_160 = arith.addi %select_n3A_157, %add3A_159 : i32
        %select_n3A_161 = arith.constant true
        %select_n3A_162 = arith.select %select_n3A_161, %add3A_160, %select_n3A_157 : i32
        %eq3A_163 = arith.constant 2 : i32
        %eq3A_164 = arith.cmpi eq, %select_n3A_162, %eq3A_163 : i32
        %select_n3A_165 = arith.constant 0 : i32
        %select_n3A_166 = arith.select %eq3A_164, %select_n3A_165, %select_n3A_162 : i32
        %add3A_167 = arith.addi %select_n3A_166, %mul3A_15 : i32
        %ne3A = arith.cmpi ne, %add3A_140, %add3A_158 : i32
        %or3A = arith.constant false
        %or3A_168 = arith.ori %or3A, %ne3A : i1
        %ge3A = arith.constant 1 : i32
        %ge3A_169 = arith.cmpi sge, %scan3A_130, %ge3A : i32
        %not3A = arith.constant true
        %not3A_170 = arith.xori %ge3A_169, %not3A : i1
        %and3A = arith.andi %or3A_168, %not3A_170 : i1
        %convert_element_type3A = arith.extui %and3A : i1 to i32
        %cond3A = arith.constant 0 : i32
        %cond3A_171 = arith.cmpi ne, %convert_element_type3A, %cond3A : i32
        scf.if %cond3A_171 {
          "tpu.trace_start"() <{level = 10 : i32, message = "ep_copy_in"}> : () -> ()
          %rem3A_273 = arith.constant 2 : i32
          %rem3A_274 = arith.remui %scan3A_131, %rem3A_273 : i32
          %mul3A_275 = arith.constant 128 : i32
          %mul3A_276 = arith.muli %mul3A_275, %add3A_158 : i32
          %dma_start3A_277 = arith.constant 0 : i32
          %dma_start3A_278 = arith.constant 0 : i32
          %dma_start3A_279 = tpu.memref_slice %run_scoped3A[%rem3A_274, %dma_start3A_277, %dma_start3A_278] : memref<2x1x128xi32, #tpu.memory_space<vmem>> -> memref<1x1x128xi32, #tpu.memory_space<vmem>>
          %dma_start3A_280 = tpu.memref_squeeze %dma_start3A_279 : memref<1x1x128xi32, #tpu.memory_space<vmem>> -> memref<1x128xi32, #tpu.memory_space<vmem>>
          %dma_start3A_281 = arith.constant 0 : i32
          %dma_start3A_282 = tpu.memref_slice %arg5[%dma_start3A_281, %mul3A_276] : memref<1x8192xi32, #tpu.memory_space<hbm>> -> memref<1x128xi32, #tpu.memory_space<hbm>>
          %dma_start3A_283 = tpu.memref_slice %run_scoped3A_16[%rem3A_274] : memref<2x!tpu.dma_semaphore, #tpu.memory_space<semaphore_mem>> -> memref<1x!tpu.dma_semaphore, #tpu.memory_space<semaphore_mem>>
          %dma_start3A_284 = tpu.memref_squeeze %dma_start3A_283 : memref<1x!tpu.dma_semaphore, #tpu.memory_space<semaphore_mem>> -> memref<!tpu.dma_semaphore, #tpu.memory_space<semaphore_mem>>
          %dma_start3A_285 = arith.constant 0 : i32
          %dma_start3A_286 = arith.constant 0 : i32
          %dma_start3A_287 = tpu.memref_slice %run_scoped3A[%rem3A_274, %dma_start3A_285, %dma_start3A_286] : memref<2x1x128xi32, #tpu.memory_space<vmem>> -> memref<1x1x128xi32, #tpu.memory_space<vmem>>
          %dma_start3A_288 = tpu.memref_squeeze %dma_start3A_287 : memref<1x1x128xi32, #tpu.memory_space<vmem>> -> memref<1x128xi32, #tpu.memory_space<vmem>>
          %dma_start3A_289 = arith.constant 0 : i32
          %dma_start3A_290 = tpu.memref_slice %arg5[%dma_start3A_289, %mul3A_276] : memref<1x8192xi32, #tpu.memory_space<hbm>> -> memref<1x128xi32, #tpu.memory_space<hbm>>
          tpu.enqueue_dma source(%dma_start3A_290 : memref<1x128xi32, #tpu.memory_space<hbm>>) target(%dma_start3A_288 : memref<1x128xi32, #tpu.memory_space<vmem>>) target_semaphore(%dma_start3A_284 : memref<!tpu.dma_semaphore, #tpu.memory_space<semaphore_mem>>)
          "tpu.trace_stop"() : () -> ()
        } else {
        }
        %and3A_172 = arith.constant true
        %and3A_173 = arith.andi %and3A, %and3A_172 : i1
        %add3A_174 = arith.constant 1 : i32
        %add3A_175 = arith.addi %scan3A_131, %add3A_174 : i32
        %select_n3A_176 = arith.select %and3A_173, %add3A_175, %scan3A_131 : i32
        %ne3A_177 = arith.cmpi ne, %add3A_140, %add3A_158 : i32
        %or3A_178 = arith.constant false
        %or3A_179 = arith.ori %or3A_178, %ne3A_177 : i1
        %or3A_180 = arith.constant false
        %or3A_181 = arith.ori %or3A_179, %or3A_180 : i1
        %ge3A_182 = arith.constant 1 : i32
        %ge3A_183 = arith.cmpi sge, %scan3A_130, %ge3A_182 : i32
        %not3A_184 = arith.constant true
        %not3A_185 = arith.xori %ge3A_183, %not3A_184 : i1
        %and3A_186 = arith.andi %or3A_181, %not3A_185 : i1
        %ne3A_187 = arith.cmpi ne, %add3A_140, %add3A_149 : i32
        %or3A_188 = arith.constant false
        %or3A_189 = arith.ori %or3A_188, %ne3A_187 : i1
        %or3A_190 = arith.ori %or3A_189, %eq3A_137 : i1
        %convert_element_type3A_191 = arith.extui %or3A_190 : i1 to i32
        %cond3A_192 = arith.constant 0 : i32
        %cond3A_193 = arith.cmpi ne, %convert_element_type3A_191, %cond3A_192 : i32
        scf.if %cond3A_193 {
          "tpu.trace_start"() <{level = 10 : i32, message = "ep_wait_in"}> : () -> ()
          %mul3A_273 = arith.constant 128 : i32
          %mul3A_274 = arith.muli %mul3A_273, %add3A_140 : i32
          %rem3A_275 = arith.constant 2 : i32
          %rem3A_276 = arith.remui %scan3A_132, %rem3A_275 : i32
          %dma_wait3A_277 = arith.constant 0 : i32
          %dma_wait3A_278 = arith.constant 0 : i32
          %dma_wait3A_279 = tpu.memref_slice %run_scoped3A[%rem3A_276, %dma_wait3A_277, %dma_wait3A_278] : memref<2x1x128xi32, #tpu.memory_space<vmem>> -> memref<1x1x128xi32, #tpu.memory_space<vmem>>
          %dma_wait3A_280 = tpu.memref_squeeze %dma_wait3A_279 : memref<1x1x128xi32, #tpu.memory_space<vmem>> -> memref<1x128xi32, #tpu.memory_space<vmem>>
          %dma_wait3A_281 = arith.constant 0 : i32
          %dma_wait3A_282 = tpu.memref_slice %arg5[%dma_wait3A_281, %mul3A_274] : memref<1x8192xi32, #tpu.memory_space<hbm>> -> memref<1x128xi32, #tpu.memory_space<hbm>>
          %dma_wait3A_283 = tpu.memref_slice %run_scoped3A_16[%rem3A_276] : memref<2x!tpu.dma_semaphore, #tpu.memory_space<semaphore_mem>> -> memref<1x!tpu.dma_semaphore, #tpu.memory_space<semaphore_mem>>
          %dma_wait3A_284 = tpu.memref_squeeze %dma_wait3A_283 : memref<1x!tpu.dma_semaphore, #tpu.memory_space<semaphore_mem>> -> memref<!tpu.dma_semaphore, #tpu.memory_space<semaphore_mem>>
          %dma_wait3A_285 = arith.constant 0 : i32
          %dma_wait3A_286 = arith.constant 0 : i32
          %dma_wait3A_287 = tpu.memref_slice %run_scoped3A[%rem3A_276, %dma_wait3A_285, %dma_wait3A_286] : memref<2x1x128xi32, #tpu.memory_space<vmem>> -> memref<1x1x128xi32, #tpu.memory_space<vmem>>
          %dma_wait3A_288 = tpu.memref_squeeze %dma_wait3A_287 : memref<1x1x128xi32, #tpu.memory_space<vmem>> -> memref<1x128xi32, #tpu.memory_space<vmem>>
          %dma_wait3A_289 = arith.constant 0 : i32
          %dma_wait3A_290 = tpu.memref_slice %arg5[%dma_wait3A_289, %mul3A_274] : memref<1x8192xi32, #tpu.memory_space<hbm>> -> memref<1x128xi32, #tpu.memory_space<hbm>>
          tpu.wait_dma2 semaphore(%dma_wait3A_284 : memref<!tpu.dma_semaphore, #tpu.memory_space<semaphore_mem>>) src(%dma_wait3A_290 : memref<1x128xi32, #tpu.memory_space<hbm>>) dst(%dma_wait3A_288 : memref<1x128xi32, #tpu.memory_space<vmem>>)
          "tpu.trace_stop"() : () -> ()
        } else {
        }
        %ne3A_194 = arith.cmpi ne, %add3A_140, %add3A_149 : i32
        %or3A_195 = arith.constant false
        %or3A_196 = arith.ori %or3A_195, %ne3A_194 : i1
        %or3A_197 = arith.constant false
        %or3A_198 = arith.ori %or3A_196, %or3A_197 : i1
        %or3A_199 = arith.ori %or3A_198, %eq3A_137 : i1
        %convert_element_type3A_200 = arith.extui %or3A_199 : i1 to i32
        %cond3A_201 = arith.constant 0 : i32
        %cond3A_202 = arith.cmpi ne, %convert_element_type3A_200, %cond3A_201 : i32
        scf.if %cond3A_202 {
        } else {
        }
        %rem3A_203 = arith.constant 2 : i32
        %rem3A_204 = arith.remui %scan3A_132, %rem3A_203 : i32
        %rem3A_205 = arith.constant 2 : i32
        %rem3A_206 = arith.remui %scan3A_133, %rem3A_205 : i32
        %run_scoped3A_207 = arith.constant 0 : i32
        "tpu.trace_start"() <{level = 10 : i32, message = "ep_run_kernel"}> : () -> ()
        "tpu.region"() ({
          %run_scoped3A_273 = tpu.sem_alloc : memref<!tpu.dma_semaphore, #tpu.memory_space<semaphore_mem>>
          %dma_start3A_274 = arith.constant 0 : i32
          %dma_start3A_275 = arith.constant 0 : i32
          %dma_start3A_276 = tpu.memref_slice %run_scoped3A_17[%rem3A_206, %dma_start3A_274, %dma_start3A_275] : memref<2x128x128xf32, #tpu.memory_space<vmem>> -> memref<1x128x128xf32, #tpu.memory_space<vmem>>
          %dma_start3A_277 = tpu.memref_squeeze %dma_start3A_276 : memref<1x128x128xf32, #tpu.memory_space<vmem>> -> memref<128x128xf32, #tpu.memory_space<vmem>>
          %dma_start3A_278 = arith.constant 0 : i32
          %dma_start3A_279 = arith.constant 0 : i32
          %dma_start3A_280 = tpu.memref_slice %run_scoped3A[%rem3A_204, %dma_start3A_278, %dma_start3A_279] : memref<2x1x128xi32, #tpu.memory_space<vmem>> -> memref<1x1x128xi32, #tpu.memory_space<vmem>>
          %dma_start3A_281 = tpu.memref_squeeze %dma_start3A_280 : memref<1x1x128xi32, #tpu.memory_space<vmem>> -> memref<1x128xi32, #tpu.memory_space<vmem>>
          %dma_start3A_282 = arith.constant 0 : i32
          %dma_start3A_283 = tpu.memref_slice %dma_start3A_281[%run_scoped3A_207, %dma_start3A_282] : memref<1x128xi32, #tpu.memory_space<vmem>> -> memref<1x128xi32, #tpu.memory_space<vmem>>
          %dma_start3A_284 = tpu.memref_squeeze %dma_start3A_283 : memref<1x128xi32, #tpu.memory_space<vmem>> -> memref<128xi32, #tpu.memory_space<vmem>>
          %dma_start3A_285 = arith.constant 0 : i32
          %dma_start3A_286 = arith.constant 0 : i32
          %dma_start3A_287 = tpu.memref_slice %arg4[%dma_start3A_285, %dma_start3A_286] : memref<782x128xf32, #tpu.memory_space<hbm>> -> memref<782x128xf32, #tpu.memory_space<hbm>>
          tpu.enqueue_indirect_dma source(%dma_start3A_287 : memref<782x128xf32, #tpu.memory_space<hbm>>) target(%dma_start3A_277 : memref<128x128xf32, #tpu.memory_space<vmem>>) offsets(%dma_start3A_284 : memref<128xi32, #tpu.memory_space<vmem>>) semaphore(%run_scoped3A_273 : memref<!tpu.dma_semaphore, #tpu.memory_space<semaphore_mem>>)
          %dma_wait3A_288 = arith.constant 0 : i32
          %dma_wait3A_289 = arith.constant 0 : i32
          %dma_wait3A_290 = tpu.memref_slice %run_scoped3A_17[%rem3A_206, %dma_wait3A_288, %dma_wait3A_289] : memref<2x128x128xf32, #tpu.memory_space<vmem>> -> memref<1x128x128xf32, #tpu.memory_space<vmem>>
          %dma_wait3A_291 = tpu.memref_squeeze %dma_wait3A_290 : memref<1x128x128xf32, #tpu.memory_space<vmem>> -> memref<128x128xf32, #tpu.memory_space<vmem>>
          %dma_wait3A_292 = arith.constant 0 : i32
          %dma_wait3A_293 = arith.constant 0 : i32
          %dma_wait3A_294 = tpu.memref_slice %run_scoped3A[%rem3A_204, %dma_wait3A_292, %dma_wait3A_293] : memref<2x1x128xi32, #tpu.memory_space<vmem>> -> memref<1x1x128xi32, #tpu.memory_space<vmem>>
          %dma_wait3A_295 = tpu.memref_squeeze %dma_wait3A_294 : memref<1x1x128xi32, #tpu.memory_space<vmem>> -> memref<1x128xi32, #tpu.memory_space<vmem>>
          %dma_wait3A_296 = arith.constant 0 : i32
          %dma_wait3A_297 = tpu.memref_slice %dma_wait3A_295[%run_scoped3A_207, %dma_wait3A_296] : memref<1x128xi32, #tpu.memory_space<vmem>> -> memref<1x128xi32, #tpu.memory_space<vmem>>
          %dma_wait3A_298 = tpu.memref_squeeze %dma_wait3A_297 : memref<1x128xi32, #tpu.memory_space<vmem>> -> memref<128xi32, #tpu.memory_space<vmem>>
          %dma_wait3A_299 = arith.constant 0 : i32
          %dma_wait3A_300 = arith.constant 0 : i32
          %dma_wait3A_301 = tpu.memref_slice %arg4[%dma_wait3A_299, %dma_wait3A_300] : memref<782x128xf32, #tpu.memory_space<hbm>> -> memref<782x128xf32, #tpu.memory_space<hbm>>
          tpu.wait_indirect_dma semaphore(%run_scoped3A_273 : memref<!tpu.dma_semaphore, #tpu.memory_space<semaphore_mem>>) src(%dma_wait3A_301 : memref<782x128xf32, #tpu.memory_space<hbm>>) dst(%dma_wait3A_291 : memref<128x128xf32, #tpu.memory_space<vmem>>)
          tpu.yield
        }) : () -> ()
        "tpu.trace_stop"() : () -> ()
        %ne3A_208 = arith.cmpi ne, %add3A_140, %add3A_158 : i32
        %or3A_209 = arith.constant false
        %or3A_210 = arith.ori %or3A_209, %ne3A_208 : i1
        %or3A_211 = arith.ori %or3A_210, %eq3A_139 : i1
        %convert_element_type3A_212 = arith.extui %or3A_211 : i1 to i32
        %cond3A_213 = arith.constant 0 : i32
        %cond3A_214 = arith.cmpi ne, %convert_element_type3A_212, %cond3A_213 : i32
        scf.if %cond3A_214 {
        } else {
        }
        %and3A_215 = arith.constant false
        %and3A_216 = arith.andi %or3A_211, %and3A_215 : i1
        %ne3A_217 = arith.cmpi ne, %add3A_140, %add3A_158 : i32
        %or3A_218 = arith.constant false
        %or3A_219 = arith.ori %or3A_218, %ne3A_217 : i1
        %or3A_220 = arith.constant false
        %or3A_221 = arith.ori %or3A_219, %or3A_220 : i1
        %or3A_222 = arith.ori %or3A_221, %eq3A_139 : i1
        %convert_element_type3A_223 = arith.extui %or3A_222 : i1 to i32
        %cond3A_224 = arith.constant 0 : i32
        %cond3A_225 = arith.cmpi ne, %convert_element_type3A_223, %cond3A_224 : i32
        scf.if %cond3A_225 {
          "tpu.trace_start"() <{level = 10 : i32, message = "ep_copy_out"}> : () -> ()
          %rem3A_273 = arith.constant 2 : i32
          %rem3A_274 = arith.remui %scan3A_133, %rem3A_273 : i32
          %mul3A_275 = arith.constant 128 : i32
          %mul3A_276 = arith.muli %mul3A_275, %add3A_140 : i32
          %dma_start3A_277 = arith.constant 0 : i32
          %dma_start3A_278 = arith.constant 0 : i32
          %dma_start3A_279 = tpu.memref_slice %run_scoped3A_17[%rem3A_274, %dma_start3A_277, %dma_start3A_278] : memref<2x128x128xf32, #tpu.memory_space<vmem>> -> memref<1x128x128xf32, #tpu.memory_space<vmem>>
          %dma_start3A_280 = tpu.memref_squeeze %dma_start3A_279 : memref<1x128x128xf32, #tpu.memory_space<vmem>> -> memref<128x128xf32, #tpu.memory_space<vmem>>
          %dma_start3A_281 = arith.constant 0 : i32
          %dma_start3A_282 = tpu.memref_slice %arg7[%mul3A_276, %dma_start3A_281] : memref<8192x128xf32, #tpu.memory_space<hbm>> -> memref<128x128xf32, #tpu.memory_space<hbm>>
          %dma_start3A_283 = tpu.memref_slice %run_scoped3A_18[%rem3A_274] : memref<2x!tpu.dma_semaphore, #tpu.memory_space<semaphore_mem>> -> memref<1x!tpu.dma_semaphore, #tpu.memory_space<semaphore_mem>>
          %dma_start3A_284 = tpu.memref_squeeze %dma_start3A_283 : memref<1x!tpu.dma_semaphore, #tpu.memory_space<semaphore_mem>> -> memref<!tpu.dma_semaphore, #tpu.memory_space<semaphore_mem>>
          %dma_start3A_285 = arith.constant 0 : i32
          %dma_start3A_286 = tpu.memref_slice %arg7[%mul3A_276, %dma_start3A_285] : memref<8192x128xf32, #tpu.memory_space<hbm>> -> memref<128x128xf32, #tpu.memory_space<hbm>>
          %dma_start3A_287 = arith.constant 0 : i32
          %dma_start3A_288 = arith.constant 0 : i32
          %dma_start3A_289 = tpu.memref_slice %run_scoped3A_17[%rem3A_274, %dma_start3A_287, %dma_start3A_288] : memref<2x128x128xf32, #tpu.memory_space<vmem>> -> memref<1x128x128xf32, #tpu.memory_space<vmem>>
          %dma_start3A_290 = tpu.memref_squeeze %dma_start3A_289 : memref<1x128x128xf32, #tpu.memory_space<vmem>> -> memref<128x128xf32, #tpu.memory_space<vmem>>
          tpu.enqueue_dma source(%dma_start3A_290 : memref<128x128xf32, #tpu.memory_space<vmem>>) target(%dma_start3A_286 : memref<128x128xf32, #tpu.memory_space<hbm>>) target_semaphore(%dma_start3A_284 : memref<!tpu.dma_semaphore, #tpu.memory_space<semaphore_mem>>)
          "tpu.trace_stop"() : () -> ()
        } else {
        }
        %and3A_226 = arith.constant true
        %and3A_227 = arith.andi %or3A_222, %and3A_226 : i1
        %add3A_228 = arith.constant 1 : i32
        %add3A_229 = arith.addi %scan3A_133, %add3A_228 : i32
        %select_n3A_230 = arith.select %and3A_227, %add3A_229, %scan3A_133 : i32
        %ne3A_231 = arith.cmpi ne, %add3A_140, %add3A_149 : i32
        %or3A_232 = arith.constant false
        %or3A_233 = arith.ori %or3A_232, %ne3A_231 : i1
        %not3A_234 = arith.constant true
        %not3A_235 = arith.xori %eq3A_137, %not3A_234 : i1
        %and3A_236 = arith.andi %or3A_233, %not3A_235 : i1
        %convert_element_type3A_237 = arith.extui %and3A_236 : i1 to i32
        %cond3A_238 = arith.constant 0 : i32
        %cond3A_239 = arith.cmpi ne, %convert_element_type3A_237, %cond3A_238 : i32
        scf.if %cond3A_239 {
        } else {
        }
        %and3A_240 = arith.constant false
        %and3A_241 = arith.andi %and3A_236, %and3A_240 : i1
        %ne3A_242 = arith.cmpi ne, %add3A_140, %add3A_149 : i32
        %or3A_243 = arith.constant false
        %or3A_244 = arith.ori %or3A_243, %ne3A_242 : i1
        %or3A_245 = arith.constant false
        %or3A_246 = arith.ori %or3A_244, %or3A_245 : i1
        %not3A_247 = arith.constant true
        %not3A_248 = arith.xori %eq3A_137, %not3A_247 : i1
        %and3A_249 = arith.andi %or3A_246, %not3A_248 : i1
        %convert_element_type3A_250 = arith.extui %and3A_249 : i1 to i32
        %cond3A_251 = arith.constant 0 : i32
        %cond3A_252 = arith.cmpi ne, %convert_element_type3A_250, %cond3A_251 : i32
        scf.if %cond3A_252 {
          "tpu.trace_start"() <{level = 10 : i32, message = "ep_wait_out"}> : () -> ()
          %rem3A_273 = arith.constant 2 : i32
          %rem3A_274 = arith.remui %scan3A_134, %rem3A_273 : i32
          %mul3A_275 = arith.constant 128 : i32
          %mul3A_276 = arith.muli %mul3A_275, %add3A_149 : i32
          %dma_wait3A_277 = arith.constant 0 : i32
          %dma_wait3A_278 = arith.constant 0 : i32
          %dma_wait3A_279 = tpu.memref_slice %run_scoped3A_17[%rem3A_274, %dma_wait3A_277, %dma_wait3A_278] : memref<2x128x128xf32, #tpu.memory_space<vmem>> -> memref<1x128x128xf32, #tpu.memory_space<vmem>>
          %dma_wait3A_280 = tpu.memref_squeeze %dma_wait3A_279 : memref<1x128x128xf32, #tpu.memory_space<vmem>> -> memref<128x128xf32, #tpu.memory_space<vmem>>
          %dma_wait3A_281 = arith.constant 0 : i32
          %dma_wait3A_282 = tpu.memref_slice %arg7[%mul3A_276, %dma_wait3A_281] : memref<8192x128xf32, #tpu.memory_space<hbm>> -> memref<128x128xf32, #tpu.memory_space<hbm>>
          %dma_wait3A_283 = tpu.memref_slice %run_scoped3A_18[%rem3A_274] : memref<2x!tpu.dma_semaphore, #tpu.memory_space<semaphore_mem>> -> memref<1x!tpu.dma_semaphore, #tpu.memory_space<semaphore_mem>>
          %dma_wait3A_284 = tpu.memref_squeeze %dma_wait3A_283 : memref<1x!tpu.dma_semaphore, #tpu.memory_space<semaphore_mem>> -> memref<!tpu.dma_semaphore, #tpu.memory_space<semaphore_mem>>
          %dma_wait3A_285 = arith.constant 0 : i32
          %dma_wait3A_286 = tpu.memref_slice %arg7[%mul3A_276, %dma_wait3A_285] : memref<8192x128xf32, #tpu.memory_space<hbm>> -> memref<128x128xf32, #tpu.memory_space<hbm>>
          %dma_wait3A_287 = arith.constant 0 : i32
          %dma_wait3A_288 = arith.constant 0 : i32
          %dma_wait3A_289 = tpu.memref_slice %run_scoped3A_17[%rem3A_274, %dma_wait3A_287, %dma_wait3A_288] : memref<2x128x128xf32, #tpu.memory_space<vmem>> -> memref<1x128x128xf32, #tpu.memory_space<vmem>>
          %dma_wait3A_290 = tpu.memref_squeeze %dma_wait3A_289 : memref<1x128x128xf32, #tpu.memory_space<vmem>> -> memref<128x128xf32, #tpu.memory_space<vmem>>
          tpu.wait_dma2 semaphore(%dma_wait3A_284 : memref<!tpu.dma_semaphore, #tpu.memory_space<semaphore_mem>>) src(%dma_wait3A_290 : memref<128x128xf32, #tpu.memory_space<vmem>>) dst(%dma_wait3A_286 : memref<128x128xf32, #tpu.memory_space<hbm>>)
          "tpu.trace_stop"() : () -> ()
        } else {
        }
        %and3A_253 = arith.constant true
        %and3A_254 = arith.andi %and3A_249, %and3A_253 : i1
        %add3A_255 = arith.constant 1 : i32
        %add3A_256 = arith.addi %scan3A_134, %add3A_255 : i32
        %select_n3A_257 = arith.select %and3A_254, %add3A_256, %scan3A_134 : i32
        %ne3A_258 = arith.cmpi ne, %add3A_140, %add3A_158 : i32
        %or3A_259 = arith.constant false
        %or3A_260 = arith.ori %or3A_259, %ne3A_258 : i1
        %or3A_261 = arith.ori %or3A_260, %eq3A_139 : i1
        %add3A_262 = arith.constant 1 : i32
        %add3A_263 = arith.addi %scan3A_132, %add3A_262 : i32
        %select_n3A_264 = arith.select %or3A_261, %add3A_263, %scan3A_132 : i32
        %add3A_265 = arith.constant 1 : i32
        %add3A_266 = arith.addi %scan3A_135, %add3A_265 : i32
        %select_n3A_267 = arith.constant true
        %select_n3A_268 = arith.select %select_n3A_267, %add3A_266, %scan3A_135 : i32
        %eq3A_269 = arith.constant 2 : i32
        %eq3A_270 = arith.cmpi eq, %select_n3A_268, %eq3A_269 : i32
        %select_n3A_271 = arith.constant 0 : i32
        %select_n3A_272 = arith.select %eq3A_270, %select_n3A_271, %select_n3A_268 : i32
        scf.yield %select_n3A_176, %select_n3A_264, %select_n3A_230, %select_n3A_257, %select_n3A_272 : i32, i32, i32, i32, i32
      }
      %scan3A_77 = arith.constant 2 : i32
      %sub3A = arith.constant 1 : i32
      %sub3A_78 = arith.subi %scan3A_76#4, %sub3A : i32
      %select_n3A_79 = arith.constant true
      %select_n3A_80 = arith.select %select_n3A_79, %sub3A_78, %scan3A_76#4 : i32
      %eq3A_81 = arith.constant -1 : i32
      %eq3A_82 = arith.cmpi eq, %select_n3A_80, %eq3A_81 : i32
      %select_n3A_83 = arith.constant 1 : i32
      %select_n3A_84 = arith.select %eq3A_82, %select_n3A_83, %select_n3A_80 : i32
      %add3A_85 = arith.addi %select_n3A_84, %mul3A_15 : i32
      %sub3A_86 = arith.constant 1 : i32
      %sub3A_87 = arith.subi %select_n3A_84, %sub3A_86 : i32
      %select_n3A_88 = arith.constant true
      %select_n3A_89 = arith.select %select_n3A_88, %sub3A_87, %select_n3A_84 : i32
      %eq3A_90 = arith.constant -1 : i32
      %eq3A_91 = arith.cmpi eq, %select_n3A_89, %eq3A_90 : i32
      %select_n3A_92 = arith.constant 1 : i32
      %select_n3A_93 = arith.select %eq3A_91, %select_n3A_92, %select_n3A_89 : i32
      %add3A_94 = arith.addi %select_n3A_93, %mul3A_15 : i32
      %add3A_95 = arith.constant 1 : i32
      %add3A_96 = arith.addi %select_n3A_84, %add3A_95 : i32
      %select_n3A_97 = arith.constant true
      %select_n3A_98 = arith.select %select_n3A_97, %add3A_96, %select_n3A_84 : i32
      %eq3A_99 = arith.constant 2 : i32
      %eq3A_100 = arith.cmpi eq, %select_n3A_98, %eq3A_99 : i32
      %select_n3A_101 = arith.constant 0 : i32
      %select_n3A_102 = arith.select %eq3A_100, %select_n3A_101, %select_n3A_98 : i32
      %add3A_103 = arith.addi %select_n3A_102, %mul3A_15 : i32
      %add3A_104 = arith.constant 1 : i32
      %add3A_105 = arith.addi %select_n3A_102, %add3A_104 : i32
      %select_n3A_106 = arith.constant true
      %select_n3A_107 = arith.select %select_n3A_106, %add3A_105, %select_n3A_102 : i32
      %eq3A_108 = arith.constant 2 : i32
      %eq3A_109 = arith.cmpi eq, %select_n3A_107, %eq3A_108 : i32
      %select_n3A_110 = arith.constant 0 : i32
      %select_n3A_111 = arith.select %eq3A_109, %select_n3A_110, %select_n3A_107 : i32
      %add3A_112 = arith.addi %select_n3A_111, %mul3A_15 : i32
      "tpu.trace_start"() <{level = 10 : i32, message = "ep_finalize"}> : () -> ()
      %rem3A_113 = arith.constant 2 : i32
      %rem3A_114 = arith.remui %scan3A_76#3, %rem3A_113 : i32
      %mul3A_115 = arith.constant 128 : i32
      %mul3A_116 = arith.muli %mul3A_115, %add3A_85 : i32
      %dma_wait3A = arith.constant 0 : i32
      %dma_wait3A_117 = arith.constant 0 : i32
      %dma_wait3A_118 = tpu.memref_slice %run_scoped3A_17[%rem3A_114, %dma_wait3A, %dma_wait3A_117] : memref<2x128x128xf32, #tpu.memory_space<vmem>> -> memref<1x128x128xf32, #tpu.memory_space<vmem>>
      %dma_wait3A_119 = tpu.memref_squeeze %dma_wait3A_118 : memref<1x128x128xf32, #tpu.memory_space<vmem>> -> memref<128x128xf32, #tpu.memory_space<vmem>>
      %dma_wait3A_120 = arith.constant 0 : i32
      %dma_wait3A_121 = tpu.memref_slice %arg7[%mul3A_116, %dma_wait3A_120] : memref<8192x128xf32, #tpu.memory_space<hbm>> -> memref<128x128xf32, #tpu.memory_space<hbm>>
      %dma_wait3A_122 = tpu.memref_slice %run_scoped3A_18[%rem3A_114] : memref<2x!tpu.dma_semaphore, #tpu.memory_space<semaphore_mem>> -> memref<1x!tpu.dma_semaphore, #tpu.memory_space<semaphore_mem>>
      %dma_wait3A_123 = tpu.memref_squeeze %dma_wait3A_122 : memref<1x!tpu.dma_semaphore, #tpu.memory_space<semaphore_mem>> -> memref<!tpu.dma_semaphore, #tpu.memory_space<semaphore_mem>>
      %dma_wait3A_124 = arith.constant 0 : i32
      %dma_wait3A_125 = tpu.memref_slice %arg7[%mul3A_116, %dma_wait3A_124] : memref<8192x128xf32, #tpu.memory_space<hbm>> -> memref<128x128xf32, #tpu.memory_space<hbm>>
      %dma_wait3A_126 = arith.constant 0 : i32
      %dma_wait3A_127 = arith.constant 0 : i32
      %dma_wait3A_128 = tpu.memref_slice %run_scoped3A_17[%rem3A_114, %dma_wait3A_126, %dma_wait3A_127] : memref<2x128x128xf32, #tpu.memory_space<vmem>> -> memref<1x128x128xf32, #tpu.memory_space<vmem>>
      %dma_wait3A_129 = tpu.memref_squeeze %dma_wait3A_128 : memref<1x128x128xf32, #tpu.memory_space<vmem>> -> memref<128x128xf32, #tpu.memory_space<vmem>>
      tpu.wait_dma2 semaphore(%dma_wait3A_123 : memref<!tpu.dma_semaphore, #tpu.memory_space<semaphore_mem>>) src(%dma_wait3A_129 : memref<128x128xf32, #tpu.memory_space<vmem>>) dst(%dma_wait3A_125 : memref<128x128xf32, #tpu.memory_space<hbm>>)
      "tpu.trace_stop"() : () -> ()
      tpu.yield
    }) : () -> ()
    return
  }
}

#map = affine_map<(d0, d1) -> (0, 0)>
#map1 = affine_map<(d0, d1) -> (0)>
module attributes {stable_mosaic.version = 14 : i64} {
  func.func @new_body(%arg0: i32, %arg1: i32, %arg2: memref<8192x128xf32, #tpu.memory_space<hbm>>, %arg3: memref<1x8192xi32, #tpu.memory_space<hbm>>, %arg4: memref<1x8192xi32, #tpu.memory_space<hbm>>, %arg5: memref<8192xf32, #tpu.memory_space<hbm>>, %arg6: memref<100352xf32, #tpu.memory_space<hbm>>, %arg7: memref<100000x128xf32, #tpu.memory_space<hbm>>, %arg8: memref<100352xf32, #tpu.memory_space<hbm>>, %arg9: memref<100000x128xf32, #tpu.memory_space<hbm>>, %arg10: memref<128x128xf32, #tpu.memory_space<vmem>>, %arg11: memref<3136xf32, #tpu.memory_space<vmem>>, %arg12: memref<8192xi32, #tpu.memory_space<vmem>>, %arg13: memref<8192xi32, #tpu.memory_space<vmem>>, %arg14: memref<8192xf32, #tpu.memory_space<vmem>>) attributes {dimension_semantics = [#tpu.dimension_semantics<core_parallel>, #tpu.dimension_semantics<subcore_parallel>], iteration_bounds = array<i64: 2, 16>, scalar_prefetch = 0 : i64, scratch_operands = 5 : i64, tpu.core_type = #tpu.core_type<sc_vector_subcore>, window_params = [{transform_indices = #map}, {transform_indices = #map}, {transform_indices = #map}, {transform_indices = #map1}, {transform_indices = #map1}, {transform_indices = #map}, {transform_indices = #map1}, {transform_indices = #map}]} {
    %mul3A = arith.constant 1 : i32
    %mul3A_0 = arith.muli %arg1, %mul3A : i32
    %add3A = arith.constant 0 : i32
    %add3A_1 = arith.addi %add3A, %mul3A_0 : i32
    %mul3A_2 = arith.constant 16 : i32
    %mul3A_3 = arith.muli %arg0, %mul3A_2 : i32
    %add3A_4 = arith.addi %add3A_1, %mul3A_3 : i32
    %mul3A_5 = arith.constant 2 : i32
    %mul3A_6 = arith.muli %add3A_4, %mul3A_5 : i32
    "tpu.region"() ({
      %run_scoped3A_17 = memref.alloca() : memref<2x1x128xi32, #tpu.memory_space<vmem>>
      %run_scoped3A_18 = tpu.sem_alloc : memref<2x!tpu.dma_semaphore, #tpu.memory_space<semaphore_mem>>
      %run_scoped3A_19 = memref.alloca() : memref<2x1x128xi32, #tpu.memory_space<vmem>>
      %run_scoped3A_20 = tpu.sem_alloc : memref<2x!tpu.dma_semaphore, #tpu.memory_space<semaphore_mem>>
      %add3A_21 = arith.constant 0 : i32
      %add3A_22 = arith.addi %add3A_21, %mul3A_6 : i32
      %select_n3A = arith.constant true
      %select_n3A_23 = arith.constant 0 : i32
      %select_n3A_24 = arith.constant -1 : i32
      %select_n3A_25 = arith.select %select_n3A, %select_n3A_24, %select_n3A_23 : i32
      %eq3A = arith.constant -1 : i32
      %eq3A_26 = arith.cmpi eq, %select_n3A_25, %eq3A : i32
      %select_n3A_27 = arith.constant 1 : i32
      %select_n3A_28 = arith.select %eq3A_26, %select_n3A_27, %select_n3A_25 : i32
      %add3A_29 = arith.addi %select_n3A_28, %mul3A_6 : i32
      %select_n3A_30 = arith.constant true
      %select_n3A_31 = arith.constant 0 : i32
      %select_n3A_32 = arith.constant 1 : i32
      %select_n3A_33 = arith.select %select_n3A_30, %select_n3A_32, %select_n3A_31 : i32
      %eq3A_34 = arith.constant 2 : i32
      %eq3A_35 = arith.cmpi eq, %select_n3A_33, %eq3A_34 : i32
      %select_n3A_36 = arith.constant 0 : i32
      %select_n3A_37 = arith.select %eq3A_35, %select_n3A_36, %select_n3A_33 : i32
      %add3A_38 = arith.addi %select_n3A_37, %mul3A_6 : i32
      %add3A_39 = arith.constant 1 : i32
      %add3A_40 = arith.addi %select_n3A_37, %add3A_39 : i32
      %select_n3A_41 = arith.constant true
      %select_n3A_42 = arith.select %select_n3A_41, %add3A_40, %select_n3A_37 : i32
      %eq3A_43 = arith.constant 2 : i32
      %eq3A_44 = arith.cmpi eq, %select_n3A_42, %eq3A_43 : i32
      %select_n3A_45 = arith.constant 0 : i32
      %select_n3A_46 = arith.select %eq3A_44, %select_n3A_45, %select_n3A_42 : i32
      %add3A_47 = arith.addi %select_n3A_46, %mul3A_6 : i32
      "tpu.trace_start"() <{level = 10 : i32, message = "ep_initialize_0"}> : () -> ()
      %rem3A = arith.constant 0 : i32
      %rem3A_48 = arith.constant 2 : i32
      %rem3A_49 = arith.remui %rem3A, %rem3A_48 : i32
      %mul3A_50 = arith.constant 128 : i32
      %mul3A_51 = arith.muli %mul3A_50, %add3A_22 : i32
      %dma_start3A = arith.constant 0 : i32
      %dma_start3A_52 = arith.constant 0 : i32
      %dma_start3A_53 = tpu.memref_slice %run_scoped3A_17[%rem3A_49, %dma_start3A, %dma_start3A_52] : memref<2x1x128xi32, #tpu.memory_space<vmem>> -> memref<1x1x128xi32, #tpu.memory_space<vmem>>
      %dma_start3A_54 = tpu.memref_squeeze %dma_start3A_53 : memref<1x1x128xi32, #tpu.memory_space<vmem>> -> memref<1x128xi32, #tpu.memory_space<vmem>>
      %dma_start3A_55 = arith.constant 0 : i32
      %dma_start3A_56 = tpu.memref_slice %arg3[%dma_start3A_55, %mul3A_51] : memref<1x8192xi32, #tpu.memory_space<hbm>> -> memref<1x128xi32, #tpu.memory_space<hbm>>
      %dma_start3A_57 = tpu.memref_slice %run_scoped3A_18[%rem3A_49] : memref<2x!tpu.dma_semaphore, #tpu.memory_space<semaphore_mem>> -> memref<1x!tpu.dma_semaphore, #tpu.memory_space<semaphore_mem>>
      %dma_start3A_58 = tpu.memref_squeeze %dma_start3A_57 : memref<1x!tpu.dma_semaphore, #tpu.memory_space<semaphore_mem>> -> memref<!tpu.dma_semaphore, #tpu.memory_space<semaphore_mem>>
      %dma_start3A_59 = arith.constant 0 : i32
      %dma_start3A_60 = arith.constant 0 : i32
      %dma_start3A_61 = tpu.memref_slice %run_scoped3A_17[%rem3A_49, %dma_start3A_59, %dma_start3A_60] : memref<2x1x128xi32, #tpu.memory_space<vmem>> -> memref<1x1x128xi32, #tpu.memory_space<vmem>>
      %dma_start3A_62 = tpu.memref_squeeze %dma_start3A_61 : memref<1x1x128xi32, #tpu.memory_space<vmem>> -> memref<1x128xi32, #tpu.memory_space<vmem>>
      %dma_start3A_63 = arith.constant 0 : i32
      %dma_start3A_64 = tpu.memref_slice %arg3[%dma_start3A_63, %mul3A_51] : memref<1x8192xi32, #tpu.memory_space<hbm>> -> memref<1x128xi32, #tpu.memory_space<hbm>>
      tpu.enqueue_dma source(%dma_start3A_64 : memref<1x128xi32, #tpu.memory_space<hbm>>) target(%dma_start3A_62 : memref<1x128xi32, #tpu.memory_space<vmem>>) target_semaphore(%dma_start3A_58 : memref<!tpu.dma_semaphore, #tpu.memory_space<semaphore_mem>>)
      %add3A_65 = arith.constant 0 : i32
      %add3A_66 = arith.constant 1 : i32
      %add3A_67 = arith.addi %add3A_65, %add3A_66 : i32
      %select_n3A_68 = arith.constant true
      %select_n3A_69 = arith.constant 0 : i32
      %select_n3A_70 = arith.select %select_n3A_68, %add3A_67, %select_n3A_69 : i32
      %rem3A_71 = arith.constant 0 : i32
      %rem3A_72 = arith.constant 2 : i32
      %rem3A_73 = arith.remui %rem3A_71, %rem3A_72 : i32
      %mul3A_74 = arith.constant 128 : i32
      %mul3A_75 = arith.muli %mul3A_74, %add3A_22 : i32
      %dma_start3A_76 = arith.constant 0 : i32
      %dma_start3A_77 = arith.constant 0 : i32
      %dma_start3A_78 = tpu.memref_slice %run_scoped3A_19[%rem3A_73, %dma_start3A_76, %dma_start3A_77] : memref<2x1x128xi32, #tpu.memory_space<vmem>> -> memref<1x1x128xi32, #tpu.memory_space<vmem>>
      %dma_start3A_79 = tpu.memref_squeeze %dma_start3A_78 : memref<1x1x128xi32, #tpu.memory_space<vmem>> -> memref<1x128xi32, #tpu.memory_space<vmem>>
      %dma_start3A_80 = arith.constant 0 : i32
      %dma_start3A_81 = tpu.memref_slice %arg4[%dma_start3A_80, %mul3A_75] : memref<1x8192xi32, #tpu.memory_space<hbm>> -> memref<1x128xi32, #tpu.memory_space<hbm>>
      %dma_start3A_82 = tpu.memref_slice %run_scoped3A_20[%rem3A_73] : memref<2x!tpu.dma_semaphore, #tpu.memory_space<semaphore_mem>> -> memref<1x!tpu.dma_semaphore, #tpu.memory_space<semaphore_mem>>
      %dma_start3A_83 = tpu.memref_squeeze %dma_start3A_82 : memref<1x!tpu.dma_semaphore, #tpu.memory_space<semaphore_mem>> -> memref<!tpu.dma_semaphore, #tpu.memory_space<semaphore_mem>>
      %dma_start3A_84 = arith.constant 0 : i32
      %dma_start3A_85 = arith.constant 0 : i32
      %dma_start3A_86 = tpu.memref_slice %run_scoped3A_19[%rem3A_73, %dma_start3A_84, %dma_start3A_85] : memref<2x1x128xi32, #tpu.memory_space<vmem>> -> memref<1x1x128xi32, #tpu.memory_space<vmem>>
      %dma_start3A_87 = tpu.memref_squeeze %dma_start3A_86 : memref<1x1x128xi32, #tpu.memory_space<vmem>> -> memref<1x128xi32, #tpu.memory_space<vmem>>
      %dma_start3A_88 = arith.constant 0 : i32
      %dma_start3A_89 = tpu.memref_slice %arg4[%dma_start3A_88, %mul3A_75] : memref<1x8192xi32, #tpu.memory_space<hbm>> -> memref<1x128xi32, #tpu.memory_space<hbm>>
      tpu.enqueue_dma source(%dma_start3A_89 : memref<1x128xi32, #tpu.memory_space<hbm>>) target(%dma_start3A_87 : memref<1x128xi32, #tpu.memory_space<vmem>>) target_semaphore(%dma_start3A_83 : memref<!tpu.dma_semaphore, #tpu.memory_space<semaphore_mem>>)
      %add3A_90 = arith.constant 0 : i32
      %add3A_91 = arith.constant 1 : i32
      %add3A_92 = arith.addi %add3A_90, %add3A_91 : i32
      %select_n3A_93 = arith.constant true
      %select_n3A_94 = arith.constant 0 : i32
      %select_n3A_95 = arith.select %select_n3A_93, %add3A_92, %select_n3A_94 : i32
      "tpu.trace_stop"() : () -> ()
      %scan3A_96 = arith.constant 0 : i32
      %scan3A_97 = arith.constant 0 : i32
      %scan3A_98 = arith.constant 0 : i32
      %scan3A_99 = arith.constant 0 : i32
      %scan3A_100 = arith.constant 2 : i32
      %scan3A_101 = arith.addi %scan3A_99, %scan3A_100 : i32
      %scan3A_102 = arith.constant 1 : i32
      %scan3A_103:5 = scf.for %scan3A_140 = %scan3A_99 to %scan3A_101 step %scan3A_102 iter_args(%scan3A_141 = %select_n3A_70, %scan3A_142 = %scan3A_96, %scan3A_143 = %select_n3A_95, %scan3A_144 = %scan3A_97, %scan3A_145 = %scan3A_98) -> (i32, i32, i32, i32, i32)  : i32 {
        %eq3A_146 = arith.constant 0 : i32
        %eq3A_147 = arith.cmpi eq, %scan3A_140, %eq3A_146 : i32
        %eq3A_148 = arith.constant 1 : i32
        %eq3A_149 = arith.cmpi eq, %scan3A_140, %eq3A_148 : i32
        %add3A_150 = arith.addi %scan3A_145, %mul3A_6 : i32
        %sub3A_151 = arith.constant 1 : i32
        %sub3A_152 = arith.subi %scan3A_145, %sub3A_151 : i32
        %select_n3A_153 = arith.constant true
        %select_n3A_154 = arith.select %select_n3A_153, %sub3A_152, %scan3A_145 : i32
        %eq3A_155 = arith.constant -1 : i32
        %eq3A_156 = arith.cmpi eq, %select_n3A_154, %eq3A_155 : i32
        %select_n3A_157 = arith.constant 1 : i32
        %select_n3A_158 = arith.select %eq3A_156, %select_n3A_157, %select_n3A_154 : i32
        %add3A_159 = arith.addi %select_n3A_158, %mul3A_6 : i32
        %add3A_160 = arith.constant 1 : i32
        %add3A_161 = arith.addi %scan3A_145, %add3A_160 : i32
        %select_n3A_162 = arith.constant true
        %select_n3A_163 = arith.select %select_n3A_162, %add3A_161, %scan3A_145 : i32
        %eq3A_164 = arith.constant 2 : i32
        %eq3A_165 = arith.cmpi eq, %select_n3A_163, %eq3A_164 : i32
        %select_n3A_166 = arith.constant 0 : i32
        %select_n3A_167 = arith.select %eq3A_165, %select_n3A_166, %select_n3A_163 : i32
        %add3A_168 = arith.addi %select_n3A_167, %mul3A_6 : i32
        %add3A_169 = arith.constant 1 : i32
        %add3A_170 = arith.addi %select_n3A_167, %add3A_169 : i32
        %select_n3A_171 = arith.constant true
        %select_n3A_172 = arith.select %select_n3A_171, %add3A_170, %select_n3A_167 : i32
        %eq3A_173 = arith.constant 2 : i32
        %eq3A_174 = arith.cmpi eq, %select_n3A_172, %eq3A_173 : i32
        %select_n3A_175 = arith.constant 0 : i32
        %select_n3A_176 = arith.select %eq3A_174, %select_n3A_175, %select_n3A_172 : i32
        %add3A_177 = arith.addi %select_n3A_176, %mul3A_6 : i32
        %ne3A = arith.cmpi ne, %add3A_150, %add3A_168 : i32
        %or3A = arith.constant false
        %or3A_178 = arith.ori %or3A, %ne3A : i1
        %ge3A = arith.constant 1 : i32
        %ge3A_179 = arith.cmpi sge, %scan3A_140, %ge3A : i32
        %not3A = arith.constant true
        %not3A_180 = arith.xori %ge3A_179, %not3A : i1
        %and3A = arith.andi %or3A_178, %not3A_180 : i1
        %convert_element_type3A = arith.extui %and3A : i1 to i32
        %cond3A = arith.constant 0 : i32
        %cond3A_181 = arith.cmpi ne, %convert_element_type3A, %cond3A : i32
        scf.if %cond3A_181 {
          "tpu.trace_start"() <{level = 10 : i32, message = "ep_copy_in"}> : () -> ()
          %rem3A_285 = arith.constant 2 : i32
          %rem3A_286 = arith.remui %scan3A_141, %rem3A_285 : i32
          %mul3A_287 = arith.constant 128 : i32
          %mul3A_288 = arith.muli %mul3A_287, %add3A_168 : i32
          %dma_start3A_289 = arith.constant 0 : i32
          %dma_start3A_290 = arith.constant 0 : i32
          %dma_start3A_291 = tpu.memref_slice %run_scoped3A_17[%rem3A_286, %dma_start3A_289, %dma_start3A_290] : memref<2x1x128xi32, #tpu.memory_space<vmem>> -> memref<1x1x128xi32, #tpu.memory_space<vmem>>
          %dma_start3A_292 = tpu.memref_squeeze %dma_start3A_291 : memref<1x1x128xi32, #tpu.memory_space<vmem>> -> memref<1x128xi32, #tpu.memory_space<vmem>>
          %dma_start3A_293 = arith.constant 0 : i32
          %dma_start3A_294 = tpu.memref_slice %arg3[%dma_start3A_293, %mul3A_288] : memref<1x8192xi32, #tpu.memory_space<hbm>> -> memref<1x128xi32, #tpu.memory_space<hbm>>
          %dma_start3A_295 = tpu.memref_slice %run_scoped3A_18[%rem3A_286] : memref<2x!tpu.dma_semaphore, #tpu.memory_space<semaphore_mem>> -> memref<1x!tpu.dma_semaphore, #tpu.memory_space<semaphore_mem>>
          %dma_start3A_296 = tpu.memref_squeeze %dma_start3A_295 : memref<1x!tpu.dma_semaphore, #tpu.memory_space<semaphore_mem>> -> memref<!tpu.dma_semaphore, #tpu.memory_space<semaphore_mem>>
          %dma_start3A_297 = arith.constant 0 : i32
          %dma_start3A_298 = arith.constant 0 : i32
          %dma_start3A_299 = tpu.memref_slice %run_scoped3A_17[%rem3A_286, %dma_start3A_297, %dma_start3A_298] : memref<2x1x128xi32, #tpu.memory_space<vmem>> -> memref<1x1x128xi32, #tpu.memory_space<vmem>>
          %dma_start3A_300 = tpu.memref_squeeze %dma_start3A_299 : memref<1x1x128xi32, #tpu.memory_space<vmem>> -> memref<1x128xi32, #tpu.memory_space<vmem>>
          %dma_start3A_301 = arith.constant 0 : i32
          %dma_start3A_302 = tpu.memref_slice %arg3[%dma_start3A_301, %mul3A_288] : memref<1x8192xi32, #tpu.memory_space<hbm>> -> memref<1x128xi32, #tpu.memory_space<hbm>>
          tpu.enqueue_dma source(%dma_start3A_302 : memref<1x128xi32, #tpu.memory_space<hbm>>) target(%dma_start3A_300 : memref<1x128xi32, #tpu.memory_space<vmem>>) target_semaphore(%dma_start3A_296 : memref<!tpu.dma_semaphore, #tpu.memory_space<semaphore_mem>>)
          "tpu.trace_stop"() : () -> ()
        } else {
        }
        %and3A_182 = arith.constant true
        %and3A_183 = arith.andi %and3A, %and3A_182 : i1
        %add3A_184 = arith.constant 1 : i32
        %add3A_185 = arith.addi %scan3A_141, %add3A_184 : i32
        %select_n3A_186 = arith.select %and3A_183, %add3A_185, %scan3A_141 : i32
        %ne3A_187 = arith.cmpi ne, %add3A_150, %add3A_168 : i32
        %or3A_188 = arith.constant false
        %or3A_189 = arith.ori %or3A_188, %ne3A_187 : i1
        %ge3A_190 = arith.constant 1 : i32
        %ge3A_191 = arith.cmpi sge, %scan3A_140, %ge3A_190 : i32
        %not3A_192 = arith.constant true
        %not3A_193 = arith.xori %ge3A_191, %not3A_192 : i1
        %and3A_194 = arith.andi %or3A_189, %not3A_193 : i1
        %convert_element_type3A_195 = arith.extui %and3A_194 : i1 to i32
        %cond3A_196 = arith.constant 0 : i32
        %cond3A_197 = arith.cmpi ne, %convert_element_type3A_195, %cond3A_196 : i32
        scf.if %cond3A_197 {
          "tpu.trace_start"() <{level = 10 : i32, message = "ep_copy_in"}> : () -> ()
          %rem3A_285 = arith.constant 2 : i32
          %rem3A_286 = arith.remui %scan3A_143, %rem3A_285 : i32
          %mul3A_287 = arith.constant 128 : i32
          %mul3A_288 = arith.muli %mul3A_287, %add3A_168 : i32
          %dma_start3A_289 = arith.constant 0 : i32
          %dma_start3A_290 = arith.constant 0 : i32
          %dma_start3A_291 = tpu.memref_slice %run_scoped3A_19[%rem3A_286, %dma_start3A_289, %dma_start3A_290] : memref<2x1x128xi32, #tpu.memory_space<vmem>> -> memref<1x1x128xi32, #tpu.memory_space<vmem>>
          %dma_start3A_292 = tpu.memref_squeeze %dma_start3A_291 : memref<1x1x128xi32, #tpu.memory_space<vmem>> -> memref<1x128xi32, #tpu.memory_space<vmem>>
          %dma_start3A_293 = arith.constant 0 : i32
          %dma_start3A_294 = tpu.memref_slice %arg4[%dma_start3A_293, %mul3A_288] : memref<1x8192xi32, #tpu.memory_space<hbm>> -> memref<1x128xi32, #tpu.memory_space<hbm>>
          %dma_start3A_295 = tpu.memref_slice %run_scoped3A_20[%rem3A_286] : memref<2x!tpu.dma_semaphore, #tpu.memory_space<semaphore_mem>> -> memref<1x!tpu.dma_semaphore, #tpu.memory_space<semaphore_mem>>
          %dma_start3A_296 = tpu.memref_squeeze %dma_start3A_295 : memref<1x!tpu.dma_semaphore, #tpu.memory_space<semaphore_mem>> -> memref<!tpu.dma_semaphore, #tpu.memory_space<semaphore_mem>>
          %dma_start3A_297 = arith.constant 0 : i32
          %dma_start3A_298 = arith.constant 0 : i32
          %dma_start3A_299 = tpu.memref_slice %run_scoped3A_19[%rem3A_286, %dma_start3A_297, %dma_start3A_298] : memref<2x1x128xi32, #tpu.memory_space<vmem>> -> memref<1x1x128xi32, #tpu.memory_space<vmem>>
          %dma_start3A_300 = tpu.memref_squeeze %dma_start3A_299 : memref<1x1x128xi32, #tpu.memory_space<vmem>> -> memref<1x128xi32, #tpu.memory_space<vmem>>
          %dma_start3A_301 = arith.constant 0 : i32
          %dma_start3A_302 = tpu.memref_slice %arg4[%dma_start3A_301, %mul3A_288] : memref<1x8192xi32, #tpu.memory_space<hbm>> -> memref<1x128xi32, #tpu.memory_space<hbm>>
          tpu.enqueue_dma source(%dma_start3A_302 : memref<1x128xi32, #tpu.memory_space<hbm>>) target(%dma_start3A_300 : memref<1x128xi32, #tpu.memory_space<vmem>>) target_semaphore(%dma_start3A_296 : memref<!tpu.dma_semaphore, #tpu.memory_space<semaphore_mem>>)
          "tpu.trace_stop"() : () -> ()
        } else {
        }
        %and3A_198 = arith.constant true
        %and3A_199 = arith.andi %and3A_194, %and3A_198 : i1
        %add3A_200 = arith.constant 1 : i32
        %add3A_201 = arith.addi %scan3A_143, %add3A_200 : i32
        %select_n3A_202 = arith.select %and3A_199, %add3A_201, %scan3A_143 : i32
        %ne3A_203 = arith.cmpi ne, %add3A_150, %add3A_159 : i32
        %or3A_204 = arith.constant false
        %or3A_205 = arith.ori %or3A_204, %ne3A_203 : i1
        %or3A_206 = arith.ori %or3A_205, %eq3A_147 : i1
        %convert_element_type3A_207 = arith.extui %or3A_206 : i1 to i32
        %cond3A_208 = arith.constant 0 : i32
        %cond3A_209 = arith.cmpi ne, %convert_element_type3A_207, %cond3A_208 : i32
        scf.if %cond3A_209 {
          "tpu.trace_start"() <{level = 10 : i32, message = "ep_wait_in"}> : () -> ()
          %mul3A_285 = arith.constant 128 : i32
          %mul3A_286 = arith.muli %mul3A_285, %add3A_150 : i32
          %rem3A_287 = arith.constant 2 : i32
          %rem3A_288 = arith.remui %scan3A_142, %rem3A_287 : i32
          %dma_wait3A = arith.constant 0 : i32
          %dma_wait3A_289 = arith.constant 0 : i32
          %dma_wait3A_290 = tpu.memref_slice %run_scoped3A_17[%rem3A_288, %dma_wait3A, %dma_wait3A_289] : memref<2x1x128xi32, #tpu.memory_space<vmem>> -> memref<1x1x128xi32, #tpu.memory_space<vmem>>
          %dma_wait3A_291 = tpu.memref_squeeze %dma_wait3A_290 : memref<1x1x128xi32, #tpu.memory_space<vmem>> -> memref<1x128xi32, #tpu.memory_space<vmem>>
          %dma_wait3A_292 = arith.constant 0 : i32
          %dma_wait3A_293 = tpu.memref_slice %arg3[%dma_wait3A_292, %mul3A_286] : memref<1x8192xi32, #tpu.memory_space<hbm>> -> memref<1x128xi32, #tpu.memory_space<hbm>>
          %dma_wait3A_294 = tpu.memref_slice %run_scoped3A_18[%rem3A_288] : memref<2x!tpu.dma_semaphore, #tpu.memory_space<semaphore_mem>> -> memref<1x!tpu.dma_semaphore, #tpu.memory_space<semaphore_mem>>
          %dma_wait3A_295 = tpu.memref_squeeze %dma_wait3A_294 : memref<1x!tpu.dma_semaphore, #tpu.memory_space<semaphore_mem>> -> memref<!tpu.dma_semaphore, #tpu.memory_space<semaphore_mem>>
          %dma_wait3A_296 = arith.constant 0 : i32
          %dma_wait3A_297 = arith.constant 0 : i32
          %dma_wait3A_298 = tpu.memref_slice %run_scoped3A_17[%rem3A_288, %dma_wait3A_296, %dma_wait3A_297] : memref<2x1x128xi32, #tpu.memory_space<vmem>> -> memref<1x1x128xi32, #tpu.memory_space<vmem>>
          %dma_wait3A_299 = tpu.memref_squeeze %dma_wait3A_298 : memref<1x1x128xi32, #tpu.memory_space<vmem>> -> memref<1x128xi32, #tpu.memory_space<vmem>>
          %dma_wait3A_300 = arith.constant 0 : i32
          %dma_wait3A_301 = tpu.memref_slice %arg3[%dma_wait3A_300, %mul3A_286] : memref<1x8192xi32, #tpu.memory_space<hbm>> -> memref<1x128xi32, #tpu.memory_space<hbm>>
          tpu.wait_dma2 semaphore(%dma_wait3A_295 : memref<!tpu.dma_semaphore, #tpu.memory_space<semaphore_mem>>) src(%dma_wait3A_301 : memref<1x128xi32, #tpu.memory_space<hbm>>) dst(%dma_wait3A_299 : memref<1x128xi32, #tpu.memory_space<vmem>>)
          "tpu.trace_stop"() : () -> ()
        } else {
        }
        %ne3A_210 = arith.cmpi ne, %add3A_150, %add3A_159 : i32
        %or3A_211 = arith.constant false
        %or3A_212 = arith.ori %or3A_211, %ne3A_210 : i1
        %or3A_213 = arith.ori %or3A_212, %eq3A_147 : i1
        %convert_element_type3A_214 = arith.extui %or3A_213 : i1 to i32
        %cond3A_215 = arith.constant 0 : i32
        %cond3A_216 = arith.cmpi ne, %convert_element_type3A_214, %cond3A_215 : i32
        scf.if %cond3A_216 {
          "tpu.trace_start"() <{level = 10 : i32, message = "ep_wait_in"}> : () -> ()
          %mul3A_285 = arith.constant 128 : i32
          %mul3A_286 = arith.muli %mul3A_285, %add3A_150 : i32
          %rem3A_287 = arith.constant 2 : i32
          %rem3A_288 = arith.remui %scan3A_144, %rem3A_287 : i32
          %dma_wait3A = arith.constant 0 : i32
          %dma_wait3A_289 = arith.constant 0 : i32
          %dma_wait3A_290 = tpu.memref_slice %run_scoped3A_19[%rem3A_288, %dma_wait3A, %dma_wait3A_289] : memref<2x1x128xi32, #tpu.memory_space<vmem>> -> memref<1x1x128xi32, #tpu.memory_space<vmem>>
          %dma_wait3A_291 = tpu.memref_squeeze %dma_wait3A_290 : memref<1x1x128xi32, #tpu.memory_space<vmem>> -> memref<1x128xi32, #tpu.memory_space<vmem>>
          %dma_wait3A_292 = arith.constant 0 : i32
          %dma_wait3A_293 = tpu.memref_slice %arg4[%dma_wait3A_292, %mul3A_286] : memref<1x8192xi32, #tpu.memory_space<hbm>> -> memref<1x128xi32, #tpu.memory_space<hbm>>
          %dma_wait3A_294 = tpu.memref_slice %run_scoped3A_20[%rem3A_288] : memref<2x!tpu.dma_semaphore, #tpu.memory_space<semaphore_mem>> -> memref<1x!tpu.dma_semaphore, #tpu.memory_space<semaphore_mem>>
          %dma_wait3A_295 = tpu.memref_squeeze %dma_wait3A_294 : memref<1x!tpu.dma_semaphore, #tpu.memory_space<semaphore_mem>> -> memref<!tpu.dma_semaphore, #tpu.memory_space<semaphore_mem>>
          %dma_wait3A_296 = arith.constant 0 : i32
          %dma_wait3A_297 = arith.constant 0 : i32
          %dma_wait3A_298 = tpu.memref_slice %run_scoped3A_19[%rem3A_288, %dma_wait3A_296, %dma_wait3A_297] : memref<2x1x128xi32, #tpu.memory_space<vmem>> -> memref<1x1x128xi32, #tpu.memory_space<vmem>>
          %dma_wait3A_299 = tpu.memref_squeeze %dma_wait3A_298 : memref<1x1x128xi32, #tpu.memory_space<vmem>> -> memref<1x128xi32, #tpu.memory_space<vmem>>
          %dma_wait3A_300 = arith.constant 0 : i32
          %dma_wait3A_301 = tpu.memref_slice %arg4[%dma_wait3A_300, %mul3A_286] : memref<1x8192xi32, #tpu.memory_space<hbm>> -> memref<1x128xi32, #tpu.memory_space<hbm>>
          tpu.wait_dma2 semaphore(%dma_wait3A_295 : memref<!tpu.dma_semaphore, #tpu.memory_space<semaphore_mem>>) src(%dma_wait3A_301 : memref<1x128xi32, #tpu.memory_space<hbm>>) dst(%dma_wait3A_299 : memref<1x128xi32, #tpu.memory_space<vmem>>)
          "tpu.trace_stop"() : () -> ()
        } else {
        }
        %rem3A_217 = arith.constant 2 : i32
        %rem3A_218 = arith.remui %scan3A_142, %rem3A_217 : i32
        %rem3A_219 = arith.constant 2 : i32
        %rem3A_220 = arith.remui %scan3A_144, %rem3A_219 : i32
        %run_scoped3A_221 = arith.constant 0 : i32
        "tpu.trace_start"() <{level = 10 : i32, message = "ep_run_kernel"}> : () -> ()
        "tpu.region"() ({
          %run_scoped3A_285 = tpu.sem_alloc : memref<!tpu.dma_semaphore, #tpu.memory_space<semaphore_mem>>
          %dma_start3A_286 = arith.constant 0 : i32
          %dma_start3A_287 = arith.constant 0 : i32
          %dma_start3A_288 = tpu.memref_slice %run_scoped3A_17[%rem3A_218, %dma_start3A_286, %dma_start3A_287] : memref<2x1x128xi32, #tpu.memory_space<vmem>> -> memref<1x1x128xi32, #tpu.memory_space<vmem>>
          %dma_start3A_289 = tpu.memref_squeeze %dma_start3A_288 : memref<1x1x128xi32, #tpu.memory_space<vmem>> -> memref<1x128xi32, #tpu.memory_space<vmem>>
          %dma_start3A_290 = arith.constant 0 : i32
          %dma_start3A_291 = tpu.memref_slice %dma_start3A_289[%run_scoped3A_221, %dma_start3A_290] : memref<1x128xi32, #tpu.memory_space<vmem>> -> memref<1x128xi32, #tpu.memory_space<vmem>>
          %dma_start3A_292 = tpu.memref_squeeze %dma_start3A_291 : memref<1x128xi32, #tpu.memory_space<vmem>> -> memref<128xi32, #tpu.memory_space<vmem>>
          %dma_start3A_293 = arith.constant 0 : i32
          %dma_start3A_294 = arith.constant 0 : i32
          %dma_start3A_295 = tpu.memref_slice %arg2[%dma_start3A_293, %dma_start3A_294] : memref<8192x128xf32, #tpu.memory_space<hbm>> -> memref<8192x128xf32, #tpu.memory_space<hbm>>
          tpu.enqueue_indirect_dma source(%dma_start3A_295 : memref<8192x128xf32, #tpu.memory_space<hbm>>) target(%arg10 : memref<128x128xf32, #tpu.memory_space<vmem>>) offsets(%dma_start3A_292 : memref<128xi32, #tpu.memory_space<vmem>>) semaphore(%run_scoped3A_285 : memref<!tpu.dma_semaphore, #tpu.memory_space<semaphore_mem>>)
          %dma_wait3A = arith.constant 0 : i32
          %dma_wait3A_296 = arith.constant 0 : i32
          %dma_wait3A_297 = tpu.memref_slice %run_scoped3A_17[%rem3A_218, %dma_wait3A, %dma_wait3A_296] : memref<2x1x128xi32, #tpu.memory_space<vmem>> -> memref<1x1x128xi32, #tpu.memory_space<vmem>>
          %dma_wait3A_298 = tpu.memref_squeeze %dma_wait3A_297 : memref<1x1x128xi32, #tpu.memory_space<vmem>> -> memref<1x128xi32, #tpu.memory_space<vmem>>
          %dma_wait3A_299 = arith.constant 0 : i32
          %dma_wait3A_300 = tpu.memref_slice %dma_wait3A_298[%run_scoped3A_221, %dma_wait3A_299] : memref<1x128xi32, #tpu.memory_space<vmem>> -> memref<1x128xi32, #tpu.memory_space<vmem>>
          %dma_wait3A_301 = tpu.memref_squeeze %dma_wait3A_300 : memref<1x128xi32, #tpu.memory_space<vmem>> -> memref<128xi32, #tpu.memory_space<vmem>>
          %dma_wait3A_302 = arith.constant 0 : i32
          %dma_wait3A_303 = arith.constant 0 : i32
          %dma_wait3A_304 = tpu.memref_slice %arg2[%dma_wait3A_302, %dma_wait3A_303] : memref<8192x128xf32, #tpu.memory_space<hbm>> -> memref<8192x128xf32, #tpu.memory_space<hbm>>
          tpu.wait_indirect_dma semaphore(%run_scoped3A_285 : memref<!tpu.dma_semaphore, #tpu.memory_space<semaphore_mem>>) src(%dma_wait3A_304 : memref<8192x128xf32, #tpu.memory_space<hbm>>) dst(%arg10 : memref<128x128xf32, #tpu.memory_space<vmem>>)
          tpu.yield
        }) : () -> ()
        %run_scoped3A_222 = arith.constant 0 : i32
        "tpu.region"() ({
          %run_scoped3A_285 = tpu.sem_alloc : memref<!tpu.dma_semaphore, #tpu.memory_space<semaphore_mem>>
          %dma_start3A_286 = arith.constant 0 : i32
          %dma_start3A_287 = arith.constant 0 : i32
          %dma_start3A_288 = tpu.memref_slice %run_scoped3A_19[%rem3A_220, %dma_start3A_286, %dma_start3A_287] : memref<2x1x128xi32, #tpu.memory_space<vmem>> -> memref<1x1x128xi32, #tpu.memory_space<vmem>>
          %dma_start3A_289 = tpu.memref_squeeze %dma_start3A_288 : memref<1x1x128xi32, #tpu.memory_space<vmem>> -> memref<1x128xi32, #tpu.memory_space<vmem>>
          %dma_start3A_290 = arith.constant 0 : i32
          %dma_start3A_291 = tpu.memref_slice %dma_start3A_289[%run_scoped3A_222, %dma_start3A_290] : memref<1x128xi32, #tpu.memory_space<vmem>> -> memref<1x128xi32, #tpu.memory_space<vmem>>
          %dma_start3A_292 = tpu.memref_squeeze %dma_start3A_291 : memref<1x128xi32, #tpu.memory_space<vmem>> -> memref<128xi32, #tpu.memory_space<vmem>>
          %dma_start3A_293 = arith.constant 0 : i32
          %dma_start3A_294 = arith.constant 0 : i32
          %dma_start3A_295 = tpu.memref_slice %arg7[%dma_start3A_293, %dma_start3A_294] : memref<100000x128xf32, #tpu.memory_space<hbm>> -> memref<100000x128xf32, #tpu.memory_space<hbm>>
          tpu.enqueue_indirect_dma source(%arg10 : memref<128x128xf32, #tpu.memory_space<vmem>>) target(%dma_start3A_295 : memref<100000x128xf32, #tpu.memory_space<hbm>>) offsets(%dma_start3A_292 : memref<128xi32, #tpu.memory_space<vmem>>) semaphore(%run_scoped3A_285 : memref<!tpu.dma_semaphore, #tpu.memory_space<semaphore_mem>>)
          %dma_wait3A = arith.constant 0 : i32
          %dma_wait3A_296 = arith.constant 0 : i32
          %dma_wait3A_297 = tpu.memref_slice %run_scoped3A_19[%rem3A_220, %dma_wait3A, %dma_wait3A_296] : memref<2x1x128xi32, #tpu.memory_space<vmem>> -> memref<1x1x128xi32, #tpu.memory_space<vmem>>
          %dma_wait3A_298 = tpu.memref_squeeze %dma_wait3A_297 : memref<1x1x128xi32, #tpu.memory_space<vmem>> -> memref<1x128xi32, #tpu.memory_space<vmem>>
          %dma_wait3A_299 = arith.constant 0 : i32
          %dma_wait3A_300 = tpu.memref_slice %dma_wait3A_298[%run_scoped3A_222, %dma_wait3A_299] : memref<1x128xi32, #tpu.memory_space<vmem>> -> memref<1x128xi32, #tpu.memory_space<vmem>>
          %dma_wait3A_301 = tpu.memref_squeeze %dma_wait3A_300 : memref<1x128xi32, #tpu.memory_space<vmem>> -> memref<128xi32, #tpu.memory_space<vmem>>
          %dma_wait3A_302 = arith.constant 0 : i32
          %dma_wait3A_303 = arith.constant 0 : i32
          %dma_wait3A_304 = tpu.memref_slice %arg7[%dma_wait3A_302, %dma_wait3A_303] : memref<100000x128xf32, #tpu.memory_space<hbm>> -> memref<100000x128xf32, #tpu.memory_space<hbm>>
          tpu.wait_indirect_dma semaphore(%run_scoped3A_285 : memref<!tpu.dma_semaphore, #tpu.memory_space<semaphore_mem>>) src(%arg10 : memref<128x128xf32, #tpu.memory_space<vmem>>) dst(%dma_wait3A_304 : memref<100000x128xf32, #tpu.memory_space<hbm>>)
          tpu.yield
        }) : () -> ()
        "tpu.trace_stop"() : () -> ()
        %ne3A_223 = arith.cmpi ne, %add3A_150, %add3A_168 : i32
        %or3A_224 = arith.constant false
        %or3A_225 = arith.ori %or3A_224, %ne3A_223 : i1
        %or3A_226 = arith.ori %or3A_225, %eq3A_149 : i1
        %convert_element_type3A_227 = arith.extui %or3A_226 : i1 to i32
        %cond3A_228 = arith.constant 0 : i32
        %cond3A_229 = arith.cmpi ne, %convert_element_type3A_227, %cond3A_228 : i32
        scf.if %cond3A_229 {
        } else {
        }
        %and3A_230 = arith.constant false
        %and3A_231 = arith.andi %or3A_226, %and3A_230 : i1
        %ne3A_232 = arith.cmpi ne, %add3A_150, %add3A_168 : i32
        %or3A_233 = arith.constant false
        %or3A_234 = arith.ori %or3A_233, %ne3A_232 : i1
        %or3A_235 = arith.ori %or3A_234, %eq3A_149 : i1
        %convert_element_type3A_236 = arith.extui %or3A_235 : i1 to i32
        %cond3A_237 = arith.constant 0 : i32
        %cond3A_238 = arith.cmpi ne, %convert_element_type3A_236, %cond3A_237 : i32
        scf.if %cond3A_238 {
        } else {
        }
        %and3A_239 = arith.constant false
        %and3A_240 = arith.andi %or3A_235, %and3A_239 : i1
        %ne3A_241 = arith.cmpi ne, %add3A_150, %add3A_159 : i32
        %or3A_242 = arith.constant false
        %or3A_243 = arith.ori %or3A_242, %ne3A_241 : i1
        %not3A_244 = arith.constant true
        %not3A_245 = arith.xori %eq3A_147, %not3A_244 : i1
        %and3A_246 = arith.andi %or3A_243, %not3A_245 : i1
        %convert_element_type3A_247 = arith.extui %and3A_246 : i1 to i32
        %cond3A_248 = arith.constant 0 : i32
        %cond3A_249 = arith.cmpi ne, %convert_element_type3A_247, %cond3A_248 : i32
        scf.if %cond3A_249 {
        } else {
        }
        %and3A_250 = arith.constant false
        %and3A_251 = arith.andi %and3A_246, %and3A_250 : i1
        %ne3A_252 = arith.cmpi ne, %add3A_150, %add3A_159 : i32
        %or3A_253 = arith.constant false
        %or3A_254 = arith.ori %or3A_253, %ne3A_252 : i1
        %not3A_255 = arith.constant true
        %not3A_256 = arith.xori %eq3A_147, %not3A_255 : i1
        %and3A_257 = arith.andi %or3A_254, %not3A_256 : i1
        %convert_element_type3A_258 = arith.extui %and3A_257 : i1 to i32
        %cond3A_259 = arith.constant 0 : i32
        %cond3A_260 = arith.cmpi ne, %convert_element_type3A_258, %cond3A_259 : i32
        scf.if %cond3A_260 {
        } else {
        }
        %and3A_261 = arith.constant false
        %and3A_262 = arith.andi %and3A_257, %and3A_261 : i1
        %ne3A_263 = arith.cmpi ne, %add3A_150, %add3A_168 : i32
        %or3A_264 = arith.constant false
        %or3A_265 = arith.ori %or3A_264, %ne3A_263 : i1
        %or3A_266 = arith.ori %or3A_265, %eq3A_149 : i1
        %add3A_267 = arith.constant 1 : i32
        %add3A_268 = arith.addi %scan3A_142, %add3A_267 : i32
        %select_n3A_269 = arith.select %or3A_266, %add3A_268, %scan3A_142 : i32
        %ne3A_270 = arith.cmpi ne, %add3A_150, %add3A_168 : i32
        %or3A_271 = arith.constant false
        %or3A_272 = arith.ori %or3A_271, %ne3A_270 : i1
        %or3A_273 = arith.ori %or3A_272, %eq3A_149 : i1
        %add3A_274 = arith.constant 1 : i32
        %add3A_275 = arith.addi %scan3A_144, %add3A_274 : i32
        %select_n3A_276 = arith.select %or3A_273, %add3A_275, %scan3A_144 : i32
        %add3A_277 = arith.constant 1 : i32
        %add3A_278 = arith.addi %scan3A_145, %add3A_277 : i32
        %select_n3A_279 = arith.constant true
        %select_n3A_280 = arith.select %select_n3A_279, %add3A_278, %scan3A_145 : i32
        %eq3A_281 = arith.constant 2 : i32
        %eq3A_282 = arith.cmpi eq, %select_n3A_280, %eq3A_281 : i32
        %select_n3A_283 = arith.constant 0 : i32
        %select_n3A_284 = arith.select %eq3A_282, %select_n3A_283, %select_n3A_280 : i32
        scf.yield %select_n3A_186, %select_n3A_269, %select_n3A_202, %select_n3A_276, %select_n3A_284 : i32, i32, i32, i32, i32
      }
      %scan3A_104 = arith.constant 2 : i32
      %sub3A = arith.constant 1 : i32
      %sub3A_105 = arith.subi %scan3A_103#4, %sub3A : i32
      %select_n3A_106 = arith.constant true
      %select_n3A_107 = arith.select %select_n3A_106, %sub3A_105, %scan3A_103#4 : i32
      %eq3A_108 = arith.constant -1 : i32
      %eq3A_109 = arith.cmpi eq, %select_n3A_107, %eq3A_108 : i32
      %select_n3A_110 = arith.constant 1 : i32
      %select_n3A_111 = arith.select %eq3A_109, %select_n3A_110, %select_n3A_107 : i32
      %add3A_112 = arith.addi %select_n3A_111, %mul3A_6 : i32
      %sub3A_113 = arith.constant 1 : i32
      %sub3A_114 = arith.subi %select_n3A_111, %sub3A_113 : i32
      %select_n3A_115 = arith.constant true
      %select_n3A_116 = arith.select %select_n3A_115, %sub3A_114, %select_n3A_111 : i32
      %eq3A_117 = arith.constant -1 : i32
      %eq3A_118 = arith.cmpi eq, %select_n3A_116, %eq3A_117 : i32
      %select_n3A_119 = arith.constant 1 : i32
      %select_n3A_120 = arith.select %eq3A_118, %select_n3A_119, %select_n3A_116 : i32
      %add3A_121 = arith.addi %select_n3A_120, %mul3A_6 : i32
      %add3A_122 = arith.constant 1 : i32
      %add3A_123 = arith.addi %select_n3A_111, %add3A_122 : i32
      %select_n3A_124 = arith.constant true
      %select_n3A_125 = arith.select %select_n3A_124, %add3A_123, %select_n3A_111 : i32
      %eq3A_126 = arith.constant 2 : i32
      %eq3A_127 = arith.cmpi eq, %select_n3A_125, %eq3A_126 : i32
      %select_n3A_128 = arith.constant 0 : i32
      %select_n3A_129 = arith.select %eq3A_127, %select_n3A_128, %select_n3A_125 : i32
      %add3A_130 = arith.addi %select_n3A_129, %mul3A_6 : i32
      %add3A_131 = arith.constant 1 : i32
      %add3A_132 = arith.addi %select_n3A_129, %add3A_131 : i32
      %select_n3A_133 = arith.constant true
      %select_n3A_134 = arith.select %select_n3A_133, %add3A_132, %select_n3A_129 : i32
      %eq3A_135 = arith.constant 2 : i32
      %eq3A_136 = arith.cmpi eq, %select_n3A_134, %eq3A_135 : i32
      %select_n3A_137 = arith.constant 0 : i32
      %select_n3A_138 = arith.select %eq3A_136, %select_n3A_137, %select_n3A_134 : i32
      %add3A_139 = arith.addi %select_n3A_138, %mul3A_6 : i32
      tpu.yield
    }) : () -> ()
    %mul3A_7 = arith.constant 16 : i32
    %mul3A_8 = arith.muli %arg0, %mul3A_7 : i32
    %add3A_9 = arith.addi %mul3A_8, %arg1 : i32
    %mul3A_10 = arith.constant 3136 : i32
    %mul3A_11 = arith.muli %add3A_9, %mul3A_10 : i32
    "tpu.region"() ({
      %run_scoped3A_17 = tpu.sem_alloc : memref<!tpu.dma_semaphore, #tpu.memory_space<semaphore_mem>>
      %dma_start3A = tpu.memref_slice %arg6[%mul3A_11] : memref<100352xf32, #tpu.memory_space<hbm>> -> memref<3136xf32, #tpu.memory_space<hbm>>
      %dma_start3A_18 = tpu.memref_slice %arg6[%mul3A_11] : memref<100352xf32, #tpu.memory_space<hbm>> -> memref<3136xf32, #tpu.memory_space<hbm>>
      tpu.enqueue_dma source(%dma_start3A_18 : memref<3136xf32, #tpu.memory_space<hbm>>) target(%arg11 : memref<3136xf32, #tpu.memory_space<vmem>>) target_semaphore(%run_scoped3A_17 : memref<!tpu.dma_semaphore, #tpu.memory_space<semaphore_mem>>)
      %dma_wait3A = tpu.memref_slice %arg6[%mul3A_11] : memref<100352xf32, #tpu.memory_space<hbm>> -> memref<3136xf32, #tpu.memory_space<hbm>>
      %dma_wait3A_19 = tpu.memref_slice %arg6[%mul3A_11] : memref<100352xf32, #tpu.memory_space<hbm>> -> memref<3136xf32, #tpu.memory_space<hbm>>
      tpu.wait_dma2 semaphore(%run_scoped3A_17 : memref<!tpu.dma_semaphore, #tpu.memory_space<semaphore_mem>>) src(%dma_wait3A_19 : memref<3136xf32, #tpu.memory_space<hbm>>) dst(%arg11 : memref<3136xf32, #tpu.memory_space<vmem>>)
      tpu.yield
    }) : () -> ()
    %run_scoped3A = arith.constant 0 : i32
    "tpu.region"() ({
      %run_scoped3A_17 = tpu.sem_alloc : memref<!tpu.dma_semaphore, #tpu.memory_space<semaphore_mem>>
      %dma_start3A = arith.constant 0 : i32
      %dma_start3A_18 = tpu.memref_slice %arg4[%run_scoped3A, %dma_start3A] : memref<1x8192xi32, #tpu.memory_space<hbm>> -> memref<1x8192xi32, #tpu.memory_space<hbm>>
      %dma_start3A_19 = tpu.memref_squeeze %dma_start3A_18 : memref<1x8192xi32, #tpu.memory_space<hbm>> -> memref<8192xi32, #tpu.memory_space<hbm>>
      %dma_start3A_20 = arith.constant 0 : i32
      %dma_start3A_21 = tpu.memref_slice %arg4[%run_scoped3A, %dma_start3A_20] : memref<1x8192xi32, #tpu.memory_space<hbm>> -> memref<1x8192xi32, #tpu.memory_space<hbm>>
      %dma_start3A_22 = tpu.memref_squeeze %dma_start3A_21 : memref<1x8192xi32, #tpu.memory_space<hbm>> -> memref<8192xi32, #tpu.memory_space<hbm>>
      tpu.enqueue_dma source(%dma_start3A_22 : memref<8192xi32, #tpu.memory_space<hbm>>) target(%arg12 : memref<8192xi32, #tpu.memory_space<vmem>>) target_semaphore(%run_scoped3A_17 : memref<!tpu.dma_semaphore, #tpu.memory_space<semaphore_mem>>)
      %dma_wait3A = arith.constant 0 : i32
      %dma_wait3A_23 = tpu.memref_slice %arg4[%run_scoped3A, %dma_wait3A] : memref<1x8192xi32, #tpu.memory_space<hbm>> -> memref<1x8192xi32, #tpu.memory_space<hbm>>
      %dma_wait3A_24 = tpu.memref_squeeze %dma_wait3A_23 : memref<1x8192xi32, #tpu.memory_space<hbm>> -> memref<8192xi32, #tpu.memory_space<hbm>>
      %dma_wait3A_25 = arith.constant 0 : i32
      %dma_wait3A_26 = tpu.memref_slice %arg4[%run_scoped3A, %dma_wait3A_25] : memref<1x8192xi32, #tpu.memory_space<hbm>> -> memref<1x8192xi32, #tpu.memory_space<hbm>>
      %dma_wait3A_27 = tpu.memref_squeeze %dma_wait3A_26 : memref<1x8192xi32, #tpu.memory_space<hbm>> -> memref<8192xi32, #tpu.memory_space<hbm>>
      tpu.wait_dma2 semaphore(%run_scoped3A_17 : memref<!tpu.dma_semaphore, #tpu.memory_space<semaphore_mem>>) src(%dma_wait3A_27 : memref<8192xi32, #tpu.memory_space<hbm>>) dst(%arg12 : memref<8192xi32, #tpu.memory_space<vmem>>)
      tpu.yield
    }) : () -> ()
    %run_scoped3A_12 = arith.constant 0 : i32
    "tpu.region"() ({
      %run_scoped3A_17 = tpu.sem_alloc : memref<!tpu.dma_semaphore, #tpu.memory_space<semaphore_mem>>
      %dma_start3A = arith.constant 0 : i32
      %dma_start3A_18 = tpu.memref_slice %arg3[%run_scoped3A_12, %dma_start3A] : memref<1x8192xi32, #tpu.memory_space<hbm>> -> memref<1x8192xi32, #tpu.memory_space<hbm>>
      %dma_start3A_19 = tpu.memref_squeeze %dma_start3A_18 : memref<1x8192xi32, #tpu.memory_space<hbm>> -> memref<8192xi32, #tpu.memory_space<hbm>>
      %dma_start3A_20 = arith.constant 0 : i32
      %dma_start3A_21 = tpu.memref_slice %arg3[%run_scoped3A_12, %dma_start3A_20] : memref<1x8192xi32, #tpu.memory_space<hbm>> -> memref<1x8192xi32, #tpu.memory_space<hbm>>
      %dma_start3A_22 = tpu.memref_squeeze %dma_start3A_21 : memref<1x8192xi32, #tpu.memory_space<hbm>> -> memref<8192xi32, #tpu.memory_space<hbm>>
      tpu.enqueue_dma source(%dma_start3A_22 : memref<8192xi32, #tpu.memory_space<hbm>>) target(%arg13 : memref<8192xi32, #tpu.memory_space<vmem>>) target_semaphore(%run_scoped3A_17 : memref<!tpu.dma_semaphore, #tpu.memory_space<semaphore_mem>>)
      %dma_wait3A = arith.constant 0 : i32
      %dma_wait3A_23 = tpu.memref_slice %arg3[%run_scoped3A_12, %dma_wait3A] : memref<1x8192xi32, #tpu.memory_space<hbm>> -> memref<1x8192xi32, #tpu.memory_space<hbm>>
      %dma_wait3A_24 = tpu.memref_squeeze %dma_wait3A_23 : memref<1x8192xi32, #tpu.memory_space<hbm>> -> memref<8192xi32, #tpu.memory_space<hbm>>
      %dma_wait3A_25 = arith.constant 0 : i32
      %dma_wait3A_26 = tpu.memref_slice %arg3[%run_scoped3A_12, %dma_wait3A_25] : memref<1x8192xi32, #tpu.memory_space<hbm>> -> memref<1x8192xi32, #tpu.memory_space<hbm>>
      %dma_wait3A_27 = tpu.memref_squeeze %dma_wait3A_26 : memref<1x8192xi32, #tpu.memory_space<hbm>> -> memref<8192xi32, #tpu.memory_space<hbm>>
      tpu.wait_dma2 semaphore(%run_scoped3A_17 : memref<!tpu.dma_semaphore, #tpu.memory_space<semaphore_mem>>) src(%dma_wait3A_27 : memref<8192xi32, #tpu.memory_space<hbm>>) dst(%arg13 : memref<8192xi32, #tpu.memory_space<vmem>>)
      tpu.yield
    }) : () -> ()
    "tpu.region"() ({
      %run_scoped3A_17 = tpu.sem_alloc : memref<!tpu.dma_semaphore, #tpu.memory_space<semaphore_mem>>
      tpu.enqueue_dma source(%arg5 : memref<8192xf32, #tpu.memory_space<hbm>>) target(%arg14 : memref<8192xf32, #tpu.memory_space<vmem>>) target_semaphore(%run_scoped3A_17 : memref<!tpu.dma_semaphore, #tpu.memory_space<semaphore_mem>>)
      tpu.wait_dma2 semaphore(%run_scoped3A_17 : memref<!tpu.dma_semaphore, #tpu.memory_space<semaphore_mem>>) src(%arg5 : memref<8192xf32, #tpu.memory_space<hbm>>) dst(%arg14 : memref<8192xf32, #tpu.memory_space<vmem>>)
      tpu.yield
    }) : () -> ()
    %scan3A = arith.constant 0 : i32
    %scan3A_13 = arith.constant 512 : i32
    %scan3A_14 = arith.addi %scan3A, %scan3A_13 : i32
    %scan3A_15 = arith.constant 1 : i32
    scf.for %scan3A_17 = %scan3A to %scan3A_14 step %scan3A_15  : i32 {
      %mul3A_18 = arith.constant 1 : i32
      %mul3A_19 = arith.muli %scan3A_17, %mul3A_18 : i32
      %add3A_20 = arith.constant 0 : i32
      %add3A_21 = arith.addi %add3A_20, %mul3A_19 : i32
      %mul3A_22 = arith.constant 16 : i32
      %mul3A_23 = arith.muli %add3A_21, %mul3A_22 : i32
      %get3A = arith.index_cast %mul3A_23 : i32 to index
      %get3A_24 = tpu.vector_load %arg12[%get3A] {strides = array<i32>} : memref<8192xi32, #tpu.memory_space<vmem>>, vector<16xi32>,
      %mul3A_25 = arith.constant 16 : i32
      %mul3A_26 = arith.muli %add3A_21, %mul3A_25 : i32
      %get3A_27 = arith.index_cast %mul3A_26 : i32 to index
      %get3A_28 = tpu.vector_load %arg13[%get3A_27] {strides = array<i32>} : memref<8192xi32, #tpu.memory_space<vmem>>, vector<16xi32>,
      %gather3A = tpu.vector_load_idx %arg14[%get3A_28] : memref<8192xf32, #tpu.memory_space<vmem>>[vector<16xi32>], vector<16xf32>,
      %ge3A = vector.broadcast %mul3A_11 : i32 to vector<16xi32>
      %ge3A_29 = arith.cmpi sge, %get3A_24, %ge3A : vector<16xi32>
      %add3A_30 = arith.constant 3136 : i32
      %add3A_31 = arith.addi %mul3A_11, %add3A_30 : i32
      %lt3A = vector.broadcast %add3A_31 : i32 to vector<16xi32>
      %lt3A_32 = arith.cmpi slt, %get3A_24, %lt3A : vector<16xi32>
      %and3A = arith.andi %ge3A_29, %lt3A_32 : vector<16xi1>
      %sub3A = vector.broadcast %mul3A_11 : i32 to vector<16xi32>
      %sub3A_33 = arith.subi %get3A_24, %sub3A : vector<16xi32>
      tpu.vector_store_idx %arg11[%sub3A_33], %gather3A masked %and3A : memref<3136xf32, #tpu.memory_space<vmem>>[vector<16xi32>], vector<16xf32>, vector<16xi1>
    }
    %scan3A_16 = arith.constant 512 : i32
    "tpu.region"() ({
      %run_scoped3A_17 = tpu.sem_alloc : memref<!tpu.dma_semaphore, #tpu.memory_space<semaphore_mem>>
      %dma_start3A = tpu.memref_slice %arg8[%mul3A_11] : memref<100352xf32, #tpu.memory_space<hbm>> -> memref<3136xf32, #tpu.memory_space<hbm>>
      %dma_start3A_18 = tpu.memref_slice %arg8[%mul3A_11] : memref<100352xf32, #tpu.memory_space<hbm>> -> memref<3136xf32, #tpu.memory_space<hbm>>
      tpu.enqueue_dma source(%arg11 : memref<3136xf32, #tpu.memory_space<vmem>>) target(%dma_start3A_18 : memref<3136xf32, #tpu.memory_space<hbm>>) target_semaphore(%run_scoped3A_17 : memref<!tpu.dma_semaphore, #tpu.memory_space<semaphore_mem>>)
      %dma_wait3A = tpu.memref_slice %arg8[%mul3A_11] : memref<100352xf32, #tpu.memory_space<hbm>> -> memref<3136xf32, #tpu.memory_space<hbm>>
      %dma_wait3A_19 = tpu.memref_slice %arg8[%mul3A_11] : memref<100352xf32, #tpu.memory_space<hbm>> -> memref<3136xf32, #tpu.memory_space<hbm>>
      tpu.wait_dma2 semaphore(%run_scoped3A_17 : memref<!tpu.dma_semaphore, #tpu.memory_space<semaphore_mem>>) src(%arg11 : memref<3136xf32, #tpu.memory_space<vmem>>) dst(%dma_wait3A_19 : memref<3136xf32, #tpu.memory_space<hbm>>)
      tpu.yield
    }) : () -> ()
    return
  }
}

module attributes {stable_mosaic.version = 14 : i64} {
  func.func @_attn_body(%arg0: i32, %arg1: memref<64x128xf32, #tpu.memory_space<vmem>>, %arg2: memref<64x128xf32, #tpu.memory_space<vmem>>, %arg3: memref<1024x128xf32, #tpu.memory_space<vmem>>, %arg4: memref<1024x128xf32, #tpu.memory_space<vmem>>, %arg5: memref<1024x16xf32, #tpu.memory_space<vmem>>, %arg6: memref<1024x1xf32, #tpu.memory_space<vmem>>, %arg7: memref<64x1024xf32, #tpu.memory_space<vmem>>, %arg8: memref<1x100xf32, #tpu.memory_space<vmem>>, %arg9: memref<1x100xf32, #tpu.memory_space<vmem>>, %arg10: memref<128x128xf32, #tpu.memory_space<vmem>>, %arg11: memref<100x128xf32, #tpu.memory_space<vmem>>, %arg12: memref<1x128xf32, #tpu.memory_space<vmem>>, %arg13: memref<128x128xf32, #tpu.memory_space<vmem>>, %arg14: memref<16x128xf32, #tpu.memory_space<vmem>>, %arg15: memref<100x128xf32, #tpu.memory_space<vmem>>, %arg16: memref<1x128xf32, #tpu.memory_space<vmem>>, %arg17: memref<128x128xf32, #tpu.memory_space<vmem>>, %arg18: memref<16x128xf32, #tpu.memory_space<vmem>>, %arg19: memref<100x128xf32, #tpu.memory_space<vmem>>, %arg20: memref<1x128xf32, #tpu.memory_space<vmem>>, %arg21: memref<128x128xf32, #tpu.memory_space<vmem>>, %arg22: memref<1x128xf32, #tpu.memory_space<vmem>>, %arg23: memref<64x128xf32, #tpu.memory_space<vmem>>) attributes {dimension_semantics = [#tpu.dimension_semantics<arbitrary>], iteration_bounds = array<i64: 192>, scalar_prefetch = 0 : i64, scratch_operands = 0 : i64, tpu.core_type = #tpu.core_type<tc>, window_params = [{transform_indices = @transform_0, window_bounds = array<i64: 64, 128>}, {transform_indices = @transform_1, window_bounds = array<i64: 64, 128>}, {transform_indices = @transform_2, window_bounds = array<i64: 1024, 128>}, {transform_indices = @transform_3, window_bounds = array<i64: 1024, 128>}, {transform_indices = @transform_4, window_bounds = array<i64: 1024, 16>}, {transform_indices = @transform_5, window_bounds = array<i64: 1024, 1>}, {pipeline_mode = #tpu.pipeline_mode<synchronous>, transform_indices = @transform_6, window_bounds = array<i64: 64, 1024>}, {pipeline_mode = #tpu.pipeline_mode<synchronous>, transform_indices = @transform_7, window_bounds = array<i64: 1, 100>}, {pipeline_mode = #tpu.pipeline_mode<synchronous>, transform_indices = @transform_8, window_bounds = array<i64: 1, 100>}, {pipeline_mode = #tpu.pipeline_mode<synchronous>, transform_indices = @transform_9, window_bounds = array<i64: 128, 128>}, {pipeline_mode = #tpu.pipeline_mode<synchronous>, transform_indices = @transform_10, window_bounds = array<i64: 100, 128>}, {pipeline_mode = #tpu.pipeline_mode<synchronous>, transform_indices = @transform_11, window_bounds = array<i64: 1, 128>}, {pipeline_mode = #tpu.pipeline_mode<synchronous>, transform_indices = @transform_12, window_bounds = array<i64: 128, 128>}, {pipeline_mode = #tpu.pipeline_mode<synchronous>, transform_indices = @transform_13, window_bounds = array<i64: 16, 128>}, {pipeline_mode = #tpu.pipeline_mode<synchronous>, transform_indices = @transform_14, window_bounds = array<i64: 100, 128>}, {pipeline_mode = #tpu.pipeline_mode<synchronous>, transform_indices = @transform_15, window_bounds = array<i64: 1, 128>}, {pipeline_mode = #tpu.pipeline_mode<synchronous>, transform_indices = @transform_16, window_bounds = array<i64: 128, 128>}, {pipeline_mode = #tpu.pipeline_mode<synchronous>, transform_indices = @transform_17, window_bounds = array<i64: 16, 128>}, {pipeline_mode = #tpu.pipeline_mode<synchronous>, transform_indices = @transform_18, window_bounds = array<i64: 100, 128>}, {pipeline_mode = #tpu.pipeline_mode<synchronous>, transform_indices = @transform_19, window_bounds = array<i64: 1, 128>}, {pipeline_mode = #tpu.pipeline_mode<synchronous>, transform_indices = @transform_20, window_bounds = array<i64: 128, 128>}, {pipeline_mode = #tpu.pipeline_mode<synchronous>, transform_indices = @transform_21, window_bounds = array<i64: 1, 128>}, {transform_indices = @transform_22, window_bounds = array<i64: 64, 128>}]} {
    %get3A = arith.constant 0 : index
    %get3A_0 = arith.constant 0 : index
    %get3A_1 = vector.load %arg2[%get3A, %get3A_0] : memref<64x128xf32, #tpu.memory_space<vmem>>, vector<64x128xf32>
    %get3A_2 = arith.constant 0 : index
    %get3A_3 = arith.constant 0 : index
    %get3A_4 = vector.load %arg1[%get3A_2, %get3A_3] : memref<64x128xf32, #tpu.memory_space<vmem>>, vector<64x128xf32>
    %add3A = arith.addf %get3A_1, %get3A_4 : vector<64x128xf32>
    %get3A_5 = arith.constant 0 : index
    %get3A_6 = arith.constant 0 : index
    %get3A_7 = vector.load %arg9[%get3A_5, %get3A_6] : memref<1x100xf32, #tpu.memory_space<vmem>>, vector<1x100xf32>
    %mul3A = arith.constant 0.159154937 : f32
    %mul3A_8 = vector.broadcast %mul3A : f32 to vector<1x100xf32>
    %mul3A_9 = arith.mulf %get3A_7, %mul3A_8 : vector<1x100xf32>
    %add3A_10 = arith.constant 5.000000e-01 : f32
    %add3A_11 = vector.broadcast %add3A_10 : f32 to vector<1x100xf32>
    %add3A_12 = arith.addf %mul3A_9, %add3A_11 : vector<1x100xf32>
    %floor3A = math.floor %add3A_12 : vector<1x100xf32>
    %mul3A_13 = arith.constant 6.281250e+00 : f32
    %mul3A_14 = vector.broadcast %mul3A_13 : f32 to vector<1x100xf32>
    %mul3A_15 = arith.mulf %floor3A, %mul3A_14 : vector<1x100xf32>
    %sub3A = arith.subf %get3A_7, %mul3A_15 : vector<1x100xf32>
    %mul3A_16 = arith.constant 0.00193530717 : f32
    %mul3A_17 = vector.broadcast %mul3A_16 : f32 to vector<1x100xf32>
    %mul3A_18 = arith.mulf %floor3A, %mul3A_17 : vector<1x100xf32>
    %sub3A_19 = arith.subf %sub3A, %mul3A_18 : vector<1x100xf32>
    %mul3A_20 = arith.mulf %sub3A_19, %sub3A_19 : vector<1x100xf32>
    %broadcast_in_dim3A = arith.constant -9.76868586E-12 : f32
    %broadcast_in_dim3A_21 = vector.broadcast %broadcast_in_dim3A : f32 to vector<1x100xf32>
    %mul3A_22 = arith.mulf %broadcast_in_dim3A_21, %mul3A_20 : vector<1x100xf32>
    %add3A_23 = arith.constant 2.06213202E-9 : f32
    %add3A_24 = vector.broadcast %add3A_23 : f32 to vector<1x100xf32>
    %add3A_25 = arith.addf %mul3A_22, %add3A_24 : vector<1x100xf32>
    %mul3A_26 = arith.mulf %add3A_25, %mul3A_20 : vector<1x100xf32>
    %add3A_27 = arith.constant -2.75374788E-7 : f32
    %add3A_28 = vector.broadcast %add3A_27 : f32 to vector<1x100xf32>
    %add3A_29 = arith.addf %mul3A_26, %add3A_28 : vector<1x100xf32>
    %mul3A_30 = arith.mulf %add3A_29, %mul3A_20 : vector<1x100xf32>
    %add3A_31 = arith.constant 2.48007545E-5 : f32
    %add3A_32 = vector.broadcast %add3A_31 : f32 to vector<1x100xf32>
    %add3A_33 = arith.addf %mul3A_30, %add3A_32 : vector<1x100xf32>
    %mul3A_34 = arith.mulf %add3A_33, %mul3A_20 : vector<1x100xf32>
    %add3A_35 = arith.constant -0.00138888706 : f32
    %add3A_36 = vector.broadcast %add3A_35 : f32 to vector<1x100xf32>
    %add3A_37 = arith.addf %mul3A_34, %add3A_36 : vector<1x100xf32>
    %mul3A_38 = arith.mulf %add3A_37, %mul3A_20 : vector<1x100xf32>
    %add3A_39 = arith.constant 0.0416666642 : f32
    %add3A_40 = vector.broadcast %add3A_39 : f32 to vector<1x100xf32>
    %add3A_41 = arith.addf %mul3A_38, %add3A_40 : vector<1x100xf32>
    %mul3A_42 = arith.mulf %add3A_41, %mul3A_20 : vector<1x100xf32>
    %add3A_43 = arith.constant -5.000000e-01 : f32
    %add3A_44 = vector.broadcast %add3A_43 : f32 to vector<1x100xf32>
    %add3A_45 = arith.addf %mul3A_42, %add3A_44 : vector<1x100xf32>
    %mul3A_46 = arith.mulf %add3A_45, %mul3A_20 : vector<1x100xf32>
    %add3A_47 = arith.constant 1.000000e+00 : f32
    %add3A_48 = vector.broadcast %add3A_47 : f32 to vector<1x100xf32>
    %add3A_49 = arith.addf %mul3A_46, %add3A_48 : vector<1x100xf32>
    %get3A_50 = arith.constant 0 : index
    %get3A_51 = arith.constant 0 : index
    %get3A_52 = vector.load %arg10[%get3A_50, %get3A_51] : memref<128x128xf32, #tpu.memory_space<vmem>>, vector<128x128xf32>
    %dot_general3A = arith.constant dense<0.000000e+00> : vector<64x128xf32>
    %dot_general3A_53 = tpu.matmul %add3A, %get3A_52, %dot_general3A {dimension_numbers = #tpu.dot_dimension_numbers<[1], [0], [0], [1], [0, 0, 1, 1], [], []>, transpose_lhs_hint = false} : vector<64x128xf32>, vector<128x128xf32>, vector<64x128xf32> -> vector<64x128xf32>
    %get3A_54 = arith.constant 0 : index
    %get3A_55 = arith.constant 0 : index
    %get3A_56 = vector.load %arg11[%get3A_54, %get3A_55] : memref<100x128xf32, #tpu.memory_space<vmem>>, vector<100x128xf32>
    %dot_general3A_57 = arith.constant dense<0.000000e+00> : vector<1x128xf32>
    %dot_general3A_58 = tpu.matmul %add3A_49, %get3A_56, %dot_general3A_57 {dimension_numbers = #tpu.dot_dimension_numbers<[1], [0], [0], [1], [0, 0, 1, 1], [], []>, transpose_lhs_hint = false} : vector<1x100xf32>, vector<100x128xf32>, vector<1x128xf32> -> vector<1x128xf32>
    %add3A_59 = vector.broadcast %dot_general3A_58 : vector<1x128xf32> to vector<64x128xf32>
    %add3A_60 = arith.addf %dot_general3A_53, %add3A_59 : vector<64x128xf32>
    %get3A_61 = arith.constant 0 : index
    %get3A_62 = arith.constant 0 : index
    %get3A_63 = vector.load %arg12[%get3A_61, %get3A_62] : memref<1x128xf32, #tpu.memory_space<vmem>>, vector<1x128xf32>
    %add3A_64 = vector.broadcast %get3A_63 : vector<1x128xf32> to vector<64x128xf32>
    %add3A_65 = arith.addf %add3A_60, %add3A_64 : vector<64x128xf32>
    %get3A_66 = arith.constant 0 : index
    %get3A_67 = arith.constant 0 : index
    %get3A_68 = vector.load %arg4[%get3A_66, %get3A_67] : memref<1024x128xf32, #tpu.memory_space<vmem>>, vector<1024x128xf32>
    %get3A_69 = arith.constant 0 : index
    %get3A_70 = arith.constant 0 : index
    %get3A_71 = vector.load %arg3[%get3A_69, %get3A_70] : memref<1024x128xf32, #tpu.memory_space<vmem>>, vector<1024x128xf32>
    %add3A_72 = arith.addf %get3A_68, %get3A_71 : vector<1024x128xf32>
    %get3A_73 = arith.constant 0 : index
    %get3A_74 = arith.constant 0 : index
    %get3A_75 = vector.load %arg6[%get3A_73, %get3A_74] : memref<1024x1xf32, #tpu.memory_space<vmem>>, vector<1024x1xf32>
    %get3A_76 = arith.constant 0 : index
    %get3A_77 = arith.constant 0 : index
    %get3A_78 = vector.load %arg8[%get3A_76, %get3A_77] : memref<1x100xf32, #tpu.memory_space<vmem>>, vector<1x100xf32>
    %mul3A_79 = vector.broadcast %get3A_75 : vector<1024x1xf32> to vector<1024x100xf32>
    %mul3A_80 = vector.broadcast %get3A_78 : vector<1x100xf32> to vector<1024x100xf32>
    %mul3A_81 = arith.mulf %mul3A_79, %mul3A_80 : vector<1024x100xf32>
    %get3A_82 = arith.constant 0 : index
    %get3A_83 = arith.constant 0 : index
    %get3A_84 = vector.load %arg9[%get3A_82, %get3A_83] : memref<1x100xf32, #tpu.memory_space<vmem>>, vector<1x100xf32>
    %add3A_85 = vector.broadcast %get3A_84 : vector<1x100xf32> to vector<1024x100xf32>
    %add3A_86 = arith.addf %mul3A_81, %add3A_85 : vector<1024x100xf32>
    %mul3A_87 = arith.constant 0.159154937 : f32
    %mul3A_88 = vector.broadcast %mul3A_87 : f32 to vector<1024x100xf32>
    %mul3A_89 = arith.mulf %add3A_86, %mul3A_88 : vector<1024x100xf32>
    %add3A_90 = arith.constant 5.000000e-01 : f32
    %add3A_91 = vector.broadcast %add3A_90 : f32 to vector<1024x100xf32>
    %add3A_92 = arith.addf %mul3A_89, %add3A_91 : vector<1024x100xf32>
    %floor3A_93 = math.floor %add3A_92 : vector<1024x100xf32>
    %mul3A_94 = arith.constant 6.281250e+00 : f32
    %mul3A_95 = vector.broadcast %mul3A_94 : f32 to vector<1024x100xf32>
    %mul3A_96 = arith.mulf %floor3A_93, %mul3A_95 : vector<1024x100xf32>
    %sub3A_97 = arith.subf %add3A_86, %mul3A_96 : vector<1024x100xf32>
    %mul3A_98 = arith.constant 0.00193530717 : f32
    %mul3A_99 = vector.broadcast %mul3A_98 : f32 to vector<1024x100xf32>
    %mul3A_100 = arith.mulf %floor3A_93, %mul3A_99 : vector<1024x100xf32>
    %sub3A_101 = arith.subf %sub3A_97, %mul3A_100 : vector<1024x100xf32>
    %mul3A_102 = arith.mulf %sub3A_101, %sub3A_101 : vector<1024x100xf32>
    %broadcast_in_dim3A_103 = arith.constant -9.76868586E-12 : f32
    %broadcast_in_dim3A_104 = vector.broadcast %broadcast_in_dim3A_103 : f32 to vector<1024x100xf32>
    %mul3A_105 = arith.mulf %broadcast_in_dim3A_104, %mul3A_102 : vector<1024x100xf32>
    %add3A_106 = arith.constant 2.06213202E-9 : f32
    %add3A_107 = vector.broadcast %add3A_106 : f32 to vector<1024x100xf32>
    %add3A_108 = arith.addf %mul3A_105, %add3A_107 : vector<1024x100xf32>
    %mul3A_109 = arith.mulf %add3A_108, %mul3A_102 : vector<1024x100xf32>
    %add3A_110 = arith.constant -2.75374788E-7 : f32
    %add3A_111 = vector.broadcast %add3A_110 : f32 to vector<1024x100xf32>
    %add3A_112 = arith.addf %mul3A_109, %add3A_111 : vector<1024x100xf32>
    %mul3A_113 = arith.mulf %add3A_112, %mul3A_102 : vector<1024x100xf32>
    %add3A_114 = arith.constant 2.48007545E-5 : f32
    %add3A_115 = vector.broadcast %add3A_114 : f32 to vector<1024x100xf32>
    %add3A_116 = arith.addf %mul3A_113, %add3A_115 : vector<1024x100xf32>
    %mul3A_117 = arith.mulf %add3A_116, %mul3A_102 : vector<1024x100xf32>
    %add3A_118 = arith.constant -0.00138888706 : f32
    %add3A_119 = vector.broadcast %add3A_118 : f32 to vector<1024x100xf32>
    %add3A_120 = arith.addf %mul3A_117, %add3A_119 : vector<1024x100xf32>
    %mul3A_121 = arith.mulf %add3A_120, %mul3A_102 : vector<1024x100xf32>
    %add3A_122 = arith.constant 0.0416666642 : f32
    %add3A_123 = vector.broadcast %add3A_122 : f32 to vector<1024x100xf32>
    %add3A_124 = arith.addf %mul3A_121, %add3A_123 : vector<1024x100xf32>
    %mul3A_125 = arith.mulf %add3A_124, %mul3A_102 : vector<1024x100xf32>
    %add3A_126 = arith.constant -5.000000e-01 : f32
    %add3A_127 = vector.broadcast %add3A_126 : f32 to vector<1024x100xf32>
    %add3A_128 = arith.addf %mul3A_125, %add3A_127 : vector<1024x100xf32>
    %mul3A_129 = arith.mulf %add3A_128, %mul3A_102 : vector<1024x100xf32>
    %add3A_130 = arith.constant 1.000000e+00 : f32
    %add3A_131 = vector.broadcast %add3A_130 : f32 to vector<1024x100xf32>
    %add3A_132 = arith.addf %mul3A_129, %add3A_131 : vector<1024x100xf32>
    %get3A_133 = arith.constant 0 : index
    %get3A_134 = arith.constant 0 : index
    %get3A_135 = vector.load %arg13[%get3A_133, %get3A_134] : memref<128x128xf32, #tpu.memory_space<vmem>>, vector<128x128xf32>
    %dot_general3A_136 = arith.constant dense<0.000000e+00> : vector<1024x128xf32>
    %dot_general3A_137 = tpu.matmul %add3A_72, %get3A_135, %dot_general3A_136 {dimension_numbers = #tpu.dot_dimension_numbers<[1], [0], [0], [1], [0, 0, 1, 1], [], []>, transpose_lhs_hint = false} : vector<1024x128xf32>, vector<128x128xf32>, vector<1024x128xf32> -> vector<1024x128xf32>
    %get3A_138 = arith.constant 0 : index
    %get3A_139 = arith.constant 0 : index
    %get3A_140 = vector.load %arg5[%get3A_138, %get3A_139] : memref<1024x16xf32, #tpu.memory_space<vmem>>, vector<1024x16xf32>
    %get3A_141 = arith.constant 0 : index
    %get3A_142 = arith.constant 0 : index
    %get3A_143 = vector.load %arg14[%get3A_141, %get3A_142] : memref<16x128xf32, #tpu.memory_space<vmem>>, vector<16x128xf32>
    %dot_general3A_144 = arith.constant dense<0.000000e+00> : vector<1024x128xf32>
    %dot_general3A_145 = tpu.matmul %get3A_140, %get3A_143, %dot_general3A_144 {dimension_numbers = #tpu.dot_dimension_numbers<[1], [0], [0], [1], [0, 0, 1, 1], [], []>, transpose_lhs_hint = false} : vector<1024x16xf32>, vector<16x128xf32>, vector<1024x128xf32> -> vector<1024x128xf32>
    %add3A_146 = arith.addf %dot_general3A_137, %dot_general3A_145 : vector<1024x128xf32>
    %get3A_147 = arith.constant 0 : index
    %get3A_148 = arith.constant 0 : index
    %get3A_149 = vector.load %arg15[%get3A_147, %get3A_148] : memref<100x128xf32, #tpu.memory_space<vmem>>, vector<100x128xf32>
    %dot_general3A_150 = arith.constant dense<0.000000e+00> : vector<1024x128xf32>
    %dot_general3A_151 = tpu.matmul %add3A_132, %get3A_149, %dot_general3A_150 {dimension_numbers = #tpu.dot_dimension_numbers<[1], [0], [0], [1], [0, 0, 1, 1], [], []>, transpose_lhs_hint = false} : vector<1024x100xf32>, vector<100x128xf32>, vector<1024x128xf32> -> vector<1024x128xf32>
    %add3A_152 = arith.addf %add3A_146, %dot_general3A_151 : vector<1024x128xf32>
    %get3A_153 = arith.constant 0 : index
    %get3A_154 = arith.constant 0 : index
    %get3A_155 = vector.load %arg16[%get3A_153, %get3A_154] : memref<1x128xf32, #tpu.memory_space<vmem>>, vector<1x128xf32>
    %add3A_156 = vector.broadcast %get3A_155 : vector<1x128xf32> to vector<1024x128xf32>
    %add3A_157 = arith.addf %add3A_152, %add3A_156 : vector<1024x128xf32>
    %get3A_158 = arith.constant 0 : index
    %get3A_159 = arith.constant 0 : index
    %get3A_160 = vector.load %arg17[%get3A_158, %get3A_159] : memref<128x128xf32, #tpu.memory_space<vmem>>, vector<128x128xf32>
    %dot_general3A_161 = arith.constant dense<0.000000e+00> : vector<1024x128xf32>
    %dot_general3A_162 = tpu.matmul %add3A_72, %get3A_160, %dot_general3A_161 {dimension_numbers = #tpu.dot_dimension_numbers<[1], [0], [0], [1], [0, 0, 1, 1], [], []>, transpose_lhs_hint = false} : vector<1024x128xf32>, vector<128x128xf32>, vector<1024x128xf32> -> vector<1024x128xf32>
    %get3A_163 = arith.constant 0 : index
    %get3A_164 = arith.constant 0 : index
    %get3A_165 = vector.load %arg5[%get3A_163, %get3A_164] : memref<1024x16xf32, #tpu.memory_space<vmem>>, vector<1024x16xf32>
    %get3A_166 = arith.constant 0 : index
    %get3A_167 = arith.constant 0 : index
    %get3A_168 = vector.load %arg18[%get3A_166, %get3A_167] : memref<16x128xf32, #tpu.memory_space<vmem>>, vector<16x128xf32>
    %dot_general3A_169 = arith.constant dense<0.000000e+00> : vector<1024x128xf32>
    %dot_general3A_170 = tpu.matmul %get3A_165, %get3A_168, %dot_general3A_169 {dimension_numbers = #tpu.dot_dimension_numbers<[1], [0], [0], [1], [0, 0, 1, 1], [], []>, transpose_lhs_hint = false} : vector<1024x16xf32>, vector<16x128xf32>, vector<1024x128xf32> -> vector<1024x128xf32>
    %add3A_171 = arith.addf %dot_general3A_162, %dot_general3A_170 : vector<1024x128xf32>
    %get3A_172 = arith.constant 0 : index
    %get3A_173 = arith.constant 0 : index
    %get3A_174 = vector.load %arg19[%get3A_172, %get3A_173] : memref<100x128xf32, #tpu.memory_space<vmem>>, vector<100x128xf32>
    %dot_general3A_175 = arith.constant dense<0.000000e+00> : vector<1024x128xf32>
    %dot_general3A_176 = tpu.matmul %add3A_132, %get3A_174, %dot_general3A_175 {dimension_numbers = #tpu.dot_dimension_numbers<[1], [0], [0], [1], [0, 0, 1, 1], [], []>, transpose_lhs_hint = false} : vector<1024x100xf32>, vector<100x128xf32>, vector<1024x128xf32> -> vector<1024x128xf32>
    %add3A_177 = arith.addf %add3A_171, %dot_general3A_176 : vector<1024x128xf32>
    %get3A_178 = arith.constant 0 : index
    %get3A_179 = arith.constant 0 : index
    %get3A_180 = vector.load %arg20[%get3A_178, %get3A_179] : memref<1x128xf32, #tpu.memory_space<vmem>>, vector<1x128xf32>
    %add3A_181 = vector.broadcast %get3A_180 : vector<1x128xf32> to vector<1024x128xf32>
    %add3A_182 = arith.addf %add3A_177, %add3A_181 : vector<1024x128xf32>
    %get3A_183 = arith.constant 0 : index
    %get3A_184 = arith.constant 0 : index
    %get3A_185 = vector.load %arg7[%get3A_183, %get3A_184] : memref<64x1024xf32, #tpu.memory_space<vmem>>, vector<64x1024xf32>
    %slice3A = vector.extract_strided_slice %add3A_65 {offsets = [0, 0], sizes = [64, 64], strides = [1, 1]} : vector<64x128xf32> to vector<64x64xf32>
    %mul3A_186 = arith.constant 1.250000e-01 : f32
    %mul3A_187 = vector.broadcast %mul3A_186 : f32 to vector<64x64xf32>
    %mul3A_188 = arith.mulf %slice3A, %mul3A_187 : vector<64x64xf32>
    %slice3A_189 = vector.extract_strided_slice %add3A_157 {offsets = [0, 0], sizes = [1024, 64], strides = [1, 1]} : vector<1024x128xf32> to vector<1024x64xf32>
    %slice3A_190 = vector.extract_strided_slice %add3A_182 {offsets = [0, 0], sizes = [1024, 64], strides = [1, 1]} : vector<1024x128xf32> to vector<1024x64xf32>
    %dot_general3A_191 = arith.constant dense<0.000000e+00> : vector<64x1024xf32>
    %dot_general3A_192 = tpu.matmul %mul3A_188, %slice3A_189, %dot_general3A_191 {dimension_numbers = #tpu.dot_dimension_numbers<[1], [1], [0], [0], [0, 0, 1, 0], [], []>, transpose_lhs_hint = false} : vector<64x64xf32>, vector<1024x64xf32>, vector<64x1024xf32> -> vector<64x1024xf32>
    %add3A_193 = arith.addf %dot_general3A_192, %get3A_185 : vector<64x1024xf32>
    %exp3A = math.exp %add3A_193 : vector<64x1024xf32>
    %reduce_sum3A = arith.constant dense<0.000000e+00> : vector<64xf32>
    %reduce_sum3A_194 = vector.multi_reduction <add>, %exp3A, %reduce_sum3A [1] : vector<64x1024xf32> to vector<64xf32>
    %broadcast_in_dim3A_195 = vector.shape_cast %reduce_sum3A_194 : vector<64xf32> to vector<64x1xf32>
    %div3A = vector.broadcast %broadcast_in_dim3A_195 : vector<64x1xf32> to vector<64x1024xf32>
    %div3A_196 = arith.divf %exp3A, %div3A : vector<64x1024xf32>
    %dot_general3A_197 = arith.constant dense<0.000000e+00> : vector<64x64xf32>
    %dot_general3A_198 = tpu.matmul %div3A_196, %slice3A_190, %dot_general3A_197 {dimension_numbers = #tpu.dot_dimension_numbers<[1], [0], [0], [1], [0, 0, 1, 1], [], []>, transpose_lhs_hint = false} : vector<64x1024xf32>, vector<1024x64xf32>, vector<64x64xf32> -> vector<64x64xf32>
    %slice3A_199 = vector.extract_strided_slice %add3A_65 {offsets = [0, 64], sizes = [64, 64], strides = [1, 1]} : vector<64x128xf32> to vector<64x64xf32>
    %mul3A_200 = arith.constant 1.250000e-01 : f32
    %mul3A_201 = vector.broadcast %mul3A_200 : f32 to vector<64x64xf32>
    %mul3A_202 = arith.mulf %slice3A_199, %mul3A_201 : vector<64x64xf32>
    %slice3A_203 = vector.extract_strided_slice %add3A_157 {offsets = [0, 64], sizes = [1024, 64], strides = [1, 1]} : vector<1024x128xf32> to vector<1024x64xf32>
    %slice3A_204 = vector.extract_strided_slice %add3A_182 {offsets = [0, 64], sizes = [1024, 64], strides = [1, 1]} : vector<1024x128xf32> to vector<1024x64xf32>
    %dot_general3A_205 = arith.constant dense<0.000000e+00> : vector<64x1024xf32>
    %dot_general3A_206 = tpu.matmul %mul3A_202, %slice3A_203, %dot_general3A_205 {dimension_numbers = #tpu.dot_dimension_numbers<[1], [1], [0], [0], [0, 0, 1, 0], [], []>, transpose_lhs_hint = false} : vector<64x64xf32>, vector<1024x64xf32>, vector<64x1024xf32> -> vector<64x1024xf32>
    %add3A_207 = arith.addf %dot_general3A_206, %get3A_185 : vector<64x1024xf32>
    %exp3A_208 = math.exp %add3A_207 : vector<64x1024xf32>
    %reduce_sum3A_209 = arith.constant dense<0.000000e+00> : vector<64xf32>
    %reduce_sum3A_210 = vector.multi_reduction <add>, %exp3A_208, %reduce_sum3A_209 [1] : vector<64x1024xf32> to vector<64xf32>
    %broadcast_in_dim3A_211 = vector.shape_cast %reduce_sum3A_210 : vector<64xf32> to vector<64x1xf32>
    %div3A_212 = vector.broadcast %broadcast_in_dim3A_211 : vector<64x1xf32> to vector<64x1024xf32>
    %div3A_213 = arith.divf %exp3A_208, %div3A_212 : vector<64x1024xf32>
    %dot_general3A_214 = arith.constant dense<0.000000e+00> : vector<64x64xf32>
    %dot_general3A_215 = tpu.matmul %div3A_213, %slice3A_204, %dot_general3A_214 {dimension_numbers = #tpu.dot_dimension_numbers<[1], [0], [0], [1], [0, 0, 1, 1], [], []>, transpose_lhs_hint = false} : vector<64x1024xf32>, vector<1024x64xf32>, vector<64x64xf32> -> vector<64x64xf32>
    %concatenate3A = tpu.concatenate %dot_general3A_198, %dot_general3A_215 in 1 : vector<64x64xf32>, vector<64x64xf32> -> vector<64x128xf32>
    %get3A_216 = arith.constant 0 : index
    %get3A_217 = arith.constant 0 : index
    %get3A_218 = vector.load %arg21[%get3A_216, %get3A_217] : memref<128x128xf32, #tpu.memory_space<vmem>>, vector<128x128xf32>
    %dot_general3A_219 = arith.constant dense<0.000000e+00> : vector<64x128xf32>
    %dot_general3A_220 = tpu.matmul %concatenate3A, %get3A_218, %dot_general3A_219 {dimension_numbers = #tpu.dot_dimension_numbers<[1], [0], [0], [1], [0, 0, 1, 1], [], []>, transpose_lhs_hint = false} : vector<64x128xf32>, vector<128x128xf32>, vector<64x128xf32> -> vector<64x128xf32>
    %get3A_221 = arith.constant 0 : index
    %get3A_222 = arith.constant 0 : index
    %get3A_223 = vector.load %arg22[%get3A_221, %get3A_222] : memref<1x128xf32, #tpu.memory_space<vmem>>, vector<1x128xf32>
    %add3A_224 = vector.broadcast %get3A_223 : vector<1x128xf32> to vector<64x128xf32>
    %add3A_225 = arith.addf %dot_general3A_220, %add3A_224 : vector<64x128xf32>
    %add3A_226 = arith.addf %add3A_225, %add3A : vector<64x128xf32>
    %max3A = arith.constant 0.000000e+00 : f32
    %max3A_227 = vector.broadcast %max3A : f32 to vector<64x128xf32>
    %max3A_228 = arith.maximumf %add3A_226, %max3A_227 : vector<64x128xf32>
    %swap3A = arith.constant 0 : index
    %swap3A_229 = arith.constant 0 : index
    %swap3A_230 = vector.load %arg23[%swap3A, %swap3A_229] : memref<64x128xf32, #tpu.memory_space<vmem>>, vector<64x128xf32>
    tpu.vector_store %arg23[%swap3A, %swap3A_229], %max3A_228 {strides = array<i32>} : memref<64x128xf32, #tpu.memory_space<vmem>>, vector<64x128xf32>,
    return
  }
  func.func @transform_0(%arg0: i32) -> (i32, i32) {
    %c0_i32 = arith.constant 0 : i32
    %c0_i32_0 = arith.constant 0 : i32
    return %arg0, %c0_i32 : i32, i32
  }
  func.func @transform_1(%arg0: i32) -> (i32, i32) {
    %c0_i32 = arith.constant 0 : i32
    %c0_i32_0 = arith.constant 0 : i32
    return %arg0, %c0_i32 : i32, i32
  }
  func.func @transform_2(%arg0: i32) -> (i32, i32) {
    %add3A = arith.constant 12 : i32
    %add3A_0 = arith.addi %arg0, %add3A : i32
    %c0_i32 = arith.constant 0 : i32
    %c0_i32_1 = arith.constant 0 : i32
    return %add3A_0, %c0_i32 : i32, i32
  }
  func.func @transform_3(%arg0: i32) -> (i32, i32) {
    %c0_i32 = arith.constant 0 : i32
    %c0_i32_0 = arith.constant 0 : i32
    return %arg0, %c0_i32 : i32, i32
  }
  func.func @transform_4(%arg0: i32) -> (i32, i32) {
    %c0_i32 = arith.constant 0 : i32
    %c0_i32_0 = arith.constant 0 : i32
    return %arg0, %c0_i32 : i32, i32
  }
  func.func @transform_5(%arg0: i32) -> (i32, i32) {
    %c0_i32 = arith.constant 0 : i32
    %c0_i32_0 = arith.constant 0 : i32
    return %arg0, %c0_i32 : i32, i32
  }
  func.func @transform_6(%arg0: i32) -> (i32, i32) {
    %c0_i32 = arith.constant 0 : i32
    %c0_i32_0 = arith.constant 0 : i32
    %c0_i32_1 = arith.constant 0 : i32
    return %c0_i32, %c0_i32_0 : i32, i32
  }
  func.func @transform_7(%arg0: i32) -> (i32, i32) {
    %c0_i32 = arith.constant 0 : i32
    %c0_i32_0 = arith.constant 0 : i32
    %c0_i32_1 = arith.constant 0 : i32
    return %c0_i32, %c0_i32_0 : i32, i32
  }
  func.func @transform_8(%arg0: i32) -> (i32, i32) {
    %c0_i32 = arith.constant 0 : i32
    %c0_i32_0 = arith.constant 0 : i32
    %c0_i32_1 = arith.constant 0 : i32
    return %c0_i32, %c0_i32_0 : i32, i32
  }
  func.func @transform_9(%arg0: i32) -> (i32, i32) {
    %c0_i32 = arith.constant 0 : i32
    %c0_i32_0 = arith.constant 0 : i32
    %c0_i32_1 = arith.constant 0 : i32
    return %c0_i32, %c0_i32_0 : i32, i32
  }
  func.func @transform_10(%arg0: i32) -> (i32, i32) {
    %c0_i32 = arith.constant 0 : i32
    %c0_i32_0 = arith.constant 0 : i32
    %c0_i32_1 = arith.constant 0 : i32
    return %c0_i32, %c0_i32_0 : i32, i32
  }
  func.func @transform_11(%arg0: i32) -> (i32, i32) {
    %c0_i32 = arith.constant 0 : i32
    %c0_i32_0 = arith.constant 0 : i32
    %c0_i32_1 = arith.constant 0 : i32
    return %c0_i32, %c0_i32_0 : i32, i32
  }
  func.func @transform_12(%arg0: i32) -> (i32, i32) {
    %c0_i32 = arith.constant 0 : i32
    %c0_i32_0 = arith.constant 0 : i32
    %c0_i32_1 = arith.constant 0 : i32
    return %c0_i32, %c0_i32_0 : i32, i32
  }
  func.func @transform_13(%arg0: i32) -> (i32, i32) {
    %c0_i32 = arith.constant 0 : i32
    %c0_i32_0 = arith.constant 0 : i32
    %c0_i32_1 = arith.constant 0 : i32
    return %c0_i32, %c0_i32_0 : i32, i32
  }
  func.func @transform_14(%arg0: i32) -> (i32, i32) {
    %c0_i32 = arith.constant 0 : i32
    %c0_i32_0 = arith.constant 0 : i32
    %c0_i32_1 = arith.constant 0 : i32
    return %c0_i32, %c0_i32_0 : i32, i32
  }
  func.func @transform_15(%arg0: i32) -> (i32, i32) {
    %c0_i32 = arith.constant 0 : i32
    %c0_i32_0 = arith.constant 0 : i32
    %c0_i32_1 = arith.constant 0 : i32
    return %c0_i32, %c0_i32_0 : i32, i32
  }
  func.func @transform_16(%arg0: i32) -> (i32, i32) {
    %c0_i32 = arith.constant 0 : i32
    %c0_i32_0 = arith.constant 0 : i32
    %c0_i32_1 = arith.constant 0 : i32
    return %c0_i32, %c0_i32_0 : i32, i32
  }
  func.func @transform_17(%arg0: i32) -> (i32, i32) {
    %c0_i32 = arith.constant 0 : i32
    %c0_i32_0 = arith.constant 0 : i32
    %c0_i32_1 = arith.constant 0 : i32
    return %c0_i32, %c0_i32_0 : i32, i32
  }
  func.func @transform_18(%arg0: i32) -> (i32, i32) {
    %c0_i32 = arith.constant 0 : i32
    %c0_i32_0 = arith.constant 0 : i32
    %c0_i32_1 = arith.constant 0 : i32
    return %c0_i32, %c0_i32_0 : i32, i32
  }
  func.func @transform_19(%arg0: i32) -> (i32, i32) {
    %c0_i32 = arith.constant 0 : i32
    %c0_i32_0 = arith.constant 0 : i32
    %c0_i32_1 = arith.constant 0 : i32
    return %c0_i32, %c0_i32_0 : i32, i32
  }
  func.func @transform_20(%arg0: i32) -> (i32, i32) {
    %c0_i32 = arith.constant 0 : i32
    %c0_i32_0 = arith.constant 0 : i32
    %c0_i32_1 = arith.constant 0 : i32
    return %c0_i32, %c0_i32_0 : i32, i32
  }
  func.func @transform_21(%arg0: i32) -> (i32, i32) {
    %c0_i32 = arith.constant 0 : i32
    %c0_i32_0 = arith.constant 0 : i32
    %c0_i32_1 = arith.constant 0 : i32
    return %c0_i32, %c0_i32_0 : i32, i32
  }
  func.func @transform_22(%arg0: i32) -> (i32, i32) {
    %c0_i32 = arith.constant 0 : i32
    %c0_i32_0 = arith.constant 0 : i32
    return %arg0, %c0_i32 : i32, i32
  }
}

module attributes {stable_mosaic.version = 14 : i64} {
  func.func @_gru_body(%arg0: i32, %arg1: memref<512x128xf32, #tpu.memory_space<vmem>>, %arg2: memref<512x128xf32, #tpu.memory_space<vmem>>, %arg3: memref<512x128xf32, #tpu.memory_space<vmem>>, %arg4: memref<512x1xi32, #tpu.memory_space<vmem>>, %arg5: memref<512x1xf32, #tpu.memory_space<vmem>>, %arg6: memref<512x16xf32, #tpu.memory_space<vmem>>, %arg7: memref<1x100xf32, #tpu.memory_space<vmem>>, %arg8: memref<1x100xf32, #tpu.memory_space<vmem>>, %arg9: memref<128x384xf32, #tpu.memory_space<vmem>>, %arg10: memref<128x384xf32, #tpu.memory_space<vmem>>, %arg11: memref<100x384xf32, #tpu.memory_space<vmem>>, %arg12: memref<16x384xf32, #tpu.memory_space<vmem>>, %arg13: memref<1x384xf32, #tpu.memory_space<vmem>>, %arg14: memref<128x384xf32, #tpu.memory_space<vmem>>, %arg15: memref<1x384xf32, #tpu.memory_space<vmem>>, %arg16: memref<512x128xf32, #tpu.memory_space<vmem>>) attributes {dimension_semantics = [#tpu.dimension_semantics<arbitrary>], iteration_bounds = array<i64: 16>, scalar_prefetch = 0 : i64, scratch_operands = 0 : i64, tpu.core_type = #tpu.core_type<tc>, window_params = [{transform_indices = @transform_0, window_bounds = array<i64: 512, 128>}, {transform_indices = @transform_1, window_bounds = array<i64: 512, 128>}, {transform_indices = @transform_2, window_bounds = array<i64: 512, 128>}, {transform_indices = @transform_3, window_bounds = array<i64: 512, 1>}, {transform_indices = @transform_4, window_bounds = array<i64: 512, 1>}, {transform_indices = @transform_5, window_bounds = array<i64: 512, 16>}, {pipeline_mode = #tpu.pipeline_mode<synchronous>, transform_indices = @transform_6, window_bounds = array<i64: 1, 100>}, {pipeline_mode = #tpu.pipeline_mode<synchronous>, transform_indices = @transform_7, window_bounds = array<i64: 1, 100>}, {pipeline_mode = #tpu.pipeline_mode<synchronous>, transform_indices = @transform_8, window_bounds = array<i64: 128, 384>}, {pipeline_mode = #tpu.pipeline_mode<synchronous>, transform_indices = @transform_9, window_bounds = array<i64: 128, 384>}, {pipeline_mode = #tpu.pipeline_mode<synchronous>, transform_indices = @transform_10, window_bounds = array<i64: 100, 384>}, {pipeline_mode = #tpu.pipeline_mode<synchronous>, transform_indices = @transform_11, window_bounds = array<i64: 16, 384>}, {pipeline_mode = #tpu.pipeline_mode<synchronous>, transform_indices = @transform_12, window_bounds = array<i64: 1, 384>}, {pipeline_mode = #tpu.pipeline_mode<synchronous>, transform_indices = @transform_13, window_bounds = array<i64: 128, 384>}, {pipeline_mode = #tpu.pipeline_mode<synchronous>, transform_indices = @transform_14, window_bounds = array<i64: 1, 384>}, {transform_indices = @transform_15, window_bounds = array<i64: 512, 128>}]} {
    %iota3A = tpu.iota {dimensions = array<i32: 1>} : vector<512x128xi32>
    %get3A = arith.constant 0 : index
    %get3A_0 = arith.constant 0 : index
    %get3A_1 = vector.load %arg4[%get3A, %get3A_0] : memref<512x1xi32, #tpu.memory_space<vmem>>, vector<512x1xi32>
    %eq3A = vector.broadcast %get3A_1 : vector<512x1xi32> to vector<512x128xi32>
    %eq3A_2 = arith.cmpi eq, %iota3A, %eq3A : vector<512x128xi32>
    %convert_element_type3A = arith.extui %eq3A_2 : vector<512x128xi1> to vector<512x128xi32>
    %convert_element_type3A_3 = arith.sitofp %convert_element_type3A : vector<512x128xi32> to vector<512x128xf32>
    %get3A_4 = arith.constant 0 : index
    %get3A_5 = arith.constant 0 : index
    %get3A_6 = vector.load %arg3[%get3A_4, %get3A_5] : memref<512x128xf32, #tpu.memory_space<vmem>>, vector<512x128xf32>
    %mul3A = arith.mulf %get3A_6, %convert_element_type3A_3 : vector<512x128xf32>
    %reduce_sum3A = arith.constant dense<0.000000e+00> : vector<512xf32>
    %reduce_sum3A_7 = vector.multi_reduction <add>, %mul3A, %reduce_sum3A [1] : vector<512x128xf32> to vector<512xf32>
    %broadcast_in_dim3A = vector.shape_cast %reduce_sum3A_7 : vector<512xf32> to vector<512x1xf32>
    %get3A_8 = arith.constant 0 : index
    %get3A_9 = arith.constant 0 : index
    %get3A_10 = vector.load %arg5[%get3A_8, %get3A_9] : memref<512x1xf32, #tpu.memory_space<vmem>>, vector<512x1xf32>
    %sub3A = arith.subf %get3A_10, %broadcast_in_dim3A : vector<512x1xf32>
    %max3A = arith.constant 0.000000e+00 : f32
    %max3A_11 = vector.broadcast %max3A : f32 to vector<512x1xf32>
    %max3A_12 = arith.maximumf %sub3A, %max3A_11 : vector<512x1xf32>
    %get3A_13 = arith.constant 0 : index
    %get3A_14 = arith.constant 0 : index
    %get3A_15 = vector.load %arg7[%get3A_13, %get3A_14] : memref<1x100xf32, #tpu.memory_space<vmem>>, vector<1x100xf32>
    %mul3A_16 = vector.broadcast %max3A_12 : vector<512x1xf32> to vector<512x100xf32>
    %mul3A_17 = vector.broadcast %get3A_15 : vector<1x100xf32> to vector<512x100xf32>
    %mul3A_18 = arith.mulf %mul3A_16, %mul3A_17 : vector<512x100xf32>
    %get3A_19 = arith.constant 0 : index
    %get3A_20 = arith.constant 0 : index
    %get3A_21 = vector.load %arg8[%get3A_19, %get3A_20] : memref<1x100xf32, #tpu.memory_space<vmem>>, vector<1x100xf32>
    %add3A = vector.broadcast %get3A_21 : vector<1x100xf32> to vector<512x100xf32>
    %add3A_22 = arith.addf %mul3A_18, %add3A : vector<512x100xf32>
    %mul3A_23 = arith.constant 0.159154937 : f32
    %mul3A_24 = vector.broadcast %mul3A_23 : f32 to vector<512x100xf32>
    %mul3A_25 = arith.mulf %add3A_22, %mul3A_24 : vector<512x100xf32>
    %add3A_26 = arith.constant 5.000000e-01 : f32
    %add3A_27 = vector.broadcast %add3A_26 : f32 to vector<512x100xf32>
    %add3A_28 = arith.addf %mul3A_25, %add3A_27 : vector<512x100xf32>
    %floor3A = math.floor %add3A_28 : vector<512x100xf32>
    %mul3A_29 = arith.constant 6.281250e+00 : f32
    %mul3A_30 = vector.broadcast %mul3A_29 : f32 to vector<512x100xf32>
    %mul3A_31 = arith.mulf %floor3A, %mul3A_30 : vector<512x100xf32>
    %sub3A_32 = arith.subf %add3A_22, %mul3A_31 : vector<512x100xf32>
    %mul3A_33 = arith.constant 0.00193530717 : f32
    %mul3A_34 = vector.broadcast %mul3A_33 : f32 to vector<512x100xf32>
    %mul3A_35 = arith.mulf %floor3A, %mul3A_34 : vector<512x100xf32>
    %sub3A_36 = arith.subf %sub3A_32, %mul3A_35 : vector<512x100xf32>
    %mul3A_37 = arith.mulf %sub3A_36, %sub3A_36 : vector<512x100xf32>
    %broadcast_in_dim3A_38 = arith.constant -9.76868586E-12 : f32
    %broadcast_in_dim3A_39 = vector.broadcast %broadcast_in_dim3A_38 : f32 to vector<512x100xf32>
    %mul3A_40 = arith.mulf %broadcast_in_dim3A_39, %mul3A_37 : vector<512x100xf32>
    %add3A_41 = arith.constant 2.06213202E-9 : f32
    %add3A_42 = vector.broadcast %add3A_41 : f32 to vector<512x100xf32>
    %add3A_43 = arith.addf %mul3A_40, %add3A_42 : vector<512x100xf32>
    %mul3A_44 = arith.mulf %add3A_43, %mul3A_37 : vector<512x100xf32>
    %add3A_45 = arith.constant -2.75374788E-7 : f32
    %add3A_46 = vector.broadcast %add3A_45 : f32 to vector<512x100xf32>
    %add3A_47 = arith.addf %mul3A_44, %add3A_46 : vector<512x100xf32>
    %mul3A_48 = arith.mulf %add3A_47, %mul3A_37 : vector<512x100xf32>
    %add3A_49 = arith.constant 2.48007545E-5 : f32
    %add3A_50 = vector.broadcast %add3A_49 : f32 to vector<512x100xf32>
    %add3A_51 = arith.addf %mul3A_48, %add3A_50 : vector<512x100xf32>
    %mul3A_52 = arith.mulf %add3A_51, %mul3A_37 : vector<512x100xf32>
    %add3A_53 = arith.constant -0.00138888706 : f32
    %add3A_54 = vector.broadcast %add3A_53 : f32 to vector<512x100xf32>
    %add3A_55 = arith.addf %mul3A_52, %add3A_54 : vector<512x100xf32>
    %mul3A_56 = arith.mulf %add3A_55, %mul3A_37 : vector<512x100xf32>
    %add3A_57 = arith.constant 0.0416666642 : f32
    %add3A_58 = vector.broadcast %add3A_57 : f32 to vector<512x100xf32>
    %add3A_59 = arith.addf %mul3A_56, %add3A_58 : vector<512x100xf32>
    %mul3A_60 = arith.mulf %add3A_59, %mul3A_37 : vector<512x100xf32>
    %add3A_61 = arith.constant -5.000000e-01 : f32
    %add3A_62 = vector.broadcast %add3A_61 : f32 to vector<512x100xf32>
    %add3A_63 = arith.addf %mul3A_60, %add3A_62 : vector<512x100xf32>
    %mul3A_64 = arith.mulf %add3A_63, %mul3A_37 : vector<512x100xf32>
    %add3A_65 = arith.constant 1.000000e+00 : f32
    %add3A_66 = vector.broadcast %add3A_65 : f32 to vector<512x100xf32>
    %add3A_67 = arith.addf %mul3A_64, %add3A_66 : vector<512x100xf32>
    %get3A_68 = arith.constant 0 : index
    %get3A_69 = arith.constant 0 : index
    %get3A_70 = vector.load %arg2[%get3A_68, %get3A_69] : memref<512x128xf32, #tpu.memory_space<vmem>>, vector<512x128xf32>
    %get3A_71 = arith.constant 0 : index
    %get3A_72 = arith.constant 0 : index
    %get3A_73 = vector.load %arg1[%get3A_71, %get3A_72] : memref<512x128xf32, #tpu.memory_space<vmem>>, vector<512x128xf32>
    %get3A_74 = arith.constant 0 : index
    %get3A_75 = arith.constant 0 : index
    %get3A_76 = vector.load %arg9[%get3A_74, %get3A_75] : memref<128x384xf32, #tpu.memory_space<vmem>>, vector<128x384xf32>
    %dot_general3A = arith.constant dense<0.000000e+00> : vector<512x384xf32>
    %dot_general3A_77 = tpu.matmul %get3A_73, %get3A_76, %dot_general3A {dimension_numbers = #tpu.dot_dimension_numbers<[1], [0], [0], [1], [0, 0, 1, 1], [], []>, transpose_lhs_hint = false} : vector<512x128xf32>, vector<128x384xf32>, vector<512x384xf32> -> vector<512x384xf32>
    %get3A_78 = arith.constant 0 : index
    %get3A_79 = arith.constant 0 : index
    %get3A_80 = vector.load %arg10[%get3A_78, %get3A_79] : memref<128x384xf32, #tpu.memory_space<vmem>>, vector<128x384xf32>
    %dot_general3A_81 = arith.constant dense<0.000000e+00> : vector<512x384xf32>
    %dot_general3A_82 = tpu.matmul %get3A_70, %get3A_80, %dot_general3A_81 {dimension_numbers = #tpu.dot_dimension_numbers<[1], [0], [0], [1], [0, 0, 1, 1], [], []>, transpose_lhs_hint = false} : vector<512x128xf32>, vector<128x384xf32>, vector<512x384xf32> -> vector<512x384xf32>
    %add3A_83 = arith.addf %dot_general3A_77, %dot_general3A_82 : vector<512x384xf32>
    %get3A_84 = arith.constant 0 : index
    %get3A_85 = arith.constant 0 : index
    %get3A_86 = vector.load %arg11[%get3A_84, %get3A_85] : memref<100x384xf32, #tpu.memory_space<vmem>>, vector<100x384xf32>
    %dot_general3A_87 = arith.constant dense<0.000000e+00> : vector<512x384xf32>
    %dot_general3A_88 = tpu.matmul %add3A_67, %get3A_86, %dot_general3A_87 {dimension_numbers = #tpu.dot_dimension_numbers<[1], [0], [0], [1], [0, 0, 1, 1], [], []>, transpose_lhs_hint = false} : vector<512x100xf32>, vector<100x384xf32>, vector<512x384xf32> -> vector<512x384xf32>
    %add3A_89 = arith.addf %add3A_83, %dot_general3A_88 : vector<512x384xf32>
    %get3A_90 = arith.constant 0 : index
    %get3A_91 = arith.constant 0 : index
    %get3A_92 = vector.load %arg6[%get3A_90, %get3A_91] : memref<512x16xf32, #tpu.memory_space<vmem>>, vector<512x16xf32>
    %get3A_93 = arith.constant 0 : index
    %get3A_94 = arith.constant 0 : index
    %get3A_95 = vector.load %arg12[%get3A_93, %get3A_94] : memref<16x384xf32, #tpu.memory_space<vmem>>, vector<16x384xf32>
    %dot_general3A_96 = arith.constant dense<0.000000e+00> : vector<512x384xf32>
    %dot_general3A_97 = tpu.matmul %get3A_92, %get3A_95, %dot_general3A_96 {dimension_numbers = #tpu.dot_dimension_numbers<[1], [0], [0], [1], [0, 0, 1, 1], [], []>, transpose_lhs_hint = false} : vector<512x16xf32>, vector<16x384xf32>, vector<512x384xf32> -> vector<512x384xf32>
    %add3A_98 = arith.addf %add3A_89, %dot_general3A_97 : vector<512x384xf32>
    %get3A_99 = arith.constant 0 : index
    %get3A_100 = arith.constant 0 : index
    %get3A_101 = vector.load %arg13[%get3A_99, %get3A_100] : memref<1x384xf32, #tpu.memory_space<vmem>>, vector<1x384xf32>
    %add3A_102 = vector.broadcast %get3A_101 : vector<1x384xf32> to vector<512x384xf32>
    %add3A_103 = arith.addf %add3A_98, %add3A_102 : vector<512x384xf32>
    %get3A_104 = arith.constant 0 : index
    %get3A_105 = arith.constant 0 : index
    %get3A_106 = vector.load %arg14[%get3A_104, %get3A_105] : memref<128x384xf32, #tpu.memory_space<vmem>>, vector<128x384xf32>
    %dot_general3A_107 = arith.constant dense<0.000000e+00> : vector<512x384xf32>
    %dot_general3A_108 = tpu.matmul %get3A_70, %get3A_106, %dot_general3A_107 {dimension_numbers = #tpu.dot_dimension_numbers<[1], [0], [0], [1], [0, 0, 1, 1], [], []>, transpose_lhs_hint = false} : vector<512x128xf32>, vector<128x384xf32>, vector<512x384xf32> -> vector<512x384xf32>
    %get3A_109 = arith.constant 0 : index
    %get3A_110 = arith.constant 0 : index
    %get3A_111 = vector.load %arg15[%get3A_109, %get3A_110] : memref<1x384xf32, #tpu.memory_space<vmem>>, vector<1x384xf32>
    %add3A_112 = vector.broadcast %get3A_111 : vector<1x384xf32> to vector<512x384xf32>
    %add3A_113 = arith.addf %dot_general3A_108, %add3A_112 : vector<512x384xf32>
    %slice3A = vector.extract_strided_slice %add3A_103 {offsets = [0, 0], sizes = [512, 128], strides = [1, 1]} : vector<512x384xf32> to vector<512x128xf32>
    %slice3A_114 = vector.extract_strided_slice %add3A_103 {offsets = [0, 128], sizes = [512, 128], strides = [1, 1]} : vector<512x384xf32> to vector<512x128xf32>
    %slice3A_115 = vector.extract_strided_slice %add3A_103 {offsets = [0, 256], sizes = [512, 128], strides = [1, 1]} : vector<512x384xf32> to vector<512x128xf32>
    %slice3A_116 = vector.extract_strided_slice %add3A_113 {offsets = [0, 0], sizes = [512, 128], strides = [1, 1]} : vector<512x384xf32> to vector<512x128xf32>
    %slice3A_117 = vector.extract_strided_slice %add3A_113 {offsets = [0, 128], sizes = [512, 128], strides = [1, 1]} : vector<512x384xf32> to vector<512x128xf32>
    %slice3A_118 = vector.extract_strided_slice %add3A_113 {offsets = [0, 256], sizes = [512, 128], strides = [1, 1]} : vector<512x384xf32> to vector<512x128xf32>
    %add3A_119 = arith.addf %slice3A, %slice3A_116 : vector<512x128xf32>
    %logistic3A = arith.negf %add3A_119 : vector<512x128xf32>
    %logistic3A_120 = math.exp %logistic3A : vector<512x128xf32>
    %logistic3A_121 = arith.constant 1.000000e+00 : f32
    %logistic3A_122 = vector.broadcast %logistic3A_121 : f32 to vector<512x128xf32>
    %logistic3A_123 = arith.addf %logistic3A_122, %logistic3A_120 : vector<512x128xf32>
    %logistic3A_124 = arith.divf %logistic3A_122, %logistic3A_123 : vector<512x128xf32>
    %add3A_125 = arith.addf %slice3A_114, %slice3A_117 : vector<512x128xf32>
    %logistic3A_126 = arith.negf %add3A_125 : vector<512x128xf32>
    %logistic3A_127 = math.exp %logistic3A_126 : vector<512x128xf32>
    %logistic3A_128 = arith.constant 1.000000e+00 : f32
    %logistic3A_129 = vector.broadcast %logistic3A_128 : f32 to vector<512x128xf32>
    %logistic3A_130 = arith.addf %logistic3A_129, %logistic3A_127 : vector<512x128xf32>
    %logistic3A_131 = arith.divf %logistic3A_129, %logistic3A_130 : vector<512x128xf32>
    %mul3A_132 = arith.mulf %logistic3A_124, %slice3A_118 : vector<512x128xf32>
    %add3A_133 = arith.addf %slice3A_115, %mul3A_132 : vector<512x128xf32>
    %tanh3A = math.tanh %add3A_133 : vector<512x128xf32>
    %sub3A_134 = arith.constant 1.000000e+00 : f32
    %sub3A_135 = vector.broadcast %sub3A_134 : f32 to vector<512x128xf32>
    %sub3A_136 = arith.subf %sub3A_135, %logistic3A_131 : vector<512x128xf32>
    %mul3A_137 = arith.mulf %sub3A_136, %tanh3A : vector<512x128xf32>
    %mul3A_138 = arith.mulf %logistic3A_131, %get3A_70 : vector<512x128xf32>
    %add3A_139 = arith.addf %mul3A_137, %mul3A_138 : vector<512x128xf32>
    %swap3A = arith.constant 0 : index
    %swap3A_140 = arith.constant 0 : index
    %swap3A_141 = vector.load %arg16[%swap3A, %swap3A_140] : memref<512x128xf32, #tpu.memory_space<vmem>>, vector<512x128xf32>
    tpu.vector_store %arg16[%swap3A, %swap3A_140], %add3A_139 {strides = array<i32>} : memref<512x128xf32, #tpu.memory_space<vmem>>, vector<512x128xf32>,
    return
  }
  func.func @transform_0(%arg0: i32) -> (i32, i32) {
    %c0_i32 = arith.constant 0 : i32
    %c0_i32_0 = arith.constant 0 : i32
    return %arg0, %c0_i32 : i32, i32
  }
  func.func @transform_1(%arg0: i32) -> (i32, i32) {
    %c0_i32 = arith.constant 0 : i32
    %c0_i32_0 = arith.constant 0 : i32
    return %arg0, %c0_i32 : i32, i32
  }
  func.func @transform_2(%arg0: i32) -> (i32, i32) {
    %c0_i32 = arith.constant 0 : i32
    %c0_i32_0 = arith.constant 0 : i32
    return %arg0, %c0_i32 : i32, i32
  }
  func.func @transform_3(%arg0: i32) -> (i32, i32) {
    %c0_i32 = arith.constant 0 : i32
    %c0_i32_0 = arith.constant 0 : i32
    return %arg0, %c0_i32 : i32, i32
  }
  func.func @transform_4(%arg0: i32) -> (i32, i32) {
    %c0_i32 = arith.constant 0 : i32
    %c0_i32_0 = arith.constant 0 : i32
    return %arg0, %c0_i32 : i32, i32
  }
  func.func @transform_5(%arg0: i32) -> (i32, i32) {
    %c0_i32 = arith.constant 0 : i32
    %c0_i32_0 = arith.constant 0 : i32
    return %arg0, %c0_i32 : i32, i32
  }
  func.func @transform_6(%arg0: i32) -> (i32, i32) {
    %c0_i32 = arith.constant 0 : i32
    %c0_i32_0 = arith.constant 0 : i32
    %c0_i32_1 = arith.constant 0 : i32
    return %c0_i32, %c0_i32_0 : i32, i32
  }
  func.func @transform_7(%arg0: i32) -> (i32, i32) {
    %c0_i32 = arith.constant 0 : i32
    %c0_i32_0 = arith.constant 0 : i32
    %c0_i32_1 = arith.constant 0 : i32
    return %c0_i32, %c0_i32_0 : i32, i32
  }
  func.func @transform_8(%arg0: i32) -> (i32, i32) {
    %c0_i32 = arith.constant 0 : i32
    %c0_i32_0 = arith.constant 0 : i32
    %c0_i32_1 = arith.constant 0 : i32
    return %c0_i32, %c0_i32_0 : i32, i32
  }
  func.func @transform_9(%arg0: i32) -> (i32, i32) {
    %c0_i32 = arith.constant 0 : i32
    %c0_i32_0 = arith.constant 0 : i32
    %c0_i32_1 = arith.constant 0 : i32
    return %c0_i32, %c0_i32_0 : i32, i32
  }
  func.func @transform_10(%arg0: i32) -> (i32, i32) {
    %c0_i32 = arith.constant 0 : i32
    %c0_i32_0 = arith.constant 0 : i32
    %c0_i32_1 = arith.constant 0 : i32
    return %c0_i32, %c0_i32_0 : i32, i32
  }
  func.func @transform_11(%arg0: i32) -> (i32, i32) {
    %c0_i32 = arith.constant 0 : i32
    %c0_i32_0 = arith.constant 0 : i32
    %c0_i32_1 = arith.constant 0 : i32
    return %c0_i32, %c0_i32_0 : i32, i32
  }
  func.func @transform_12(%arg0: i32) -> (i32, i32) {
    %c0_i32 = arith.constant 0 : i32
    %c0_i32_0 = arith.constant 0 : i32
    %c0_i32_1 = arith.constant 0 : i32
    return %c0_i32, %c0_i32_0 : i32, i32
  }
  func.func @transform_13(%arg0: i32) -> (i32, i32) {
    %c0_i32 = arith.constant 0 : i32
    %c0_i32_0 = arith.constant 0 : i32
    %c0_i32_1 = arith.constant 0 : i32
    return %c0_i32, %c0_i32_0 : i32, i32
  }
  func.func @transform_14(%arg0: i32) -> (i32, i32) {
    %c0_i32 = arith.constant 0 : i32
    %c0_i32_0 = arith.constant 0 : i32
    %c0_i32_1 = arith.constant 0 : i32
    return %c0_i32, %c0_i32_0 : i32, i32
  }
  func.func @transform_15(%arg0: i32) -> (i32, i32) {
    %c0_i32 = arith.constant 0 : i32
    %c0_i32_0 = arith.constant 0 : i32
    return %arg0, %c0_i32 : i32, i32
  }
}

module attributes {stable_mosaic.version = 14 : i64} {
  func.func @_pred_body(%arg0: i32, %arg1: memref<512x128xf32, #tpu.memory_space<vmem>>, %arg2: memref<512x128xf32, #tpu.memory_space<vmem>>, %arg3: memref<512x128xf32, #tpu.memory_space<vmem>>, %arg4: memref<128x128xf32, #tpu.memory_space<vmem>>, %arg5: memref<1x128xf32, #tpu.memory_space<vmem>>, %arg6: memref<128x128xf32, #tpu.memory_space<vmem>>, %arg7: memref<1x128xf32, #tpu.memory_space<vmem>>, %arg8: memref<128x1xf32, #tpu.memory_space<vmem>>, %arg9: memref<1x1xf32, #tpu.memory_space<vmem>>, %arg10: memref<512x1xf32, #tpu.memory_space<vmem>>, %arg11: memref<512x1xf32, #tpu.memory_space<vmem>>) attributes {dimension_semantics = [#tpu.dimension_semantics<arbitrary>], iteration_bounds = array<i64: 8>, scalar_prefetch = 0 : i64, scratch_operands = 0 : i64, tpu.core_type = #tpu.core_type<tc>, window_params = [{transform_indices = @transform_0, window_bounds = array<i64: 512, 128>}, {transform_indices = @transform_1, window_bounds = array<i64: 512, 128>}, {transform_indices = @transform_2, window_bounds = array<i64: 512, 128>}, {pipeline_mode = #tpu.pipeline_mode<synchronous>, transform_indices = @transform_3, window_bounds = array<i64: 128, 128>}, {pipeline_mode = #tpu.pipeline_mode<synchronous>, transform_indices = @transform_4, window_bounds = array<i64: 1, 128>}, {pipeline_mode = #tpu.pipeline_mode<synchronous>, transform_indices = @transform_5, window_bounds = array<i64: 128, 128>}, {pipeline_mode = #tpu.pipeline_mode<synchronous>, transform_indices = @transform_6, window_bounds = array<i64: 1, 128>}, {pipeline_mode = #tpu.pipeline_mode<synchronous>, transform_indices = @transform_7, window_bounds = array<i64: 128, 1>}, {pipeline_mode = #tpu.pipeline_mode<synchronous>, transform_indices = @transform_8, window_bounds = array<i64: 1, 1>}, {transform_indices = @transform_9, window_bounds = array<i64: 512, 1>}, {transform_indices = @transform_10, window_bounds = array<i64: 512, 1>}]} {
    %get3A = arith.constant 0 : index
    %get3A_0 = arith.constant 0 : index
    %get3A_1 = vector.load %arg1[%get3A, %get3A_0] : memref<512x128xf32, #tpu.memory_space<vmem>>, vector<512x128xf32>
    %get3A_2 = arith.constant 0 : index
    %get3A_3 = arith.constant 0 : index
    %get3A_4 = vector.load %arg4[%get3A_2, %get3A_3] : memref<128x128xf32, #tpu.memory_space<vmem>>, vector<128x128xf32>
    %dot_general3A = arith.constant dense<0.000000e+00> : vector<512x128xf32>
    %dot_general3A_5 = tpu.matmul %get3A_1, %get3A_4, %dot_general3A {dimension_numbers = #tpu.dot_dimension_numbers<[1], [0], [0], [1], [0, 0, 1, 1], [], []>, transpose_lhs_hint = false} : vector<512x128xf32>, vector<128x128xf32>, vector<512x128xf32> -> vector<512x128xf32>
    %get3A_6 = arith.constant 0 : index
    %get3A_7 = arith.constant 0 : index
    %get3A_8 = vector.load %arg5[%get3A_6, %get3A_7] : memref<1x128xf32, #tpu.memory_space<vmem>>, vector<1x128xf32>
    %add3A = vector.broadcast %get3A_8 : vector<1x128xf32> to vector<512x128xf32>
    %add3A_9 = arith.addf %dot_general3A_5, %add3A : vector<512x128xf32>
    %get3A_10 = arith.constant 0 : index
    %get3A_11 = arith.constant 0 : index
    %get3A_12 = vector.load %arg2[%get3A_10, %get3A_11] : memref<512x128xf32, #tpu.memory_space<vmem>>, vector<512x128xf32>
    %get3A_13 = arith.constant 0 : index
    %get3A_14 = arith.constant 0 : index
    %get3A_15 = vector.load %arg6[%get3A_13, %get3A_14] : memref<128x128xf32, #tpu.memory_space<vmem>>, vector<128x128xf32>
    %dot_general3A_16 = arith.constant dense<0.000000e+00> : vector<512x128xf32>
    %dot_general3A_17 = tpu.matmul %get3A_12, %get3A_15, %dot_general3A_16 {dimension_numbers = #tpu.dot_dimension_numbers<[1], [0], [0], [1], [0, 0, 1, 1], [], []>, transpose_lhs_hint = false} : vector<512x128xf32>, vector<128x128xf32>, vector<512x128xf32> -> vector<512x128xf32>
    %get3A_18 = arith.constant 0 : index
    %get3A_19 = arith.constant 0 : index
    %get3A_20 = vector.load %arg7[%get3A_18, %get3A_19] : memref<1x128xf32, #tpu.memory_space<vmem>>, vector<1x128xf32>
    %add3A_21 = vector.broadcast %get3A_20 : vector<1x128xf32> to vector<512x128xf32>
    %add3A_22 = arith.addf %dot_general3A_17, %add3A_21 : vector<512x128xf32>
    %get3A_23 = arith.constant 0 : index
    %get3A_24 = arith.constant 0 : index
    %get3A_25 = vector.load %arg3[%get3A_23, %get3A_24] : memref<512x128xf32, #tpu.memory_space<vmem>>, vector<512x128xf32>
    %get3A_26 = arith.constant 0 : index
    %get3A_27 = arith.constant 0 : index
    %get3A_28 = vector.load %arg6[%get3A_26, %get3A_27] : memref<128x128xf32, #tpu.memory_space<vmem>>, vector<128x128xf32>
    %dot_general3A_29 = arith.constant dense<0.000000e+00> : vector<512x128xf32>
    %dot_general3A_30 = tpu.matmul %get3A_25, %get3A_28, %dot_general3A_29 {dimension_numbers = #tpu.dot_dimension_numbers<[1], [0], [0], [1], [0, 0, 1, 1], [], []>, transpose_lhs_hint = false} : vector<512x128xf32>, vector<128x128xf32>, vector<512x128xf32> -> vector<512x128xf32>
    %get3A_31 = arith.constant 0 : index
    %get3A_32 = arith.constant 0 : index
    %get3A_33 = vector.load %arg7[%get3A_31, %get3A_32] : memref<1x128xf32, #tpu.memory_space<vmem>>, vector<1x128xf32>
    %add3A_34 = vector.broadcast %get3A_33 : vector<1x128xf32> to vector<512x128xf32>
    %add3A_35 = arith.addf %dot_general3A_30, %add3A_34 : vector<512x128xf32>
    %add3A_36 = arith.addf %add3A_9, %add3A_22 : vector<512x128xf32>
    %max3A = arith.constant 0.000000e+00 : f32
    %max3A_37 = vector.broadcast %max3A : f32 to vector<512x128xf32>
    %max3A_38 = arith.maximumf %add3A_36, %max3A_37 : vector<512x128xf32>
    %add3A_39 = arith.addf %add3A_9, %add3A_35 : vector<512x128xf32>
    %max3A_40 = arith.constant 0.000000e+00 : f32
    %max3A_41 = vector.broadcast %max3A_40 : f32 to vector<512x128xf32>
    %max3A_42 = arith.maximumf %add3A_39, %max3A_41 : vector<512x128xf32>
    %get3A_43 = arith.constant 0 : index
    %get3A_44 = arith.constant 0 : index
    %get3A_45 = vector.load %arg8[%get3A_43, %get3A_44] : memref<128x1xf32, #tpu.memory_space<vmem>>, vector<128x1xf32>
    %dot_general3A_46 = arith.constant dense<0.000000e+00> : vector<512x1xf32>
    %dot_general3A_47 = tpu.matmul %max3A_38, %get3A_45, %dot_general3A_46 {dimension_numbers = #tpu.dot_dimension_numbers<[1], [0], [0], [1], [0, 0, 1, 1], [], []>, transpose_lhs_hint = false} : vector<512x128xf32>, vector<128x1xf32>, vector<512x1xf32> -> vector<512x1xf32>
    %get3A_48 = arith.constant 0 : index
    %get3A_49 = arith.constant 0 : index
    %get3A_50 = vector.load %arg9[%get3A_48, %get3A_49] : memref<1x1xf32, #tpu.memory_space<vmem>>, vector<1x1xf32>
    %add3A_51 = vector.broadcast %get3A_50 : vector<1x1xf32> to vector<512x1xf32>
    %add3A_52 = arith.addf %dot_general3A_47, %add3A_51 : vector<512x1xf32>
    %swap3A = arith.constant 0 : index
    %swap3A_53 = arith.constant 0 : index
    %swap3A_54 = vector.load %arg10[%swap3A, %swap3A_53] : memref<512x1xf32, #tpu.memory_space<vmem>>, vector<512x1xf32>
    tpu.vector_store %arg10[%swap3A, %swap3A_53], %add3A_52 {strides = array<i32>} : memref<512x1xf32, #tpu.memory_space<vmem>>, vector<512x1xf32>,
    %get3A_55 = arith.constant 0 : index
    %get3A_56 = arith.constant 0 : index
    %get3A_57 = vector.load %arg8[%get3A_55, %get3A_56] : memref<128x1xf32, #tpu.memory_space<vmem>>, vector<128x1xf32>
    %dot_general3A_58 = arith.constant dense<0.000000e+00> : vector<512x1xf32>
    %dot_general3A_59 = tpu.matmul %max3A_42, %get3A_57, %dot_general3A_58 {dimension_numbers = #tpu.dot_dimension_numbers<[1], [0], [0], [1], [0, 0, 1, 1], [], []>, transpose_lhs_hint = false} : vector<512x128xf32>, vector<128x1xf32>, vector<512x1xf32> -> vector<512x1xf32>
    %get3A_60 = arith.constant 0 : index
    %get3A_61 = arith.constant 0 : index
    %get3A_62 = vector.load %arg9[%get3A_60, %get3A_61] : memref<1x1xf32, #tpu.memory_space<vmem>>, vector<1x1xf32>
    %add3A_63 = vector.broadcast %get3A_62 : vector<1x1xf32> to vector<512x1xf32>
    %add3A_64 = arith.addf %dot_general3A_59, %add3A_63 : vector<512x1xf32>
    %swap3A_65 = arith.constant 0 : index
    %swap3A_66 = arith.constant 0 : index
    %swap3A_67 = vector.load %arg11[%swap3A_65, %swap3A_66] : memref<512x1xf32, #tpu.memory_space<vmem>>, vector<512x1xf32>
    tpu.vector_store %arg11[%swap3A_65, %swap3A_66], %add3A_64 {strides = array<i32>} : memref<512x1xf32, #tpu.memory_space<vmem>>, vector<512x1xf32>,
    return
  }
  func.func @transform_0(%arg0: i32) -> (i32, i32) {
    %c0_i32 = arith.constant 0 : i32
    %c0_i32_0 = arith.constant 0 : i32
    return %arg0, %c0_i32 : i32, i32
  }
  func.func @transform_1(%arg0: i32) -> (i32, i32) {
    %add3A = arith.constant 8 : i32
    %add3A_0 = arith.addi %arg0, %add3A : i32
    %c0_i32 = arith.constant 0 : i32
    %c0_i32_1 = arith.constant 0 : i32
    return %add3A_0, %c0_i32 : i32, i32
  }
  func.func @transform_2(%arg0: i32) -> (i32, i32) {
    %add3A = arith.constant 16 : i32
    %add3A_0 = arith.addi %arg0, %add3A : i32
    %c0_i32 = arith.constant 0 : i32
    %c0_i32_1 = arith.constant 0 : i32
    return %add3A_0, %c0_i32 : i32, i32
  }
  func.func @transform_3(%arg0: i32) -> (i32, i32) {
    %c0_i32 = arith.constant 0 : i32
    %c0_i32_0 = arith.constant 0 : i32
    %c0_i32_1 = arith.constant 0 : i32
    return %c0_i32, %c0_i32_0 : i32, i32
  }
  func.func @transform_4(%arg0: i32) -> (i32, i32) {
    %c0_i32 = arith.constant 0 : i32
    %c0_i32_0 = arith.constant 0 : i32
    %c0_i32_1 = arith.constant 0 : i32
    return %c0_i32, %c0_i32_0 : i32, i32
  }
  func.func @transform_5(%arg0: i32) -> (i32, i32) {
    %c0_i32 = arith.constant 0 : i32
    %c0_i32_0 = arith.constant 0 : i32
    %c0_i32_1 = arith.constant 0 : i32
    return %c0_i32, %c0_i32_0 : i32, i32
  }
  func.func @transform_6(%arg0: i32) -> (i32, i32) {
    %c0_i32 = arith.constant 0 : i32
    %c0_i32_0 = arith.constant 0 : i32
    %c0_i32_1 = arith.constant 0 : i32
    return %c0_i32, %c0_i32_0 : i32, i32
  }
  func.func @transform_7(%arg0: i32) -> (i32, i32) {
    %c0_i32 = arith.constant 0 : i32
    %c0_i32_0 = arith.constant 0 : i32
    %c0_i32_1 = arith.constant 0 : i32
    return %c0_i32, %c0_i32_0 : i32, i32
  }
  func.func @transform_8(%arg0: i32) -> (i32, i32) {
    %c0_i32 = arith.constant 0 : i32
    %c0_i32_0 = arith.constant 0 : i32
    %c0_i32_1 = arith.constant 0 : i32
    return %c0_i32, %c0_i32_0 : i32, i32
  }
  func.func @transform_9(%arg0: i32) -> (i32, i32) {
    %c0_i32 = arith.constant 0 : i32
    %c0_i32_0 = arith.constant 0 : i32
    return %arg0, %c0_i32 : i32, i32
  }
  func.func @transform_10(%arg0: i32) -> (i32, i32) {
    %c0_i32 = arith.constant 0 : i32
    %c0_i32_0 = arith.constant 0 : i32
    return %arg0, %c0_i32 : i32, i32
  }
}

</mosaic_0001>

<sc_bundles>
// kernel: gather_offload_async_start
scs
__scs_entry_jumppad:
0x0: {  	(pc) =	sbr.rel $0x88, $3  }
0x1: {  	(tag) =	ssettag $0x0;
	lr =	simm.s32 $0x1  }
0x2: {  	[smem:$0x3F81] =	sst lr;
	_ =	strace $0xD0000000  }
0x3: {  	_ = 	snop  }
0x4: {  	_ = 	snop  }
0x5: {  	_ = 	snop  }
0x6: {  	_ = 	snop  }
0x7: {  	_ = 	snop  }
__scs_overlays_trampoline_lowered:
0x8: {  	[smem:$0x3F90] =	sst s0  }
0x9: {  	[smem:$0x3F91] =	sst s1  }
0xa: {  	[smem:$0x3F92] =	sst s2  }
0xb: {  	[smem:$0x3F93] =	sst s3  }
0xc: {  	[smem:$0x3F94] =	sst s4  }
0xd: {  	[smem:$0x3F95] =	sst s5  }
0xe: {  	[smem:$0x3F96] =	sst s6  }
0xf: {  	[smem:$0x3F97] =	sst s7  }
0x10: {  	[smem:$0x3F98] =	sst s8  }
0x11: {  	[smem:$0x3F99] =	sst s9;
	s0 =	simm.s32 @!p0 $0x0  }
0x12: {  	s1 =	sld [smem:$0x3F7F];
	s0 =	simm.s32 @p0 $0x1  }
0x13: {  	[smem:$0x3F9A] =	sst s0;
	s0 =	simm.s32 @!p1 $0x0  }
0x14: {  	s2 =	sld [smem:$0x3F7E];
	s0 =	simm.s32 @p1 $0x1  }
0x15: {  	[smem:$0x3F9B] =	sst s0;
	s0 =	simm.s32 @!p2 $0x0  }
0x16: {  	s3 =	sld [smem:$0x3FDB];
	s0 =	simm.s32 @p2 $0x1  }
0x17: {  	s4 =	simm.s32 $0x1BF5;
	[smem:$0x3F9D] =	sst s0  }
0x18: {  	s0 =	sld [smem:$0x3F80];
	_ =	swait.ge [sflag:s4], $0x0  }
0x19: {  	s7 =	sld [smem:$0x3F81]  }
0x1a: {  	s8 =	sadd.s32 $0xFFFFE003, lr  }
0x1b: {  	s9 =	sadd.s32 $0xFFFFFEF7, lr;
	s5 =	simm.s32 $0xFFFFFFFF;
	p2 =	slt.u32 s8, $0xFFFFF086  }
0x1c: {  	p1 =	slt.u32 s9, $0xF7A;
	s5 =	simm.s32 @!p2 $0x0  }
0x1d: {  	s5 =	simm.s32 @p1 $0x1;
	p0 =	seq.s32 s7, s2  }
0x1e: {  	s7 =	smul.u32 @!p0 $0xF7A, s2;
	p2 =	seq.s32 @!p0 s5, $0x0  }
0x1f: {  	s9 =	smul.u32 $0xF7A, s1;
	s8 =	simm.s32 @!p0 $0x1BF5;
	p2 =	por !p2, p0  }
0x20: {  	[sflag:s8] =	ssyncset.s32 @!p0 $0xFFFFF086;
	s6 =	sadd.s32 @!p0 s3, s7;
	s7 =	simm.s32 @!p0 $0x108  }
0x21: {  	s3 =	sadd.s32 s3, s9;
	s6 =	sadd.s32 @!p0 $0x88, s6;
	s7 =	simm.s32 @p2 $0x1082  }
0x22: {  	[simem:s7], [sflag:s8] =	dma.local @!p0 [hbm:s6], $0xF7A  }
0x23: {  	s9 =	sor.u32 $0xD0000000, s2;
	s6 =	simm.s32 $0x108;
	_ =	swait.ge @!p0 [sflag:s8], $0x0  }
0x24: {  	s3 =	sadd.s32 $0x88, s3;
	s6 =	simm.s32 @!p1 $0x1082;
	[sflag:s4] =	ssyncset.s32 $0xFFFFF086  }
0x25: {  	[simem:s6], [sflag:s4] =	dma.local [hbm:s3], $0xF7A  }
0x26: {  	[smem:$0x3F81] =	sst s1;
	(tag) =	ssettag s2;
	_ =	strace s9  }
0x27: {  	s1 =	sld [smem:$0x3F91]  }
0x28: {  	s2 =	sld [smem:$0x3F92]  }
0x29: {  	s4 =	sld [smem:$0x3F94]  }
0x2a: {  	p0 =	seq.s32 s5, $0x0;
	s5 =	sld [smem:$0x3F95]  }
0x2b: {  	s6 =	sld [smem:$0x3F96]  }
0x2c: {  	s7 =	sld [smem:$0x3F97]  }
0x2d: {  	s3 =	simm.s32 $0x108;
	s8 =	sld [smem:$0x3F98]  }
0x2e: {  	s3 =	simm.s32 @!p0 $0x1082;
	s9 =	sld [smem:$0x3F99]  }
0x2f: {  	lr =	sadd.s32 s0, s3;
	s0 =	sld [smem:$0x3F90]  }
0x30: {  	s3 =	sld [smem:$0x3F93]  }
0x31: {  	[smem:$0x3F9C] =	sst s10  }
0x32: {  	s10 =	sld [smem:$0x3F9A];
	_ =	sdelay $0x3  }
0x33: {  	p0 =	seq.s32 s10, $0x1;
	s10 =	sld [smem:$0x3F9C];
	_ =	sdelay $0x3  }
0x34: {  	[smem:$0x3F9C] =	sst s10  }
0x35: {  	s10 =	sld [smem:$0x3F9B];
	_ =	sdelay $0x3  }
0x36: {  	p1 =	seq.s32 s10, $0x1;
	s10 =	sld [smem:$0x3F9C];
	_ =	sdelay $0x3  }
0x37: {  	[smem:$0x3F9C] =	sst s10  }
0x38: {  	s10 =	sld [smem:$0x3F9D]  }
0x39: {  	_ = 	snop;
	(pc) =	sbr.ind lr, $3  }
0x3a: {  	_ = 	snop  }
0x3b: {  	_ = 	snop  }
0x3c: {  	p2 =	seq.s32 s10, $0x1;
	s10 =	sld [smem:$0x3F9C]  }
0x3d: {  	_ =	shalt  }
0x3e: {  	_ =	shalt  }
0x3f: {  	_ =	shalt  }
0x40: {  	_ =	shalt  }
0x41: {  	_ =	shalt  }
0x42: {  	_ =	shalt  }
0x43: {  	_ =	shalt  }
0x44: {  	_ =	shalt  }
0x45: {  	_ =	shalt  }
0x46: {  	_ =	shalt  }
0x47: {  	_ =	shalt  }
0x48: {  	_ =	shalt  }
0x49: {  	_ =	shalt  }
0x4a: {  	_ =	shalt  }
0x4b: {  	_ =	shalt  }
0x4c: {  	_ =	shalt  }
0x4d: {  	_ =	shalt  }
0x4e: {  	_ =	shalt  }
0x4f: {  	_ =	shalt  }
0x50: {  	_ =	shalt  }
0x51: {  	_ =	shalt  }
0x52: {  	_ =	shalt  }
0x53: {  	_ =	shalt  }
0x54: {  	_ =	shalt  }
0x55: {  	_ =	shalt  }
0x56: {  	_ =	shalt  }
0x57: {  	_ =	shalt  }
0x58: {  	_ =	shalt  }
0x59: {  	_ =	shalt  }
0x5a: {  	_ =	shalt  }
0x5b: {  	_ =	shalt  }
0x5c: {  	_ =	shalt  }
0x5d: {  	_ =	shalt  }
0x5e: {  	_ =	shalt  }
0x5f: {  	_ =	shalt  }
0x60: {  	_ =	shalt  }
0x61: {  	_ =	shalt  }
0x62: {  	_ =	shalt  }
0x63: {  	_ =	shalt  }
0x64: {  	_ =	shalt  }
0x65: {  	_ =	shalt  }
0x66: {  	_ =	shalt  }
0x67: {  	_ =	shalt  }
0x68: {  	_ =	shalt  }
0x69: {  	_ =	shalt  }
0x6a: {  	_ =	shalt  }
0x6b: {  	_ =	shalt  }
0x6c: {  	_ =	shalt  }
0x6d: {  	_ =	shalt  }
0x6e: {  	_ =	shalt  }
0x6f: {  	_ =	shalt  }
0x70: {  	_ =	shalt  }
0x71: {  	_ =	shalt  }
0x72: {  	_ =	shalt  }
0x73: {  	_ =	shalt  }
0x74: {  	_ =	shalt  }
0x75: {  	_ =	shalt  }
0x76: {  	_ =	shalt  }
0x77: {  	_ =	shalt  }
0x78: {  	_ =	shalt  }
0x79: {  	_ =	shalt  }
0x7a: {  	_ =	shalt  }
0x7b: {  	_ =	shalt  }
0x7c: {  	_ =	shalt  }
0x7d: {  	_ =	shalt  }
0x7e: {  	_ =	shalt  }
0x7f: {  	_ =	shalt  }
0x80: {  	_ =	shalt  }
0x81: {  	_ =	shalt  }
0x82: {  	_ =	shalt  }
0x83: {  	_ =	shalt  }
0x84: {  	_ =	shalt  }
0x85: {  	_ =	shalt  }
0x86: {  	_ =	shalt  }
0x87: {  	_ =	shalt  }
.Lfunc_end0:
.L_simem_size_0:
called_computation.1_lowered:
.L_overlay_start_0:
0x88: {  	s2 =	sld [smem:$0x3FD9]  }
0x89: {  	s3 =	sld [smem:$0x3FFE];
	_ =	sdelay $0x1  }
0x8a: {  	s1 =	srdreg.scid  }
0x8b: {  	s0 =	sand.u32 $0x1, s1  }
0x8c: {  	s16 =	sshll.u32 s0, $0xA;
	s2 =	sadd.s32 s3, s2  }
0x8d: {  	s2 =	sadd.s32 s2, s16  }
0x8e: {  	[smem:$0x3FA8] =	sst s2  }
0x8f: {  	_ = 	snop  }
0x90: {  	(tm) =	ssettm $0x1  }
0x91: {  	s17 =	sld [smem:$0x3FFB];
	_ =	sdelay $0x3  }
0x92: {  	_ =	strace s17  }
0x93: {  	s2 =	sld [smem:$0x3FFC];
	_ =	sdelay $0x3  }
0x94: {  	_ =	strace s2  }
0x95: {  	s2 =	sld [smem:$0x3FFD];
	_ =	sdelay $0x3  }
0x96: {  	_ =	strace s2  }
0x97: {  	_ =	strace $0x8FFFFFFF  }
0x98: {  	s18 =	sld [smem:$0x3FDB];
	_ =	sdelay $0x1  }
0x99: {  	s19 =	simm.s32 $_scs_section_size  }
0x9a: {  	s4 =	simm.s32 $_size__tile_overlayer_lowered;
	s5 =	simm.s32 $_tile_overlayer_lowered  }
0x9b: {  	s22 =	simm.s32 $0x1BFF;
	s21 =	sshll.u32 s5, $0x1;
	s2 =	sadd.s32 s19, s18  }
0x9c: {  	s6 =	simm.s32 $0x0;
	s20 =	sshll.u32 s4, $0x1;
	s4 =	sadd.s32 s21, s2  }
0x9d: {  	[timem:s6], [sflag:s22] =	dma.local [hbm:s4], s20  }
0x9e: {  	_ =	swait.ge [sflag:s22], s20  }
0x9f: {  	s3 =	ssub.s32 $0x0, s20;
	[sflag:s22] =	ssyncset.done $0x0  }
0xa0: {  	[sflag:s22] =	ssyncadd.s32 s3;
	_ =	sdelay $0x1  }
0xa1: {  	s23 =	simm.s32 $0x1B8B  }
0xa2: {  	_ =	swait.ge [sflag:s23], $0x1  }
0xa3: {  	[sflag:s23] =	ssyncset.done $0x0  }
0xa4: {  	s25 =	simm.s32 $0x1B8E;
	s24 =	sld [smem:$0x3FFE];
	[sflag:s23] =	ssyncadd.s32 $0xFFFFFFFF  }
0xa5: {  	s26 =	simm.s32 $execute0_lowered;
	[smem:$0x3FD2] =	sst s25  }
0xa6: {  	s4 =	sshll.u32 s26, $0x1;
	_ =	strace $0x8000005A;
	[dreg:$0x1] =	wrdreg $0xFFFFFFFF  }
0xa7: {  	s28 =	simm.s32 $_size_execute0_lowered;
	s2 =	sadd.s32 s2, s4;
	[dreg:$0x0] =	wrdreg $0x0  }
0xa8: {  	s4 =	sshll.u32 s28, $0x1;
	[dreg:$0x2] =	wrdreg s2  }
0xa9: {  	[dreg:$0x3] =	wrdreg s4  }
0xaa: {  	[dreg:$0x4] =	wrdreg $0xC0  }
0xab: {  	_ =	task [dreg:s6], $0x5FFFF  }
0xac: {  	[dreg:$0x1] =	wrdreg $0xFFFFFFFF  }
0xad: {  	[dreg:$0x0] =	wrdreg $0x60  }
0xae: {  	[dreg:$0x2] =	wrdreg s24  }
0xaf: {  	[dreg:$0x3] =	wrdreg $0x9  }
0xb0: {  	_ =	task.clear_ibuf [dreg:s6], $0x4FFFF;
	_ =	strace $0x9000005A  }
0xb1: {  	s29 =	simm.s32 $0x9;
	_ =	strace $0x8000005C  }
0xb2: {  	_ =	swait.ge [sflag:s29], $0x1  }
0xb3: {  	[sflag:s29] =	ssyncadd.s32 $0xFFFFFFFF  }
0xb4: {  	_ =	strace $0x9000005C  }
0xb5: {  	_ =	sfence  }
0xb6: {  	s30 =	sld [smem:$0x0];
	_ =	sdelay $0x2  }
0xb7: {  	s31 =	sshll.u32 s1, $0xD;
	s1 =	sshrl.u32 s1, $0x2  }
0xb8: {  	s3 =	sand.u32 $0x4000, s31;
	s1 =	sadd.s32 s1, s30  }
0xb9: {  	s0 =	sor.u32 s3, s0;
	s1 =	sshll.u32 s1, $0x11  }
0xba: {  	s0 =	sor.u32 s1, s0  }
0xbb: {  	s0 =	sadd.s32 $0x8F2B, s0  }
0xbc: {  	[sflag:s0] =	ssyncadd.remote.s32 $0x1  }
0xbd: {  	_ =	sfence.sel $0xFFFF  }
0xbe: {  	[dreg:$0x0] =	wrdreg $0xFFFFFFFF;
	(pc) =	sbr.abs _section_cstart, $3  }
0xbf: {  	[dreg:$0x1] =	wrdreg $0xFFFFFFFF  }
0xc0: {  	_ =	task.clear_ibuf [dreg:s6], $0x2FFFF;
	_ =	strace $0x9FFFFFFF  }
0xc1: {  	(tm) =	ssettm $0x7FFFFFFF  }
tec
execute0_lowered:
.L_overlay_start_1:
0x0: {  	(tag) =	ssettag $0x1  }
0x1: {  	s0 =	srdreg.scid;
	s5 =	rddreg [dreg:$0x0]  }
0x2: {  	s1 =	stileid.u32;
	s6 =	simm.s32 $0x1;
	s9 =	simm.s32 $0x1  }
0x3: {  	s10 =	simm.s32 $0x3;
	s13 =	simm.s32 $0x0;
	s2 =	sshll.u32 s0, $0x7  }
0x4: {  	s12 =	simm.s32 $0x0;
	s3 =	sshll.u32 s1, $0x8;
	s2 =	sand.u32 $0x80, s2  }
0x5: {  	s0 =	rddreg [dreg:$0x1];
	_ =	strace $0x8000005B;
	s2 =	sor.u32 s3, s2  }
0x6: {  	s4 =	sadd.s32 $0x8400, s5;
	[sflag:s6] =	ssyncpa.u1 $0x0;
	s8 =	ssub.s32 $0x2000, s2  }
.Ltmp0:
0x7: {  	s3 =	sadd.s32 $0x9C9000, s5;
	s7 =	sand.u32 $0xF80, s8;
	(pc) =	sbr.rel .LBB2_1-.Ltmp0, $4  }
0x8: {  	s5 =	sadd.s32 $0x8000, s5;
	s11 =	smov.u32 s2;
	p0 =	sne.s32 s7, $0x0  }
0x9: {  	s8 =	sshrl.u32 s8, $0xC;
	s7 =	simm.s32 $0x2;
	s9 =	simm.s32 @!p0 $0x0  }
0xa: {  	[sflag:s7] =	ssyncpa.u1 $0x0;
	p0 =	por $0x0, $0x0;
	s8 =	sadd.s32 s9, s8  }
0xb: {  	vm0 =	vmmov $0xffff;
	[sflag:s10] =	ssyncpa.u1 $0x0;
	s10 =	simm.s32 $0x0;
	s9 =	sadd.s32 $0x1, s8  }
.LBB2_4:
0xc: {  	v2 =	vnsel vm1, $0x0, v2  }
0xd: {  	vm1 =	vgt.s32 v0, $0x0;
	v2 =	vmin.u32 v2, $0x1869F  }
0xe: {  	v0 =	vnsel vm1, $0x0, v0  }
0xf: {  	v0 =	vmin.u32 v0, $0x1869F  }
0x10: {  	[tilespmem:s15], [sflag:$0x1] =	stream.indirect_vreg.gather [hbm4b:s3+s10], $0x1, v1, vm0, $0x4038;
	[tilespmem:$0x200] =	vst v63  }
0x11: {  	(ifvalue) =	ssetifvalue $0x7FFFFFFF  }
0x12: {  	[tilespmem:s16], [sflag:$0x1] =	stream.indirect_vreg.gather [hbm4b:s3+s10], $0x1, v2, vm0, $0x4038;
	[tilespmem:$0x200] =	vst v63  }
0x13: {  	s29 =	sadd.s32 $0x10, s16;
	(ifvalue) =	ssetifvalue $0x7FFFFFFF  }
0x14: {  	[tilespmem:s29], [sflag:$0x1] =	stream.indirect_vreg.gather [hbm4b:s3+s10], $0x1, v0, vm0, $0x4038;
	[tilespmem:$0x200] =	vst v63  }
0x15: {  	_ =	swait.ge [sflag:s6], $0x80  }
0x16: {  	s30 =	sshrl.u32 s13, $0x3;
	[sflag:s6] =	ssyncset.done $0x0  }
0x17: {  	s31 =	sand.u32 $0x7, s13;
	s15 =	sadd.s32 s5, s30;
	[sflag:s6] =	ssyncadd.s32 $0xFFFFFF80  }
0x18: {  	[hbm4b:s15+s31] =	stream.linear.scatter [tilespmem:s14], [sflag:$0x3], $0x80, $0x38;
	[tilespmem:$0x200] =	vst v63  }
.LBB2_5:
0x19: {  	s15 =	sadd.s32 $0x1000, s11  }
0x1a: {  	p2 =	sgt.s32 s15, $0x1FFF  }
0x1b: {  	s15 =	smov.u32 @p2 s2;
	p2 =	sne.s32 s12, s9  }
.Ltmp1:
0x1c: {  	p1 =	slt.u32 s12, $0x2;
	(pc) =	sbr.rel @!p2 .LBB2_6-.Ltmp1, $4  }
0x1d: {  	s14 =	simm.s32 @!p1 $0x3  }
0x1e: {  	s16 =	sadd.s32 $0x1, s12;
	_ =	swait.ge @!p1 [sflag:s14], $0x80  }
0x1f: {  	s13 =	smov.u32 s11;
	p0 =	por !p0, !p0;
	[sflag:s14] =	ssyncset.done @!p1 $0x0  }
0x20: {  	s12 =	smov.u32 s16;
	s11 =	smov.u32 s15;
	[sflag:s14] =	ssyncadd.s32 @!p1 $0xFFFFFF80  }
.LBB2_1:
0x21: {  	p1 =	sge.u32 s12, s8  }
0x22: {  	s14 =	sxor.u32 @!p1 $0xFFFFFFFF, s12  }
0x23: {  	s31 =	sadd.s32 $0xFFFFFFFF, s12;
	s15 =	sshrl.u32 @!p1 s11, $0x3;
	s14 =	sshll.u32 @!p1 s14, $0x7  }
0x24: {  	s16 =	sand.u32 @!p1 $0x7, s11;
	s15 =	sadd.s32 @!p1 s4, s15;
	s14 =	sand.u32 @!p1 $0x80, s14  }
0x25: {  	[tilespmem:s14], [sflag:$0x2] =	stream.linear.gather @!p1 [hbm4b:s15+s16], $0x80, $0x38;
	[tilespmem:$0x200] =	vst v63  }
0x26: {  	p1 =	sge.u32 s31, s8  }
.Ltmp2:
0x27: {  	_ = 	snop;
	(pc) =	sbr.rel @p1 .LBB2_5-.Ltmp2, $1  }
0x28: {  	_ =	sdelay $0x3  }
0x29: {  	s14 =	simm.s32 $0x1  }
0x2a: {  	_ =	swait.ge [sflag:s7], $0x80;
	s14 =	simm.s32 @!p0 $0x0  }
0x2b: {  	[sflag:s7] =	ssyncset.done $0x0;
	s14 =	sshll.u32 s14, $0x7  }
0x2c: {  	[sflag:s7] =	ssyncadd.s32 $0xFFFFFF80;
	(ifvalue) =	ssetifvalue $0x7FFFFFFF;
	v0 =	vld.msk [tilespmem:s14+$0x0 ss:$0x1], $0xffff;
	_ =	sdelay $0x4  }
0x2d: {  	s15 =	sadd.s32 $0x10, s14;
	vm1 =	vgt.s32 v0, $0x0  }
0x2e: {  	v2 =	vld.msk [tilespmem:s15+$0x0 ss:$0x1], $0xffff;
	v1 =	vnsel vm1, $0x0, v0  }
0x2f: {  	v1 =	vmin.u32 v1, $0x1869F;
	_ =	sdelay $0x1  }
0x30: {  	s16 =	sshll.u32 s12, $0x7;
	s18 =	simm.s32 $0x20  }
0x31: {  	s16 =	sand.u32 $0x80, s16;
	s17 =	sadd.s32 $0x10, s15;
	s15 =	sor.u32 $0x100, s14  }
0x32: {  	s14 =	sor.u32 $0x100, s16;
	s16 =	sadd.s32 $0x10, s15;
	v0 =	vld.msk [tilespmem:s17+$0x0 ss:$0x1], $0xffff;
	vm1 =	vgt.s32 v2, $0x0;
	(ifvalue) =	ssetifvalue $0x7FFFFFFF  }
.LBB2_3:
0x33: {  	[tilespmem:s15], [sflag:$0x1] =	stream.indirect_vreg.gather [hbm4b:s3+s10], $0x1, v1, vm0, $0x4038;
	[tilespmem:$0x200] =	vst v63  }
0x34: {  	s18 =	sadd.s32 $0x10, s18  }
0x35: {  	v2 =	vnsel vm1, $0x0, v2;
	p1 =	slt.u32 s18, $0x70  }
.Ltmp3:
0x36: {  	s15 =	smov.u32 s16;
	v1 =	vmin.u32 v2, $0x1869F;
	(pc) =	sbr.rel @p1 .LBB2_3-.Ltmp3, $3  }
0x37: {  	_ =	sdelay $0x1  }
0x38: {  	s17 =	sadd.s32 $0x10, s17  }
0x39: {  	vm1 =	vgt.s32 v0, $0x0;
	s16 =	sadd.s32 $0x10, s16;
	v2 =	vmov v0;
	(ifvalue) =	ssetifvalue $0x7FFFFFFF;
	v0 =	vld.msk [tilespmem:s17+$0x0 ss:$0x1], $0xffff  }
.Ltmp4:
0x3a: {  	_ = 	snop;
	(pc) =	sbr.rel .LBB2_4-.Ltmp4, $1  }
0x3b: {  	_ =	sdelay $0x3  }
.LBB2_6:
0x3c: {  	_ =	sfence.sel $0x180000  }
0x3d: {  	s2 =	simm.s32 $0x2;
	[bflag:$0x0] =	sbarrier.arrive $0xFFFF  }
0x3e: {  	s30 =	simm.s32 $0x3;
	[sflag:s2] =	ssyncpa.u1 $0x1  }
0x3f: {  	s31 =	simm.s32 $0x1;
	[sflag:s30] =	ssyncpa.u1 $0x1  }
0x40: {  	[sflag:s31] =	ssyncpa.u1 $0x1  }
0x41: {  	p0 =	sne.s32 s1, $0x0;
	_ =	strace $0x9000005B  }
0x42: {  	s0 =	sadd.s32 @!p0 $0x100000, s0;
	[bflag:$0x2] =	sbarrier.arrive $0xFFFF  }
0x43: {  	[sflag:s0] =	ssyncadd.tile.s32 @!p0 $0x1;
	_ =	shalt  }
.Lfunc_end2:
_tile_overlayer_lowered:
.L_overlay_start_2:
0x44: {  	(tag) =	ssettag $0x2  }
0x45: {  	s0 =	rddreg [dreg:$0x0];
	s2 =	stileid.u32  }
0x46: {  	s1 =	rddreg [dreg:$0x1];
	p0 =	sne.s32 s2, $0x0  }
0x47: {  	s3 =	rddreg [dreg:$0x2];
	[bflag:$0x3] =	sbarrier.arrive $0xFFFF;
	s2 =	simm.s32 @!p0 $0x1C01  }
0x48: {  	[timem:s3], [sflag:s2] =	dma.local @!p0 [hbm:s0], s1  }
0x49: {  	s0 =	simm.s32 @!p0 $0x1  }
0x4a: {  	_ =	swait.ge @!p0 [sflag:s0], s1  }
0x4b: {  	s1 =	ssub.s32 @!p0 $0x0, s1;
	[sflag:s0] =	ssyncset.done @!p0 $0x0  }
0x4c: {  	[sflag:s0] =	ssyncadd.s32 @!p0 s1  }
0x4d: {  	[bflag:$0x3] =	sbarrier.arrive $0xFFFF  }
0x4e: {  	_ =	shalt  }

// kernel: kernel.10.cloned.1.call-start
scs
__scs_entry_jumppad:
0x0: {  	(pc) =	sbr.rel $0x88, $3  }
0x1: {  	(tag) =	ssettag $0x0;
	lr =	simm.s32 $0x1  }
0x2: {  	[smem:$0x3F81] =	sst lr;
	_ =	strace $0xD0000000  }
0x3: {  	_ = 	snop  }
0x4: {  	_ = 	snop  }
0x5: {  	_ = 	snop  }
0x6: {  	_ = 	snop  }
0x7: {  	_ = 	snop  }
__scs_overlays_trampoline_lowered:
0x8: {  	[smem:$0x3F90] =	sst s0  }
0x9: {  	[smem:$0x3F91] =	sst s1  }
0xa: {  	[smem:$0x3F92] =	sst s2  }
0xb: {  	[smem:$0x3F93] =	sst s3  }
0xc: {  	[smem:$0x3F94] =	sst s4  }
0xd: {  	[smem:$0x3F95] =	sst s5  }
0xe: {  	[smem:$0x3F96] =	sst s6  }
0xf: {  	[smem:$0x3F97] =	sst s7  }
0x10: {  	[smem:$0x3F98] =	sst s8  }
0x11: {  	[smem:$0x3F99] =	sst s9;
	s0 =	simm.s32 @!p0 $0x0  }
0x12: {  	s1 =	sld [smem:$0x3F7F];
	s0 =	simm.s32 @p0 $0x1  }
0x13: {  	[smem:$0x3F9A] =	sst s0;
	s0 =	simm.s32 @!p1 $0x0  }
0x14: {  	s2 =	sld [smem:$0x3F7E];
	s0 =	simm.s32 @p1 $0x1  }
0x15: {  	[smem:$0x3F9B] =	sst s0;
	s0 =	simm.s32 @!p2 $0x0  }
0x16: {  	s3 =	sld [smem:$0x3FDB];
	s0 =	simm.s32 @p2 $0x1  }
0x17: {  	s4 =	simm.s32 $0x1BF5;
	[smem:$0x3F9D] =	sst s0  }
0x18: {  	s0 =	sld [smem:$0x3F80];
	_ =	swait.ge [sflag:s4], $0x0  }
0x19: {  	s7 =	sld [smem:$0x3F81]  }
0x1a: {  	s8 =	sadd.s32 $0xFFFFE003, lr  }
0x1b: {  	s9 =	sadd.s32 $0xFFFFFEF7, lr;
	s5 =	simm.s32 $0xFFFFFFFF;
	p2 =	slt.u32 s8, $0xFFFFF086  }
0x1c: {  	p1 =	slt.u32 s9, $0xF7A;
	s5 =	simm.s32 @!p2 $0x0  }
0x1d: {  	s5 =	simm.s32 @p1 $0x1;
	p0 =	seq.s32 s7, s2  }
0x1e: {  	s7 =	smul.u32 @!p0 $0xF7A, s2;
	p2 =	seq.s32 @!p0 s5, $0x0  }
0x1f: {  	s9 =	smul.u32 $0xF7A, s1;
	s8 =	simm.s32 @!p0 $0x1BF5;
	p2 =	por !p2, p0  }
0x20: {  	[sflag:s8] =	ssyncset.s32 @!p0 $0xFFFFF086;
	s6 =	sadd.s32 @!p0 s3, s7;
	s7 =	simm.s32 @!p0 $0x108  }
0x21: {  	s3 =	sadd.s32 s3, s9;
	s6 =	sadd.s32 @!p0 $0x88, s6;
	s7 =	simm.s32 @p2 $0x1082  }
0x22: {  	[simem:s7], [sflag:s8] =	dma.local @!p0 [hbm:s6], $0xF7A  }
0x23: {  	s9 =	sor.u32 $0xD0000000, s2;
	s6 =	simm.s32 $0x108;
	_ =	swait.ge @!p0 [sflag:s8], $0x0  }
0x24: {  	s3 =	sadd.s32 $0x88, s3;
	s6 =	simm.s32 @!p1 $0x1082;
	[sflag:s4] =	ssyncset.s32 $0xFFFFF086  }
0x25: {  	[simem:s6], [sflag:s4] =	dma.local [hbm:s3], $0xF7A  }
0x26: {  	[smem:$0x3F81] =	sst s1;
	(tag) =	ssettag s2;
	_ =	strace s9  }
0x27: {  	s1 =	sld [smem:$0x3F91]  }
0x28: {  	s2 =	sld [smem:$0x3F92]  }
0x29: {  	s4 =	sld [smem:$0x3F94]  }
0x2a: {  	p0 =	seq.s32 s5, $0x0;
	s5 =	sld [smem:$0x3F95]  }
0x2b: {  	s6 =	sld [smem:$0x3F96]  }
0x2c: {  	s7 =	sld [smem:$0x3F97]  }
0x2d: {  	s3 =	simm.s32 $0x108;
	s8 =	sld [smem:$0x3F98]  }
0x2e: {  	s3 =	simm.s32 @!p0 $0x1082;
	s9 =	sld [smem:$0x3F99]  }
0x2f: {  	lr =	sadd.s32 s0, s3;
	s0 =	sld [smem:$0x3F90]  }
0x30: {  	s3 =	sld [smem:$0x3F93]  }
0x31: {  	[smem:$0x3F9C] =	sst s10  }
0x32: {  	s10 =	sld [smem:$0x3F9A];
	_ =	sdelay $0x3  }
0x33: {  	p0 =	seq.s32 s10, $0x1;
	s10 =	sld [smem:$0x3F9C];
	_ =	sdelay $0x3  }
0x34: {  	[smem:$0x3F9C] =	sst s10  }
0x35: {  	s10 =	sld [smem:$0x3F9B];
	_ =	sdelay $0x3  }
0x36: {  	p1 =	seq.s32 s10, $0x1;
	s10 =	sld [smem:$0x3F9C];
	_ =	sdelay $0x3  }
0x37: {  	[smem:$0x3F9C] =	sst s10  }
0x38: {  	s10 =	sld [smem:$0x3F9D]  }
0x39: {  	_ = 	snop;
	(pc) =	sbr.ind lr, $3  }
0x3a: {  	_ = 	snop  }
0x3b: {  	_ = 	snop  }
0x3c: {  	p2 =	seq.s32 s10, $0x1;
	s10 =	sld [smem:$0x3F9C]  }
0x3d: {  	_ =	shalt  }
0x3e: {  	_ =	shalt  }
0x3f: {  	_ =	shalt  }
0x40: {  	_ =	shalt  }
0x41: {  	_ =	shalt  }
0x42: {  	_ =	shalt  }
0x43: {  	_ =	shalt  }
0x44: {  	_ =	shalt  }
0x45: {  	_ =	shalt  }
0x46: {  	_ =	shalt  }
0x47: {  	_ =	shalt  }
0x48: {  	_ =	shalt  }
0x49: {  	_ =	shalt  }
0x4a: {  	_ =	shalt  }
0x4b: {  	_ =	shalt  }
0x4c: {  	_ =	shalt  }
0x4d: {  	_ =	shalt  }
0x4e: {  	_ =	shalt  }
0x4f: {  	_ =	shalt  }
0x50: {  	_ =	shalt  }
0x51: {  	_ =	shalt  }
0x52: {  	_ =	shalt  }
0x53: {  	_ =	shalt  }
0x54: {  	_ =	shalt  }
0x55: {  	_ =	shalt  }
0x56: {  	_ =	shalt  }
0x57: {  	_ =	shalt  }
0x58: {  	_ =	shalt  }
0x59: {  	_ =	shalt  }
0x5a: {  	_ =	shalt  }
0x5b: {  	_ =	shalt  }
0x5c: {  	_ =	shalt  }
0x5d: {  	_ =	shalt  }
0x5e: {  	_ =	shalt  }
0x5f: {  	_ =	shalt  }
0x60: {  	_ =	shalt  }
0x61: {  	_ =	shalt  }
0x62: {  	_ =	shalt  }
0x63: {  	_ =	shalt  }
0x64: {  	_ =	shalt  }
0x65: {  	_ =	shalt  }
0x66: {  	_ =	shalt  }
0x67: {  	_ =	shalt  }
0x68: {  	_ =	shalt  }
0x69: {  	_ =	shalt  }
0x6a: {  	_ =	shalt  }
0x6b: {  	_ =	shalt  }
0x6c: {  	_ =	shalt  }
0x6d: {  	_ =	shalt  }
0x6e: {  	_ =	shalt  }
0x6f: {  	_ =	shalt  }
0x70: {  	_ =	shalt  }
0x71: {  	_ =	shalt  }
0x72: {  	_ =	shalt  }
0x73: {  	_ =	shalt  }
0x74: {  	_ =	shalt  }
0x75: {  	_ =	shalt  }
0x76: {  	_ =	shalt  }
0x77: {  	_ =	shalt  }
0x78: {  	_ =	shalt  }
0x79: {  	_ =	shalt  }
0x7a: {  	_ =	shalt  }
0x7b: {  	_ =	shalt  }
0x7c: {  	_ =	shalt  }
0x7d: {  	_ =	shalt  }
0x7e: {  	_ =	shalt  }
0x7f: {  	_ =	shalt  }
0x80: {  	_ =	shalt  }
0x81: {  	_ =	shalt  }
0x82: {  	_ =	shalt  }
0x83: {  	_ =	shalt  }
0x84: {  	_ =	shalt  }
0x85: {  	_ =	shalt  }
0x86: {  	_ =	shalt  }
0x87: {  	_ =	shalt  }
.Lfunc_end0:
.L_simem_size_0:
called_computation.3_lowered:
.L_overlay_start_0:
0x88: {  	s2 =	sld [smem:$0x3FD9]  }
0x89: {  	s3 =	sld [smem:$0x3FFE];
	_ =	sdelay $0x1  }
0x8a: {  	s1 =	srdreg.scid  }
0x8b: {  	s0 =	sand.u32 $0x1, s1  }
0x8c: {  	s14 =	sshll.u32 s0, $0xA;
	s2 =	sadd.s32 s3, s2  }
0x8d: {  	s2 =	sadd.s32 s2, s14  }
0x8e: {  	[smem:$0x3FA8] =	sst s2  }
0x8f: {  	_ = 	snop  }
0x90: {  	s2 =	sld [smem:$0x3FD0];
	_ =	sdelay $0x2  }
0x91: {  	s15 =	simm.s32 $0xB;
	s4 =	simm.s32 $0x10  }
0x92: {  	[smem:s4], [sflag:s15] =	dma.local [hbm:s2], $0x1  }
0x93: {  	_ =	swait.eq [sflag:s15], $0x1  }
0x94: {  	[sflag:s15] =	ssyncset.done $0x0  }
0x95: {  	s16 =	sld [smem:$0x12];
	[sflag:s15] =	ssyncadd.s32 $0xFFFFFFFF  }
0x96: {  	s17 =	sld [smem:$0x13];
	(tm) =	ssettm $0x1  }
0x97: {  	s18 =	sld [smem:$0x3FFB];
	_ =	sdelay $0x3  }
0x98: {  	_ =	strace s18  }
0x99: {  	s4 =	sld [smem:$0x3FFC];
	_ =	sdelay $0x3  }
0x9a: {  	_ =	strace s4  }
0x9b: {  	s4 =	sld [smem:$0x3FFD];
	_ =	sdelay $0x3  }
0x9c: {  	_ =	strace s4  }
0x9d: {  	_ =	strace $0x8FFFFFFF  }
0x9e: {  	s19 =	sld [smem:$0x3FDB];
	_ =	sdelay $0x1  }
0x9f: {  	s5 =	simm.s32 $_scs_section_size  }
0xa0: {  	s6 =	simm.s32 $_size__tile_overlayer_lowered;
	s7 =	simm.s32 $_tile_overlayer_lowered  }
0xa1: {  	s22 =	simm.s32 $0x1BFF;
	s21 =	sshll.u32 s7, $0x1;
	s4 =	sadd.s32 s5, s19  }
0xa2: {  	s8 =	simm.s32 $0x0;
	s20 =	sshll.u32 s6, $0x1;
	s6 =	sadd.s32 s21, s4  }
0xa3: {  	[timem:s8], [sflag:s22] =	dma.local [hbm:s6], s20  }
0xa4: {  	_ =	swait.ge [sflag:s22], s20  }
0xa5: {  	s5 =	ssub.s32 $0x0, s20;
	[sflag:s22] =	ssyncset.done $0x0  }
0xa6: {  	[sflag:s22] =	ssyncadd.s32 s5;
	_ =	sdelay $0x1  }
0xa7: {  	s23 =	simm.s32 $0x1B8B  }
0xa8: {  	_ =	swait.ge [sflag:s23], $0x1  }
0xa9: {  	[sflag:s23] =	ssyncset.done $0x0  }
0xaa: {  	s25 =	simm.s32 $0x1B8E;
	s24 =	sld [smem:$0x3FFE];
	[sflag:s23] =	ssyncadd.s32 $0xFFFFFFFF  }
0xab: {  	s26 =	simm.s32 $execute0_lowered;
	[smem:$0x3FD2] =	sst s25  }
0xac: {  	s6 =	sshll.u32 s26, $0x1;
	_ =	strace $0x8000005D;
	[dreg:$0x1] =	wrdreg $0xFFFFFFFF  }
0xad: {  	s28 =	simm.s32 $_size_execute0_lowered;
	s4 =	sadd.s32 s4, s6;
	[dreg:$0x0] =	wrdreg $0x0  }
0xae: {  	s6 =	sshll.u32 s28, $0x1;
	[dreg:$0x2] =	wrdreg s4  }
0xaf: {  	[dreg:$0x3] =	wrdreg s6  }
0xb0: {  	[dreg:$0x4] =	wrdreg $0xC0  }
0xb1: {  	_ =	task [dreg:s8], $0x5FFFF  }
0xb2: {  	[dreg:$0x1] =	wrdreg $0xFFFFFFFF  }
0xb3: {  	[dreg:$0x0] =	wrdreg $0x60  }
0xb4: {  	[dreg:$0x2] =	wrdreg s24  }
0xb5: {  	[dreg:$0x3] =	wrdreg s16  }
0xb6: {  	[dreg:$0x4] =	wrdreg s17  }
0xb7: {  	[dreg:$0x5] =	wrdreg $0x9  }
0xb8: {  	_ =	task.clear_ibuf [dreg:s8], $0x6FFFF;
	_ =	strace $0x9000005D  }
0xb9: {  	s29 =	simm.s32 $0x9;
	_ =	strace $0x80000065  }
0xba: {  	_ =	swait.ge [sflag:s29], $0x1  }
0xbb: {  	[sflag:s29] =	ssyncadd.s32 $0xFFFFFFFF  }
0xbc: {  	_ =	strace $0x90000065  }
0xbd: {  	_ =	sfence  }
0xbe: {  	s30 =	sld [smem:$0x0];
	_ =	sdelay $0x2  }
0xbf: {  	s31 =	sshll.u32 s1, $0xD;
	s1 =	sshrl.u32 s1, $0x2  }
0xc0: {  	s3 =	sand.u32 $0x4000, s31;
	s1 =	sadd.s32 s1, s30  }
0xc1: {  	s0 =	sor.u32 s3, s0;
	s1 =	sshll.u32 s1, $0x11  }
0xc2: {  	s0 =	sor.u32 s1, s0  }
0xc3: {  	s0 =	sadd.s32 $0x8F2B, s0  }
0xc4: {  	[sflag:s0] =	ssyncadd.remote.s32 $0x1  }
0xc5: {  	_ =	sfence.sel $0xFFFF  }
0xc6: {  	[dreg:$0x0] =	wrdreg $0xFFFFFFFF;
	(pc) =	sbr.abs _section_cstart, $3  }
0xc7: {  	[dreg:$0x1] =	wrdreg $0xFFFFFFFF  }
0xc8: {  	_ =	task.clear_ibuf [dreg:s8], $0x2FFFF;
	_ =	strace $0x9FFFFFFF  }
0xc9: {  	(tm) =	ssettm $0x7FFFFFFF  }
tec
execute0_lowered:
.L_overlay_start_1:
0x0: {  	(tag) =	ssettag $0x1  }
0x1: {  	s0 =	rddreg [dreg:$0x0]  }
0x2: {  	s1 =	rddreg [dreg:$0x1]  }
0x3: {  	s11 =	rddreg [dreg:$0x2];
	s2 =	srdreg.scid  }
0x4: {  	s3 =	simm.s32 $0x0;
	s15 =	simm.s32 $0xAC80;
	s16 =	simm.s32 $0xAD80  }
0x5: {  	s17 =	simm.s32 $0xAD00;
	s18 =	simm.s32 $0xAE00;
	s19 =	simm.s32 $0x1  }
0x6: {  	s20 =	simm.s32 $0x3;
	s21 =	simm.s32 $0x80;
	s22 =	simm.s32 $0x5  }
0x7: {  	s23 =	simm.s32 $0x2;
	s24 =	simm.s32 $0x4;
	s25 =	simm.s32 $0x4000  }
0x8: {  	s26 =	simm.s32 $0x4C80;
	s29 =	simm.s32 $0x8C80;
	s30 =	simm.s32 $0x0  }
0x9: {  	s7 =	sand.u32 $0x1, s2;
	[smem:$0x7FF] =	sst s3;
	s2 =	stileid.u32  }
0xa: {  	s5 =	sadd.s32 $0x8000, s0;
	s6 =	sadd.s32 $0x8800, s0;
	s4 =	sshll.u32 s7, $0x4  }
0xb: {  	_ =	strace $0x8000005E;
	s9 =	ssub.s32 $0x2, s7;
	s7 =	sadd.s32 $0x980A00, s0  }
0xc: {  	s8 =	sor.u32 s2, s4;
	s4 =	sadd.s32 $0x980E00, s0;
	s10 =	sshrl.u32 s9, $0x1  }
0xd: {  	s28 =	smul.u32 $0xC40, s8;
	s13 =	ssub.s32 s9, s10;
	s14 =	sshll.u32 s8, $0x5  }
0xe: {  	s8 =	sadd.s32 s5, s14;
	s9 =	sadd.s32 s6, s14;
	s14 =	sor.u32 $0x10, s14  }
0xf: {  	s12 =	sshrl.u32 s28, $0x3;
	s31 =	sadd.s32 $0xC40, s28;
	v0 =	vmov s28;
	s28 =	simm.s32 $0x6C80  }
0x10: {  	s0 =	sadd.s32 s12, s0;
	s11 =	sadd.s32 s11, s12;
	s12 =	smax.u32 s13, $0x1  }
0x11: {  	s13 =	sadd.s32 s5, s14;
	s14 =	sadd.s32 s6, s14;
	v1 =	vmov s31;
	s10 =	sadd.s32 $0x9C2600, s0  }
.LBB2_1:
0x12: {  	_ =	strace $0x8000005F  }
0x13: {  	[tilespmem:s15], [sflag:$0x1] =	stream.linear.gather [hbm4b:s8+s3], $0x80, $0x200038;
	[tilespmem:$0xAE80] =	vst v63  }
0x14: {  	_ = 	snop  }
0x15: {  	[tilespmem:s16], [sflag:$0x3] =	stream.linear.gather [hbm4b:s9+s3], $0x80, $0x200038;
	[tilespmem:$0xAE80] =	vst v63  }
0x16: {  	_ =	strace $0x9000005F  }
0x17: {  	_ =	strace $0x80000060  }
0x18: {  	[tilespmem:s17], [sflag:$0x2] =	stream.linear.gather [hbm4b:s13+s3], $0x80, $0x200038;
	[tilespmem:$0xAE80] =	vst v63  }
0x19: {  	_ =	strace $0x90000060  }
0x1a: {  	_ =	strace $0x80000061  }
0x1b: {  	[tilespmem:s18], [sflag:$0x4] =	stream.linear.gather [hbm4b:s14+s3], $0x80, $0x200038;
	[tilespmem:$0xAE80] =	vst v63  }
0x1c: {  	_ =	strace $0x90000061  }
0x1d: {  	_ =	strace $0x80000062  }
0x1e: {  	_ =	swait.ge [sflag:s19], $0x80  }
0x1f: {  	[sflag:s19] =	ssyncset.done $0x0  }
0x20: {  	[sflag:s19] =	ssyncadd.s32 $0xFFFFFF80  }
0x21: {  	_ =	strace $0x90000062  }
0x22: {  	_ =	strace $0x80000063  }
0x23: {  	_ =	swait.ge [sflag:s20], $0x80  }
0x24: {  	[sflag:s20] =	ssyncset.done $0x0  }
0x25: {  	[sflag:s20] =	ssyncadd.s32 $0xFFFFFF80  }
0x26: {  	_ =	strace $0x90000063  }
0x27: {  	_ =	strace $0x80000064  }
0x28: {  	[tilespmem:s3], [sflag:$0x5] =	stream.indirect.gather [hbm4b:s4+s21], $0x80, s15, s21, $0x2000b8;
	[tilespmem:$0xAE80] =	vst v63  }
0x29: {  	_ =	swait.ge [sflag:s22], $0x4000  }
0x2a: {  	[sflag:s22] =	ssyncset.done $0x0  }
0x2b: {  	[sflag:s22] =	ssyncadd.s32 $0xFFFFC000  }
0x2c: {  	[hbm4b:s1+s21] =	stream.indirect.scatter [tilespmem:s3], [sflag:$0x5], $0x80, s16, s21, $0x2000b8;
	[tilespmem:$0xAE80] =	vst v63  }
0x2d: {  	_ =	swait.ge [sflag:s22], $0x4000  }
0x2e: {  	[sflag:s22] =	ssyncset.done $0x0  }
0x2f: {  	[sflag:s22] =	ssyncadd.s32 $0xFFFFC000  }
0x30: {  	_ =	strace $0x90000064  }
0x31: {  	_ =	strace $0x80000062  }
0x32: {  	_ =	swait.ge [sflag:s23], $0x80  }
0x33: {  	[sflag:s23] =	ssyncset.done $0x0  }
0x34: {  	[sflag:s23] =	ssyncadd.s32 $0xFFFFFF80  }
0x35: {  	_ =	strace $0x90000062  }
0x36: {  	_ =	strace $0x80000063  }
0x37: {  	_ =	swait.ge [sflag:s24], $0x80  }
0x38: {  	[sflag:s24] =	ssyncset.done $0x0  }
0x39: {  	[sflag:s24] =	ssyncadd.s32 $0xFFFFFF80  }
0x3a: {  	_ =	strace $0x90000063  }
0x3b: {  	_ =	strace $0x80000064  }
0x3c: {  	[tilespmem:s3], [sflag:$0x5] =	stream.indirect.gather [hbm4b:s4+s21], $0x80, s17, s21, $0x2000b8;
	[tilespmem:$0xAE80] =	vst v63  }
0x3d: {  	_ =	swait.ge [sflag:s22], $0x4000  }
0x3e: {  	[sflag:s22] =	ssyncset.done $0x0  }
0x3f: {  	[sflag:s22] =	ssyncadd.s32 $0xFFFFC000  }
0x40: {  	[hbm4b:s1+s21] =	stream.indirect.scatter [tilespmem:s3], [sflag:$0x5], $0x80, s18, s21, $0x2000b8;
	[tilespmem:$0xAE80] =	vst v63  }
0x41: {  	_ =	swait.ge [sflag:s22], $0x4000  }
0x42: {  	[sflag:s22] =	ssyncset.done $0x0  }
0x43: {  	[sflag:s22] =	ssyncadd.s32 $0xFFFFC000  }
0x44: {  	_ =	strace $0x90000064  }
0x45: {  	[tilespmem:s25], [sflag:$0x1] =	stream.linear.gather [hbm4b:s10+s3], $0xC40, $0x38;
	[tilespmem:$0xAE80] =	vst v63  }
0x46: {  	_ =	swait.ge [sflag:s19], $0xC40  }
0x47: {  	[sflag:s19] =	ssyncset.done $0x0  }
0x48: {  	[sflag:s19] =	ssyncadd.s32 $0xFFFFF3C0  }
0x49: {  	[tilespmem:s26], [sflag:$0x1] =	stream.linear.gather [hbm4b:s6+s3], $0x2000, $0x38;
	[tilespmem:$0xAE80] =	vst v63  }
0x4a: {  	_ =	swait.ge [sflag:s19], $0x2000  }
0x4b: {  	[sflag:s19] =	ssyncset.done $0x0  }
0x4c: {  	[sflag:s19] =	ssyncadd.s32 $0xFFFFE000  }
0x4d: {  	[tilespmem:s28], [sflag:$0x1] =	stream.linear.gather [hbm4b:s5+s3], $0x2000, $0x38;
	[tilespmem:$0xAE80] =	vst v63  }
0x4e: {  	_ =	swait.ge [sflag:s19], $0x2000  }
0x4f: {  	[sflag:s19] =	ssyncset.done $0x0  }
0x50: {  	[sflag:s19] =	ssyncadd.s32 $0xFFFFE000  }
0x51: {  	[tilespmem:s29], [sflag:$0x1] =	stream.linear.gather [hbm4b:s7+s3], $0x2000, $0x38;
	[tilespmem:$0xAE80] =	vst v63  }
0x52: {  	_ =	swait.ge [sflag:s19], $0x2000  }
0x53: {  	[sflag:s19] =	ssyncset.done $0x0  }
0x54: {  	s0 =	simm.s32 $0x0;
	s31 =	simm.s32 $0x40;
	[sflag:s19] =	ssyncadd.s32 $0xFFFFE000  }
.LBB2_2:
0x55: {  	p0 =	sne.s32 s31, $0x7FC0;
	v2 =	vld [tilespmem:s0+$0x6C80];
	_ =	sdelay $0x1  }
0x56: {  	v3 =	vld [tilespmem:s0+$0x4C80];
	_ =	sdelay $0x4  }
0x57: {  	vm0 =	vge.s32 v3, v0;
	vm1 =	vlt.s32 v3, v1  }
0x58: {  	v2 =	vld.idx.msk [tilespmem:v2+s29+$0x0], $0xffff;
	vm0 =	vmand vm0, vm1  }
0x59: {  	v3 =	vsub.s32 v3, v0  }
.Ltmp0:
0x5a: {  	(pc) =	sbr.rel @p0 .LBB2_2-.Ltmp0, $2  }
0x5b: {  	_ =	sdelay $0x2  }
0x5c: {  	s0 =	sshra.s32 s31, $0x2;
	s31 =	sadd.s32 $0x40, s31;
	[tilespmem:v3+s25+$0x0] =	vst.idx.msk vm0, v2  }
0x5d: {  	v2 =	vld [tilespmem:s0+$0x6C80]  }
0x5e: {  	v3 =	vld [tilespmem:s0+$0x4C80];
	_ =	sdelay $0x4  }
0x5f: {  	vm0 =	vge.s32 v3, v0;
	vm1 =	vlt.s32 v3, v1  }
0x60: {  	vm0 =	vmand vm0, vm1  }
0x61: {  	v3 =	vsub.s32 v3, v0;
	v2 =	vld.idx.msk [tilespmem:v2+s29+$0x0], $0xffff;
	_ =	sdelay $0x2  }
0x62: {  	s30 =	sadd.s32 $0x1, s30  }
0x63: {  	p0 =	sne.s32 s30, s12  }
.Ltmp1:
0x64: {  	[tilespmem:v3+s25+$0x0] =	vst.idx.msk vm0, v2;
	(pc) =	sbr.rel @p0 .LBB2_1-.Ltmp1, $4  }
0x65: {  	[hbm4b:s11+s3] =	stream.linear.scatter [tilespmem:s25], [sflag:$0x1], $0xC40, $0x38;
	[tilespmem:$0xAE80] =	vst v63  }
0x66: {  	_ =	swait.ge [sflag:s19], $0xC40  }
0x67: {  	[sflag:s19] =	ssyncset.done $0x0  }
0x68: {  	[sflag:s19] =	ssyncadd.s32 $0xFFFFF3C0  }
0x69: {  	_ =	sfence.sel $0x180000  }
0x6a: {  	[bflag:$0x0] =	sbarrier.arrive $0xFFFF  }
0x6b: {  	_ =	strace $0x9000005E  }
0x6c: {  	[bflag:$0x2] =	sbarrier.arrive $0xFFFF  }
0x6d: {  	p0 =	sne.s32 s2, $0x0;
	s0 =	rddreg [dreg:$0x3]  }
0x6e: {  	s0 =	sadd.s32 @!p0 $0x100000, s0  }
0x6f: {  	[sflag:s0] =	ssyncadd.tile.s32 @!p0 $0x1;
	_ =	shalt  }
.Lfunc_end2:
_tile_overlayer_lowered:
.L_overlay_start_2:
0x70: {  	(tag) =	ssettag $0x2  }
0x71: {  	s0 =	rddreg [dreg:$0x0];
	s2 =	stileid.u32  }
0x72: {  	s1 =	rddreg [dreg:$0x1];
	p0 =	sne.s32 s2, $0x0  }
0x73: {  	s3 =	rddreg [dreg:$0x2];
	[bflag:$0x3] =	sbarrier.arrive $0xFFFF;
	s2 =	simm.s32 @!p0 $0x1C01  }
0x74: {  	[timem:s3], [sflag:s2] =	dma.local @!p0 [hbm:s0], s1  }
0x75: {  	s0 =	simm.s32 @!p0 $0x1  }
0x76: {  	_ =	swait.ge @!p0 [sflag:s0], s1  }
0x77: {  	s1 =	ssub.s32 @!p0 $0x0, s1;
	[sflag:s0] =	ssyncset.done @!p0 $0x0  }
0x78: {  	[sflag:s0] =	ssyncadd.s32 @!p0 s1  }
0x79: {  	[bflag:$0x3] =	sbarrier.arrive $0xFFFF  }
0x7a: {  	_ =	shalt  }

// kernel: kernel.7.cloned.1.call-start
scs
__scs_entry_jumppad:
0x0: {  	(pc) =	sbr.rel $0x88, $3  }
0x1: {  	(tag) =	ssettag $0x0;
	lr =	simm.s32 $0x1  }
0x2: {  	[smem:$0x3F81] =	sst lr;
	_ =	strace $0xD0000000  }
0x3: {  	_ = 	snop  }
0x4: {  	_ = 	snop  }
0x5: {  	_ = 	snop  }
0x6: {  	_ = 	snop  }
0x7: {  	_ = 	snop  }
__scs_overlays_trampoline_lowered:
0x8: {  	[smem:$0x3F90] =	sst s0  }
0x9: {  	[smem:$0x3F91] =	sst s1  }
0xa: {  	[smem:$0x3F92] =	sst s2  }
0xb: {  	[smem:$0x3F93] =	sst s3  }
0xc: {  	[smem:$0x3F94] =	sst s4  }
0xd: {  	[smem:$0x3F95] =	sst s5  }
0xe: {  	[smem:$0x3F96] =	sst s6  }
0xf: {  	[smem:$0x3F97] =	sst s7  }
0x10: {  	[smem:$0x3F98] =	sst s8  }
0x11: {  	[smem:$0x3F99] =	sst s9;
	s0 =	simm.s32 @!p0 $0x0  }
0x12: {  	s1 =	sld [smem:$0x3F7F];
	s0 =	simm.s32 @p0 $0x1  }
0x13: {  	[smem:$0x3F9A] =	sst s0;
	s0 =	simm.s32 @!p1 $0x0  }
0x14: {  	s2 =	sld [smem:$0x3F7E];
	s0 =	simm.s32 @p1 $0x1  }
0x15: {  	[smem:$0x3F9B] =	sst s0;
	s0 =	simm.s32 @!p2 $0x0  }
0x16: {  	s3 =	sld [smem:$0x3FDB];
	s0 =	simm.s32 @p2 $0x1  }
0x17: {  	s4 =	simm.s32 $0x1BF5;
	[smem:$0x3F9D] =	sst s0  }
0x18: {  	s0 =	sld [smem:$0x3F80];
	_ =	swait.ge [sflag:s4], $0x0  }
0x19: {  	s7 =	sld [smem:$0x3F81]  }
0x1a: {  	s8 =	sadd.s32 $0xFFFFE003, lr  }
0x1b: {  	s9 =	sadd.s32 $0xFFFFFEF7, lr;
	s5 =	simm.s32 $0xFFFFFFFF;
	p2 =	slt.u32 s8, $0xFFFFF086  }
0x1c: {  	p1 =	slt.u32 s9, $0xF7A;
	s5 =	simm.s32 @!p2 $0x0  }
0x1d: {  	s5 =	simm.s32 @p1 $0x1;
	p0 =	seq.s32 s7, s2  }
0x1e: {  	s7 =	smul.u32 @!p0 $0xF7A, s2;
	p2 =	seq.s32 @!p0 s5, $0x0  }
0x1f: {  	s9 =	smul.u32 $0xF7A, s1;
	s8 =	simm.s32 @!p0 $0x1BF5;
	p2 =	por !p2, p0  }
0x20: {  	[sflag:s8] =	ssyncset.s32 @!p0 $0xFFFFF086;
	s6 =	sadd.s32 @!p0 s3, s7;
	s7 =	simm.s32 @!p0 $0x108  }
0x21: {  	s3 =	sadd.s32 s3, s9;
	s6 =	sadd.s32 @!p0 $0x88, s6;
	s7 =	simm.s32 @p2 $0x1082  }
0x22: {  	[simem:s7], [sflag:s8] =	dma.local @!p0 [hbm:s6], $0xF7A  }
0x23: {  	s9 =	sor.u32 $0xD0000000, s2;
	s6 =	simm.s32 $0x108;
	_ =	swait.ge @!p0 [sflag:s8], $0x0  }
0x24: {  	s3 =	sadd.s32 $0x88, s3;
	s6 =	simm.s32 @!p1 $0x1082;
	[sflag:s4] =	ssyncset.s32 $0xFFFFF086  }
0x25: {  	[simem:s6], [sflag:s4] =	dma.local [hbm:s3], $0xF7A  }
0x26: {  	[smem:$0x3F81] =	sst s1;
	(tag) =	ssettag s2;
	_ =	strace s9  }
0x27: {  	s1 =	sld [smem:$0x3F91]  }
0x28: {  	s2 =	sld [smem:$0x3F92]  }
0x29: {  	s4 =	sld [smem:$0x3F94]  }
0x2a: {  	p0 =	seq.s32 s5, $0x0;
	s5 =	sld [smem:$0x3F95]  }
0x2b: {  	s6 =	sld [smem:$0x3F96]  }
0x2c: {  	s7 =	sld [smem:$0x3F97]  }
0x2d: {  	s3 =	simm.s32 $0x108;
	s8 =	sld [smem:$0x3F98]  }
0x2e: {  	s3 =	simm.s32 @!p0 $0x1082;
	s9 =	sld [smem:$0x3F99]  }
0x2f: {  	lr =	sadd.s32 s0, s3;
	s0 =	sld [smem:$0x3F90]  }
0x30: {  	s3 =	sld [smem:$0x3F93]  }
0x31: {  	[smem:$0x3F9C] =	sst s10  }
0x32: {  	s10 =	sld [smem:$0x3F9A];
	_ =	sdelay $0x3  }
0x33: {  	p0 =	seq.s32 s10, $0x1;
	s10 =	sld [smem:$0x3F9C];
	_ =	sdelay $0x3  }
0x34: {  	[smem:$0x3F9C] =	sst s10  }
0x35: {  	s10 =	sld [smem:$0x3F9B];
	_ =	sdelay $0x3  }
0x36: {  	p1 =	seq.s32 s10, $0x1;
	s10 =	sld [smem:$0x3F9C];
	_ =	sdelay $0x3  }
0x37: {  	[smem:$0x3F9C] =	sst s10  }
0x38: {  	s10 =	sld [smem:$0x3F9D]  }
0x39: {  	_ = 	snop;
	(pc) =	sbr.ind lr, $3  }
0x3a: {  	_ = 	snop  }
0x3b: {  	_ = 	snop  }
0x3c: {  	p2 =	seq.s32 s10, $0x1;
	s10 =	sld [smem:$0x3F9C]  }
0x3d: {  	_ =	shalt  }
0x3e: {  	_ =	shalt  }
0x3f: {  	_ =	shalt  }
0x40: {  	_ =	shalt  }
0x41: {  	_ =	shalt  }
0x42: {  	_ =	shalt  }
0x43: {  	_ =	shalt  }
0x44: {  	_ =	shalt  }
0x45: {  	_ =	shalt  }
0x46: {  	_ =	shalt  }
0x47: {  	_ =	shalt  }
0x48: {  	_ =	shalt  }
0x49: {  	_ =	shalt  }
0x4a: {  	_ =	shalt  }
0x4b: {  	_ =	shalt  }
0x4c: {  	_ =	shalt  }
0x4d: {  	_ =	shalt  }
0x4e: {  	_ =	shalt  }
0x4f: {  	_ =	shalt  }
0x50: {  	_ =	shalt  }
0x51: {  	_ =	shalt  }
0x52: {  	_ =	shalt  }
0x53: {  	_ =	shalt  }
0x54: {  	_ =	shalt  }
0x55: {  	_ =	shalt  }
0x56: {  	_ =	shalt  }
0x57: {  	_ =	shalt  }
0x58: {  	_ =	shalt  }
0x59: {  	_ =	shalt  }
0x5a: {  	_ =	shalt  }
0x5b: {  	_ =	shalt  }
0x5c: {  	_ =	shalt  }
0x5d: {  	_ =	shalt  }
0x5e: {  	_ =	shalt  }
0x5f: {  	_ =	shalt  }
0x60: {  	_ =	shalt  }
0x61: {  	_ =	shalt  }
0x62: {  	_ =	shalt  }
0x63: {  	_ =	shalt  }
0x64: {  	_ =	shalt  }
0x65: {  	_ =	shalt  }
0x66: {  	_ =	shalt  }
0x67: {  	_ =	shalt  }
0x68: {  	_ =	shalt  }
0x69: {  	_ =	shalt  }
0x6a: {  	_ =	shalt  }
0x6b: {  	_ =	shalt  }
0x6c: {  	_ =	shalt  }
0x6d: {  	_ =	shalt  }
0x6e: {  	_ =	shalt  }
0x6f: {  	_ =	shalt  }
0x70: {  	_ =	shalt  }
0x71: {  	_ =	shalt  }
0x72: {  	_ =	shalt  }
0x73: {  	_ =	shalt  }
0x74: {  	_ =	shalt  }
0x75: {  	_ =	shalt  }
0x76: {  	_ =	shalt  }
0x77: {  	_ =	shalt  }
0x78: {  	_ =	shalt  }
0x79: {  	_ =	shalt  }
0x7a: {  	_ =	shalt  }
0x7b: {  	_ =	shalt  }
0x7c: {  	_ =	shalt  }
0x7d: {  	_ =	shalt  }
0x7e: {  	_ =	shalt  }
0x7f: {  	_ =	shalt  }
0x80: {  	_ =	shalt  }
0x81: {  	_ =	shalt  }
0x82: {  	_ =	shalt  }
0x83: {  	_ =	shalt  }
0x84: {  	_ =	shalt  }
0x85: {  	_ =	shalt  }
0x86: {  	_ =	shalt  }
0x87: {  	_ =	shalt  }
.Lfunc_end0:
.L_simem_size_0:
called_computation.2_lowered:
.L_overlay_start_0:
0x88: {  	s2 =	sld [smem:$0x3FD9]  }
0x89: {  	s3 =	sld [smem:$0x3FFE];
	_ =	sdelay $0x1  }
0x8a: {  	s1 =	srdreg.scid  }
0x8b: {  	s0 =	sand.u32 $0x1, s1  }
0x8c: {  	s14 =	sshll.u32 s0, $0xA;
	s2 =	sadd.s32 s3, s2  }
0x8d: {  	s2 =	sadd.s32 s2, s14  }
0x8e: {  	[smem:$0x3FA8] =	sst s2  }
0x8f: {  	_ = 	snop  }
0x90: {  	s2 =	sld [smem:$0x3FD0];
	_ =	sdelay $0x2  }
0x91: {  	s15 =	simm.s32 $0xB;
	s4 =	simm.s32 $0x10  }
0x92: {  	[smem:s4], [sflag:s15] =	dma.local [hbm:s2], $0x1  }
0x93: {  	_ =	swait.eq [sflag:s15], $0x1  }
0x94: {  	[sflag:s15] =	ssyncset.done $0x0  }
0x95: {  	s16 =	sld [smem:$0x12];
	[sflag:s15] =	ssyncadd.s32 $0xFFFFFFFF  }
0x96: {  	s17 =	sld [smem:$0x13];
	(tm) =	ssettm $0x1  }
0x97: {  	s18 =	sld [smem:$0x3FFB];
	_ =	sdelay $0x3  }
0x98: {  	_ =	strace s18  }
0x99: {  	s4 =	sld [smem:$0x3FFC];
	_ =	sdelay $0x3  }
0x9a: {  	_ =	strace s4  }
0x9b: {  	s4 =	sld [smem:$0x3FFD];
	_ =	sdelay $0x3  }
0x9c: {  	_ =	strace s4  }
0x9d: {  	_ =	strace $0x8FFFFFFF  }
0x9e: {  	s19 =	sld [smem:$0x3FDB];
	_ =	sdelay $0x1  }
0x9f: {  	s5 =	simm.s32 $_scs_section_size  }
0xa0: {  	s6 =	simm.s32 $_size__tile_overlayer_lowered;
	s7 =	simm.s32 $_tile_overlayer_lowered  }
0xa1: {  	s22 =	simm.s32 $0x1BFF;
	s21 =	sshll.u32 s7, $0x1;
	s4 =	sadd.s32 s5, s19  }
0xa2: {  	s8 =	simm.s32 $0x0;
	s20 =	sshll.u32 s6, $0x1;
	s6 =	sadd.s32 s21, s4  }
0xa3: {  	[timem:s8], [sflag:s22] =	dma.local [hbm:s6], s20  }
0xa4: {  	_ =	swait.ge [sflag:s22], s20  }
0xa5: {  	s5 =	ssub.s32 $0x0, s20;
	[sflag:s22] =	ssyncset.done $0x0  }
0xa6: {  	[sflag:s22] =	ssyncadd.s32 s5;
	_ =	sdelay $0x1  }
0xa7: {  	s23 =	simm.s32 $0x1B8B  }
0xa8: {  	_ =	swait.ge [sflag:s23], $0x1  }
0xa9: {  	[sflag:s23] =	ssyncset.done $0x0  }
0xaa: {  	s25 =	simm.s32 $0x1B8E;
	s24 =	sld [smem:$0x3FFE];
	[sflag:s23] =	ssyncadd.s32 $0xFFFFFFFF  }
0xab: {  	s26 =	simm.s32 $execute0_lowered;
	[smem:$0x3FD2] =	sst s25  }
0xac: {  	s6 =	sshll.u32 s26, $0x1;
	_ =	strace $0x80000046;
	[dreg:$0x1] =	wrdreg $0xFFFFFFFF  }
0xad: {  	s28 =	simm.s32 $_size_execute0_lowered;
	s4 =	sadd.s32 s4, s6;
	[dreg:$0x0] =	wrdreg $0x0  }
0xae: {  	s6 =	sshll.u32 s28, $0x1;
	[dreg:$0x2] =	wrdreg s4  }
0xaf: {  	[dreg:$0x3] =	wrdreg s6  }
0xb0: {  	[dreg:$0x4] =	wrdreg $0xC0  }
0xb1: {  	_ =	task [dreg:s8], $0x5FFFF  }
0xb2: {  	[dreg:$0x1] =	wrdreg $0xFFFFFFFF  }
0xb3: {  	[dreg:$0x0] =	wrdreg $0x60  }
0xb4: {  	[dreg:$0x2] =	wrdreg s16  }
0xb5: {  	[dreg:$0x3] =	wrdreg s24  }
0xb6: {  	[dreg:$0x4] =	wrdreg s17  }
0xb7: {  	[dreg:$0x5] =	wrdreg $0xA  }
0xb8: {  	_ =	task.clear_ibuf [dreg:s8], $0x6FFFF;
	_ =	strace $0x90000046  }
0xb9: {  	s29 =	simm.s32 $0xA;
	_ =	strace $0x80000056  }
0xba: {  	_ =	swait.ge [sflag:s29], $0x1  }
0xbb: {  	[sflag:s29] =	ssyncadd.s32 $0xFFFFFFFF  }
0xbc: {  	_ =	strace $0x90000056  }
0xbd: {  	_ =	sfence  }
0xbe: {  	s30 =	sld [smem:$0x0];
	_ =	sdelay $0x2  }
0xbf: {  	s31 =	sshll.u32 s1, $0xD;
	s1 =	sshrl.u32 s1, $0x2  }
0xc0: {  	s3 =	sand.u32 $0x4000, s31;
	s1 =	sadd.s32 s1, s30  }
0xc1: {  	s0 =	sor.u32 s3, s0;
	s1 =	sshll.u32 s1, $0x11  }
0xc2: {  	s0 =	sor.u32 s1, s0  }
0xc3: {  	s0 =	sadd.s32 $0x8F2B, s0  }
0xc4: {  	[sflag:s0] =	ssyncadd.remote.s32 $0x1  }
0xc5: {  	_ =	sfence.sel $0xFFFF  }
0xc6: {  	[dreg:$0x0] =	wrdreg $0xFFFFFFFF;
	(pc) =	sbr.abs _section_cstart, $3  }
0xc7: {  	[dreg:$0x1] =	wrdreg $0xFFFFFFFF  }
0xc8: {  	_ =	task.clear_ibuf [dreg:s8], $0x2FFFF;
	_ =	strace $0x9FFFFFFF  }
0xc9: {  	(tm) =	ssettm $0x7FFFFFFF  }
tec
execute0_lowered:
.L_overlay_start_1:
0x0: {  	(tag) =	ssettag $0x1  }
0x1: {  	s0 =	rddreg [dreg:$0x0]  }
0x2: {  	s24 =	rddreg [dreg:$0x1];
	s1 =	srdreg.scid  }
0x3: {  	s3 =	simm.s32 $0x0;
	s4 =	stileid.u32;
	s12 =	simm.s32 $0x1  }
0x4: {  	s13 =	simm.s32 $0x80;
	s14 =	simm.s32 $0x5;
	s15 =	simm.s32 $0x3  }
0x5: {  	s17 =	simm.s32 $0x2;
	s18 =	simm.s32 $0x4100;
	[dreg:$0x4] =	wrdreg s0  }
0x6: {  	s19 =	simm.s32 $0x4;
	s1 =	sand.u32 $0x1, s1;
	[smem:$0x7FF] =	sst s3  }
0x7: {  	s6 =	sadd.s32 $0x2F200, s24;
	s2 =	sshll.u32 s1, $0x4;
	s1 =	ssub.s32 $0x2, s1  }
0x8: {  	_ =	strace $0x80000047;
	s2 =	sor.u32 s4, s2;
	s26 =	sshrl.u32 s1, $0x1  }
0x9: {  	[dreg:$0x5] =	wrdreg s6;
	s8 =	smul.u32 $0x330, s2;
	s1 =	ssub.s32 s1, s26  }
0xa: {  	s4 =	sadd.s32 $0x8C00, s24;
	s5 =	sshll.u32 s2, $0x5;
	s1 =	smax.u32 s1, $0x1  }
0xb: {  	s7 =	sadd.s32 s5, s24;
	s28 =	sadd.s32 s4, s8;
	[dreg:$0x8] =	wrdreg s1  }
0xc: {  	s25 =	sshll.u32 s2, $0xC;
	s29 =	sadd.s32 $0x8000, s7;
	[dreg:$0x6] =	wrdreg s28  }
0xd: {  	s0 =	sadd.s32 s25, s24;
	s30 =	sadd.s32 $0x8010, s7;
	[dreg:$0x7] =	wrdreg s29  }
0xe: {  	s20 =	simm.s32 $0x0;
	s31 =	sadd.s32 $0xF200, s0;
	[dreg:$0x9] =	wrdreg s30  }
0xf: {  	s5 =	smul.u32 $0x33, s2;
	s11 =	sadd.s32 $0xFA00, s0;
	[dreg:$0xa] =	wrdreg s31  }
.LBB2_1:
0x10: {  	_ =	strace $0x80000048  }
0x11: {  	s21 =	simm.s32 $0x1;
	p0 =	por $0x0, $0x0;
	p5 =	por $0x1, $0x1  }
0x12: {  	s22 =	simm.s32 $0x32;
	s0 =	rddreg [dreg:$0x6];
	s21 =	simm.s32 @p0 $0x0  }
0x13: {  	[tilespmem:s3], [sflag:$0x1] =	stream.linear.gather [hbm4b:s0+s3], $0x80, $0x200038;
	[tilespmem:$0x8100] =	vst v63  }
0x14: {  	s26 =	simm.s32 $0x0;
	s24 =	simm.s32 $0x31;
	p1 =	sne.s32 s21, $0x0  }
0x15: {  	p4 =	por $0x0, $0x0;
	p6 =	por $0x0, $0x0;
	p0 =	por !p5, !p1  }
0x16: {  	s29 =	simm.s32 $0x0;
	s23 =	simm.s32 $0x0;
	p3 =	por !p0, !p0  }
0x17: {  	s28 =	sadd.s32 $0x1, s21;
	_ =	strace $0x90000048;
	s0 =	sadd.s32 @p3 s5, s21  }
0x18: {  	p5 =	seq.s32 s28, $0x33;
	s1 =	sand.u32 @p3 $0x1, s12;
	s0 =	sshll.u32 @p3 s0, $0x4  }
0x19: {  	s2 =	simm.s32 @p3 $0x0;
	_ =	strace @p3 $0x80000049;
	s0 =	sand.u32 @p3 $0x1FFFFFF0, s0  }
0x1a: {  	s6 =	sshll.u32 @p3 s1, $0x7;
	s1 =	sadd.s32 @p3 $0x1, s1;
	s0 =	sadd.s32 @p3 s4, s0  }
0x1b: {  	[tilespmem:s6], [sflag:s1] =	stream.linear.gather @p3 [hbm4b:s0+s2], $0x80, $0x200038;
	[tilespmem:$0x8100] =	vst v63  }
0x1c: {  	p0 =	por $0x1, $0x1;
	s0 =	sand.u32 $0x1, s3;
	_ =	strace @p3 $0x90000049  }
0x1d: {  	s28 =	simm.s32 @p5 $0x0;
	s25 =	sadd.s32 $0x1, s0;
	_ =	strace $0x8000004A  }
0x1e: {  	p5 =	por p6, p1;
	p6 =	por $0x1, $0x1;
	_ =	swait.ge [sflag:s25], $0x80  }
0x1f: {  	p2 =	por p0, p0;
	p1 =	sne.s32 s21, s28;
	[sflag:s25] =	ssyncset.done $0x0  }
0x20: {  	s2 =	sand.u32 @!p0 $0x1, s3;
	s6 =	sadd.s32 $0x0, s5;
	[sflag:s25] =	ssyncadd.s32 $0xFFFFFF80  }
0x21: {  	p0 =	por $0x0, $0x0;
	s1 =	sand.u32 $0x80, s26;
	_ =	strace $0x9000004A  }
0x22: {  	s8 =	sshll.u32 s0, $0xE;
	s30 =	sadd.s32 @!p2 $0x3, s2;
	_ =	strace $0x8000004B  }
0x23: {  	s2 =	sor.u32 $0x100, s8;
	s25 =	simm.s32 $0x1;
	s7 =	rddreg [dreg:$0x4]  }
0x24: {  	[tilespmem:s2], [sflag:$0x5] =	stream.indirect.gather [hbm4b:s7+s13], $0x80, s1, s13, $0x2000b8;
	[tilespmem:$0x8100] =	vst v63  }
0x25: {  	s26 =	simm.s32 $0x0;
	s25 =	simm.s32 @!p4 $0x0;
	_ =	swait.ge [sflag:s14], $0x4000  }
0x26: {  	s7 =	simm.s32 $0x1;
	s1 =	sshll.u32 @p5 s6, $0xB;
	[sflag:s14] =	ssyncset.done $0x0  }
0x27: {  	s6 =	simm.s32 $0x1;
	s7 =	simm.s32 @!p3 $0x0;
	[sflag:s14] =	ssyncadd.s32 $0xFFFFC000  }
0x28: {  	p3 =	por !p6, !p1;
	s6 =	simm.s32 @!p5 $0x0;
	_ =	strace $0x9000004B  }
0x29: {  	p3 =	por !p3, !p3;
	s31 =	sadd.s32 $0x1, s7;
	_ =	strace @p5 $0x8000004C  }
0x2a: {  	s7 =	sand.u32 @p3 $0x1, s31;
	s9 =	sadd.s32 @p3 s5, s28;
	s8 =	rddreg [dreg:$0x5]  }
.LBB2_2:
0x2b: {  	s9 =	sshll.u32 @p3 s9, $0x4;
	s10 =	sand.u32 @p5 $0x1FFFF800, s1;
	s26 =	sadd.s32 s6, s26  }
0x2c: {  	s1 =	smov.u32 s22;
	s22 =	smov.u32 s24;
	s0 =	sadd.s32 @p5 $0x3, s0  }
0x2d: {  	s16 =	simm.s32 @p5 $0x0;
	s29 =	sadd.s32 s6, s29;
	s8 =	sadd.s32 @p5 s8, s10  }
0x2e: {  	[hbm4b:s8+s16] =	stream.linear.scatter @p5 [tilespmem:s2], [sflag:s0], $0x4000, $0x200038;
	[tilespmem:$0x8100] =	vst v63  }
0x2f: {  	s24 =	sadd.s32 $0xFFFFFFFF, s24;
	s23 =	sadd.s32 s25, s23;
	_ =	strace @p5 $0x9000004C  }
0x30: {  	s9 =	sand.u32 @p3 $0x1FFFFFF0, s9;
	s6 =	sshll.u32 s29, $0x7;
	_ =	strace @!p2 $0x8000004D  }
0x31: {  	p4 =	sne.s32 s24, $0x0;
	s10 =	sshll.u32 @p3 s7, $0x7;
	_ =	swait.ge @!p2 [sflag:s30], $0x4000  }
0x32: {  	s7 =	sadd.s32 @p3 $0x1, s7;
	s9 =	sadd.s32 @p3 s4, s9;
	[sflag:s30] =	ssyncset.done @!p2 $0x0  }
0x33: {  	s16 =	sand.u32 $0x1, s29;
	s2 =	sand.u32 @!p0 $0x1, s23;
	[sflag:s30] =	ssyncadd.s32 @!p2 $0xFFFFC000  }
0x34: {  	s8 =	simm.s32 @p3 $0x0;
	s6 =	sand.u32 $0x80, s6;
	_ =	strace @!p2 $0x9000004D  }
0x35: {  	s0 =	sadd.s32 $0x1, s16;
	p5 =	sne.s32 s1, $0x33;
	_ =	strace @p3 $0x80000049  }
0x36: {  	[tilespmem:s10], [sflag:s7] =	stream.linear.gather @p3 [hbm4b:s9+s8], $0x80, $0x200038;
	[tilespmem:$0x8100] =	vst v63  }
0x37: {  	p2 =	por p0, p0;
	p0 =	seq.s32 s22, $0x33;
	_ =	strace @p3 $0x90000049  }
0x38: {  	s30 =	sadd.s32 @!p2 $0x3, s2;
	s7 =	sadd.s32 s5, s21;
	_ =	strace $0x8000004A  }
0x39: {  	s21 =	smov.u32 s28;
	s28 =	sadd.s32 $0x1, s28;
	_ =	swait.ge [sflag:s0], $0x80  }
0x3a: {  	s8 =	simm.s32 $0x1;
	p6 =	seq.s32 s28, $0x33;
	[sflag:s0] =	ssyncset.done $0x0  }
0x3b: {  	s8 =	simm.s32 @!p3 $0x0;
	s28 =	simm.s32 @p6 $0x0;
	[sflag:s0] =	ssyncadd.s32 $0xFFFFFF80  }
0x3c: {  	p6 =	sne.s32 s22, $0x1;
	s0 =	sand.u32 $0x1, s26;
	_ =	strace $0x9000004A  }
0x3d: {  	s31 =	sadd.s32 s8, s31;
	s25 =	sshll.u32 s0, $0xE;
	_ =	strace $0x8000004B  }
0x3e: {  	s2 =	sor.u32 $0x100, s25;
	s25 =	simm.s32 $0x1;
	s16 =	rddreg [dreg:$0x4]  }
0x3f: {  	[tilespmem:s2], [sflag:$0x5] =	stream.indirect.gather [hbm4b:s16+s13], $0x80, s6, s13, $0x2000b8;
	[tilespmem:$0x8100] =	vst v63  }
0x40: {  	s25 =	simm.s32 @!p5 $0x0;
	p5 =	seq.s32 s1, $0x1;
	_ =	swait.ge [sflag:s14], $0x4000  }
.Ltmp0:
0x41: {  	p5 =	por p5, p1;
	[sflag:s14] =	ssyncset.done $0x0;
	(pc) =	sbr.rel @p4 .LBB2_2-.Ltmp0, $4  }
0x42: {  	p1 =	sne.s32 s21, s28;
	s6 =	simm.s32 $0x1;
	[sflag:s14] =	ssyncadd.s32 $0xFFFFC000  }
0x43: {  	s1 =	sshll.u32 @p5 s7, $0xB;
	p3 =	por !p6, !p1;
	_ =	strace $0x9000004B  }
0x44: {  	s6 =	simm.s32 @!p5 $0x0;
	p3 =	por !p3, !p3;
	_ =	strace @p5 $0x8000004C  }
0x45: {  	s7 =	sand.u32 @p3 $0x1, s31;
	s9 =	sadd.s32 @p3 s5, s28;
	s8 =	rddreg [dreg:$0x5]  }
0x46: {  	s1 =	sand.u32 @p5 $0x1FFFF800, s1  }
0x47: {  	s0 =	sadd.s32 @p5 $0x3, s0;
	s1 =	sadd.s32 @p5 s8, s1;
	s8 =	simm.s32 @p5 $0x0  }
0x48: {  	[hbm4b:s1+s8] =	stream.linear.scatter @p5 [tilespmem:s2], [sflag:s0], $0x4000, $0x200038;
	[tilespmem:$0x8100] =	vst v63  }
0x49: {  	_ =	strace @p5 $0x9000004C  }
0x4a: {  	_ =	strace @!p2 $0x8000004D  }
0x4b: {  	_ =	swait.ge @!p2 [sflag:s30], $0x4000  }
0x4c: {  	s0 =	sshll.u32 @p3 s9, $0x4;
	[sflag:s30] =	ssyncset.done @!p2 $0x0  }
0x4d: {  	s1 =	simm.s32 @p3 $0x0;
	s2 =	sshll.u32 @p3 s7, $0x7;
	[sflag:s30] =	ssyncadd.s32 @!p2 $0xFFFFC000  }
0x4e: {  	s7 =	sadd.s32 @p3 $0x1, s7;
	s0 =	sand.u32 @p3 $0x1FFFFFF0, s0;
	_ =	strace @!p2 $0x9000004D  }
0x4f: {  	s8 =	sadd.s32 s6, s29;
	s0 =	sadd.s32 @p3 s4, s0;
	_ =	strace @p3 $0x80000049  }
0x50: {  	[tilespmem:s2], [sflag:s7] =	stream.linear.gather @p3 [hbm4b:s0+s1], $0x80, $0x200038;
	[tilespmem:$0x8100] =	vst v63  }
0x51: {  	s9 =	sand.u32 $0x1, s8;
	_ =	strace @p3 $0x90000049  }
0x52: {  	s1 =	sadd.s32 $0x1, s9;
	_ =	strace $0x8000004A  }
0x53: {  	_ =	swait.ge [sflag:s1], $0x80  }
0x54: {  	[sflag:s1] =	ssyncset.done $0x0  }
0x55: {  	s10 =	sadd.s32 s6, s26;
	[sflag:s1] =	ssyncadd.s32 $0xFFFFFF80  }
0x56: {  	s1 =	sand.u32 $0x1, s10;
	_ =	strace $0x9000004A  }
0x57: {  	s0 =	sshll.u32 s8, $0x7;
	s24 =	sshll.u32 s1, $0xE;
	_ =	strace $0x8000004B  }
0x58: {  	s0 =	sand.u32 $0x80, s0;
	s6 =	sor.u32 $0x100, s24;
	s16 =	rddreg [dreg:$0x4]  }
0x59: {  	[tilespmem:s6], [sflag:$0x5] =	stream.indirect.gather [hbm4b:s16+s13], $0x80, s0, s13, $0x2000b8;
	[tilespmem:$0x8100] =	vst v63  }
0x5a: {  	_ =	swait.ge [sflag:s14], $0x4000  }
0x5b: {  	[sflag:s14] =	ssyncset.done $0x0  }
0x5c: {  	p6 =	seq.s32 s22, $0x1;
	[sflag:s14] =	ssyncadd.s32 $0xFFFFC000  }
0x5d: {  	p1 =	por p6, p1;
	s0 =	sadd.s32 s5, s21;
	_ =	strace $0x9000004B  }
0x5e: {  	s0 =	sshll.u32 @p1 s0, $0xB;
	_ =	strace @p1 $0x8000004C  }
0x5f: {  	s0 =	sand.u32 @p1 $0x1FFFF800, s0;
	s2 =	rddreg [dreg:$0x5]  }
0x60: {  	s1 =	sadd.s32 @p1 $0x3, s1;
	s0 =	sadd.s32 @p1 s2, s0;
	s2 =	simm.s32 @p1 $0x0  }
0x61: {  	[hbm4b:s0+s2] =	stream.linear.scatter @p1 [tilespmem:s6], [sflag:s1], $0x4000, $0x200038;
	[tilespmem:$0x8100] =	vst v63  }
0x62: {  	s0 =	sadd.s32 s25, s23  }
0x63: {  	s0 =	sand.u32 @!p0 $0x1, s0;
	p0 =	por p0, p0;
	_ =	strace @p1 $0x9000004C  }
0x64: {  	s0 =	sadd.s32 @!p0 $0x3, s0;
	_ =	strace @!p0 $0x8000004D  }
0x65: {  	_ =	swait.ge @!p0 [sflag:s0], $0x4000  }
0x66: {  	[sflag:s0] =	ssyncset.done @!p0 $0x0  }
0x67: {  	[sflag:s0] =	ssyncadd.s32 @!p0 $0xFFFFC000  }
0x68: {  	_ =	strace @!p0 $0x9000004D  }
0x69: {  	_ =	strace $0x8000004E  }
0x6a: {  	_ =	swait.ge [sflag:s15], $0x4000  }
0x6b: {  	[sflag:s15] =	ssyncset.done $0x0  }
0x6c: {  	[sflag:s15] =	ssyncadd.s32 $0xFFFFC000  }
0x6d: {  	_ =	strace $0x9000004E  }
0x6e: {  	_ =	strace $0x8000004F  }
0x6f: {  	s25 =	rddreg [dreg:$0x7]  }
0x70: {  	[tilespmem:s3], [sflag:$0x1] =	stream.linear.gather [hbm4b:s25+s3], $0x80, $0x200038;
	[tilespmem:$0x8100] =	vst v63  }
0x71: {  	_ =	strace $0x9000004F  }
0x72: {  	_ =	strace $0x80000050  }
0x73: {  	s26 =	rddreg [dreg:$0x9]  }
0x74: {  	[tilespmem:s13], [sflag:$0x2] =	stream.linear.gather [hbm4b:s26+s3], $0x80, $0x200038;
	[tilespmem:$0x8100] =	vst v63  }
0x75: {  	_ =	strace $0x90000050  }
0x76: {  	_ =	strace $0x80000051  }
0x77: {  	_ =	swait.ge [sflag:s12], $0x80  }
0x78: {  	[sflag:s12] =	ssyncset.done $0x0  }
0x79: {  	[sflag:s12] =	ssyncadd.s32 $0xFFFFFF80  }
0x7a: {  	_ =	strace $0x90000051  }
0x7b: {  	_ =	strace $0x80000052  }
0x7c: {  	s29 =	simm.s32 $0x100;
	s28 =	rddreg [dreg:$0x2]  }
0x7d: {  	[tilespmem:s29], [sflag:$0x5] =	stream.indirect.gather [hbm4b:s28+s13], $0x80, s3, s13, $0x2000b8;
	[tilespmem:$0x8100] =	vst v63  }
0x7e: {  	_ =	swait.ge [sflag:s14], $0x4000  }
0x7f: {  	[sflag:s14] =	ssyncset.done $0x0  }
0x80: {  	[sflag:s14] =	ssyncadd.s32 $0xFFFFC000  }
0x81: {  	_ =	strace $0x90000052  }
0x82: {  	_ =	strace $0x80000053  }
0x83: {  	s30 =	rddreg [dreg:$0xa]  }
0x84: {  	[hbm4b:s30+s3] =	stream.linear.scatter [tilespmem:s29], [sflag:$0x3], $0x4000, $0x200038;
	[tilespmem:$0x8100] =	vst v63  }
0x85: {  	_ =	strace $0x90000053  }
0x86: {  	_ =	strace $0x80000051  }
0x87: {  	_ =	swait.ge [sflag:s17], $0x80  }
0x88: {  	[sflag:s17] =	ssyncset.done $0x0  }
0x89: {  	[sflag:s17] =	ssyncadd.s32 $0xFFFFFF80  }
0x8a: {  	_ =	strace $0x90000051  }
0x8b: {  	_ =	strace $0x80000052  }
0x8c: {  	[tilespmem:s18], [sflag:$0x5] =	stream.indirect.gather [hbm4b:s28+s13], $0x80, s13, s13, $0x2000b8;
	[tilespmem:$0x8100] =	vst v63  }
0x8d: {  	_ =	swait.ge [sflag:s14], $0x4000  }
0x8e: {  	[sflag:s14] =	ssyncset.done $0x0  }
0x8f: {  	[sflag:s14] =	ssyncadd.s32 $0xFFFFC000  }
0x90: {  	_ =	strace $0x90000052  }
0x91: {  	_ =	strace $0x80000053  }
0x92: {  	[hbm4b:s11+s3] =	stream.linear.scatter [tilespmem:s18], [sflag:$0x4], $0x4000, $0x200038;
	[tilespmem:$0x8100] =	vst v63  }
0x93: {  	_ =	strace $0x90000053  }
0x94: {  	_ =	strace $0x80000054  }
0x95: {  	_ =	swait.ge [sflag:s15], $0x4000  }
0x96: {  	[sflag:s15] =	ssyncset.done $0x0  }
0x97: {  	[sflag:s15] =	ssyncadd.s32 $0xFFFFC000  }
0x98: {  	_ =	strace $0x90000054  }
0x99: {  	_ =	strace $0x80000055  }
0x9a: {  	_ =	swait.ge [sflag:s19], $0x4000  }
0x9b: {  	s20 =	sadd.s32 $0x1, s20;
	s31 =	rddreg [dreg:$0x8]  }
0x9c: {  	p0 =	sne.s32 s20, s31  }
.Ltmp1:
0x9d: {  	_ = 	snop;
	(pc) =	sbr.rel @p0 .LBB2_1-.Ltmp1, $4  }
0x9e: {  	_ = 	snop  }
0x9f: {  	[sflag:s19] =	ssyncset.done $0x0  }
0xa0: {  	[sflag:s19] =	ssyncadd.s32 $0xFFFFC000  }
0xa1: {  	_ =	strace $0x90000055  }
0xa2: {  	_ =	sfence.sel $0x180000  }
0xa3: {  	[bflag:$0x0] =	sbarrier.arrive $0xFFFF  }
0xa4: {  	_ =	strace $0x90000047  }
0xa5: {  	s0 =	stileid.u32;
	[bflag:$0x2] =	sbarrier.arrive $0xFFFF  }
0xa6: {  	p0 =	sne.s32 s0, $0x0;
	s0 =	rddreg [dreg:$0x3]  }
0xa7: {  	s0 =	sadd.s32 @!p0 $0x100000, s0  }
0xa8: {  	[sflag:s0] =	ssyncadd.tile.s32 @!p0 $0x1;
	_ =	shalt  }
.Lfunc_end2:
_tile_overlayer_lowered:
.L_overlay_start_2:
0xa9: {  	(tag) =	ssettag $0x2  }
0xaa: {  	s0 =	rddreg [dreg:$0x0];
	s2 =	stileid.u32  }
0xab: {  	s1 =	rddreg [dreg:$0x1];
	p0 =	sne.s32 s2, $0x0  }
0xac: {  	s3 =	rddreg [dreg:$0x2];
	[bflag:$0x3] =	sbarrier.arrive $0xFFFF;
	s2 =	simm.s32 @!p0 $0x1C01  }
0xad: {  	[timem:s3], [sflag:s2] =	dma.local @!p0 [hbm:s0], s1  }
0xae: {  	s0 =	simm.s32 @!p0 $0x1  }
0xaf: {  	_ =	swait.ge @!p0 [sflag:s0], s1  }
0xb0: {  	s1 =	ssub.s32 @!p0 $0x0, s1;
	[sflag:s0] =	ssyncset.done @!p0 $0x0  }
0xb1: {  	[sflag:s0] =	ssyncadd.s32 @!p0 s1  }
0xb2: {  	[bflag:$0x3] =	sbarrier.arrive $0xFFFF  }
0xb3: {  	_ =	shalt  }

// kernel: scatter_offload_async_start
scs
__scs_entry_jumppad:
0x0: {  	(pc) =	sbr.rel $0x88, $3  }
0x1: {  	(tag) =	ssettag $0x0;
	lr =	simm.s32 $0x1  }
0x2: {  	[smem:$0x3F81] =	sst lr;
	_ =	strace $0xD0000000  }
0x3: {  	_ = 	snop  }
0x4: {  	_ = 	snop  }
0x5: {  	_ = 	snop  }
0x6: {  	_ = 	snop  }
0x7: {  	_ = 	snop  }
__scs_overlays_trampoline_lowered:
0x8: {  	[smem:$0x3F90] =	sst s0  }
0x9: {  	[smem:$0x3F91] =	sst s1  }
0xa: {  	[smem:$0x3F92] =	sst s2  }
0xb: {  	[smem:$0x3F93] =	sst s3  }
0xc: {  	[smem:$0x3F94] =	sst s4  }
0xd: {  	[smem:$0x3F95] =	sst s5  }
0xe: {  	[smem:$0x3F96] =	sst s6  }
0xf: {  	[smem:$0x3F97] =	sst s7  }
0x10: {  	[smem:$0x3F98] =	sst s8  }
0x11: {  	[smem:$0x3F99] =	sst s9;
	s0 =	simm.s32 @!p0 $0x0  }
0x12: {  	s1 =	sld [smem:$0x3F7F];
	s0 =	simm.s32 @p0 $0x1  }
0x13: {  	[smem:$0x3F9A] =	sst s0;
	s0 =	simm.s32 @!p1 $0x0  }
0x14: {  	s2 =	sld [smem:$0x3F7E];
	s0 =	simm.s32 @p1 $0x1  }
0x15: {  	[smem:$0x3F9B] =	sst s0;
	s0 =	simm.s32 @!p2 $0x0  }
0x16: {  	s3 =	sld [smem:$0x3FDB];
	s0 =	simm.s32 @p2 $0x1  }
0x17: {  	s4 =	simm.s32 $0x1BF5;
	[smem:$0x3F9D] =	sst s0  }
0x18: {  	s0 =	sld [smem:$0x3F80];
	_ =	swait.ge [sflag:s4], $0x0  }
0x19: {  	s7 =	sld [smem:$0x3F81]  }
0x1a: {  	s8 =	sadd.s32 $0xFFFFE003, lr  }
0x1b: {  	s9 =	sadd.s32 $0xFFFFFEF7, lr;
	s5 =	simm.s32 $0xFFFFFFFF;
	p2 =	slt.u32 s8, $0xFFFFF086  }
0x1c: {  	p1 =	slt.u32 s9, $0xF7A;
	s5 =	simm.s32 @!p2 $0x0  }
0x1d: {  	s5 =	simm.s32 @p1 $0x1;
	p0 =	seq.s32 s7, s2  }
0x1e: {  	s7 =	smul.u32 @!p0 $0xF7A, s2;
	p2 =	seq.s32 @!p0 s5, $0x0  }
0x1f: {  	s9 =	smul.u32 $0xF7A, s1;
	s8 =	simm.s32 @!p0 $0x1BF5;
	p2 =	por !p2, p0  }
0x20: {  	[sflag:s8] =	ssyncset.s32 @!p0 $0xFFFFF086;
	s6 =	sadd.s32 @!p0 s3, s7;
	s7 =	simm.s32 @!p0 $0x108  }
0x21: {  	s3 =	sadd.s32 s3, s9;
	s6 =	sadd.s32 @!p0 $0x88, s6;
	s7 =	simm.s32 @p2 $0x1082  }
0x22: {  	[simem:s7], [sflag:s8] =	dma.local @!p0 [hbm:s6], $0xF7A  }
0x23: {  	s9 =	sor.u32 $0xD0000000, s2;
	s6 =	simm.s32 $0x108;
	_ =	swait.ge @!p0 [sflag:s8], $0x0  }
0x24: {  	s3 =	sadd.s32 $0x88, s3;
	s6 =	simm.s32 @!p1 $0x1082;
	[sflag:s4] =	ssyncset.s32 $0xFFFFF086  }
0x25: {  	[simem:s6], [sflag:s4] =	dma.local [hbm:s3], $0xF7A  }
0x26: {  	[smem:$0x3F81] =	sst s1;
	(tag) =	ssettag s2;
	_ =	strace s9  }
0x27: {  	s1 =	sld [smem:$0x3F91]  }
0x28: {  	s2 =	sld [smem:$0x3F92]  }
0x29: {  	s4 =	sld [smem:$0x3F94]  }
0x2a: {  	p0 =	seq.s32 s5, $0x0;
	s5 =	sld [smem:$0x3F95]  }
0x2b: {  	s6 =	sld [smem:$0x3F96]  }
0x2c: {  	s7 =	sld [smem:$0x3F97]  }
0x2d: {  	s3 =	simm.s32 $0x108;
	s8 =	sld [smem:$0x3F98]  }
0x2e: {  	s3 =	simm.s32 @!p0 $0x1082;
	s9 =	sld [smem:$0x3F99]  }
0x2f: {  	lr =	sadd.s32 s0, s3;
	s0 =	sld [smem:$0x3F90]  }
0x30: {  	s3 =	sld [smem:$0x3F93]  }
0x31: {  	[smem:$0x3F9C] =	sst s10  }
0x32: {  	s10 =	sld [smem:$0x3F9A];
	_ =	sdelay $0x3  }
0x33: {  	p0 =	seq.s32 s10, $0x1;
	s10 =	sld [smem:$0x3F9C];
	_ =	sdelay $0x3  }
0x34: {  	[smem:$0x3F9C] =	sst s10  }
0x35: {  	s10 =	sld [smem:$0x3F9B];
	_ =	sdelay $0x3  }
0x36: {  	p1 =	seq.s32 s10, $0x1;
	s10 =	sld [smem:$0x3F9C];
	_ =	sdelay $0x3  }
0x37: {  	[smem:$0x3F9C] =	sst s10  }
0x38: {  	s10 =	sld [smem:$0x3F9D]  }
0x39: {  	_ = 	snop;
	(pc) =	sbr.ind lr, $3  }
0x3a: {  	_ = 	snop  }
0x3b: {  	_ = 	snop  }
0x3c: {  	p2 =	seq.s32 s10, $0x1;
	s10 =	sld [smem:$0x3F9C]  }
0x3d: {  	_ =	shalt  }
0x3e: {  	_ =	shalt  }
0x3f: {  	_ =	shalt  }
0x40: {  	_ =	shalt  }
0x41: {  	_ =	shalt  }
0x42: {  	_ =	shalt  }
0x43: {  	_ =	shalt  }
0x44: {  	_ =	shalt  }
0x45: {  	_ =	shalt  }
0x46: {  	_ =	shalt  }
0x47: {  	_ =	shalt  }
0x48: {  	_ =	shalt  }
0x49: {  	_ =	shalt  }
0x4a: {  	_ =	shalt  }
0x4b: {  	_ =	shalt  }
0x4c: {  	_ =	shalt  }
0x4d: {  	_ =	shalt  }
0x4e: {  	_ =	shalt  }
0x4f: {  	_ =	shalt  }
0x50: {  	_ =	shalt  }
0x51: {  	_ =	shalt  }
0x52: {  	_ =	shalt  }
0x53: {  	_ =	shalt  }
0x54: {  	_ =	shalt  }
0x55: {  	_ =	shalt  }
0x56: {  	_ =	shalt  }
0x57: {  	_ =	shalt  }
0x58: {  	_ =	shalt  }
0x59: {  	_ =	shalt  }
0x5a: {  	_ =	shalt  }
0x5b: {  	_ =	shalt  }
0x5c: {  	_ =	shalt  }
0x5d: {  	_ =	shalt  }
0x5e: {  	_ =	shalt  }
0x5f: {  	_ =	shalt  }
0x60: {  	_ =	shalt  }
0x61: {  	_ =	shalt  }
0x62: {  	_ =	shalt  }
0x63: {  	_ =	shalt  }
0x64: {  	_ =	shalt  }
0x65: {  	_ =	shalt  }
0x66: {  	_ =	shalt  }
0x67: {  	_ =	shalt  }
0x68: {  	_ =	shalt  }
0x69: {  	_ =	shalt  }
0x6a: {  	_ =	shalt  }
0x6b: {  	_ =	shalt  }
0x6c: {  	_ =	shalt  }
0x6d: {  	_ =	shalt  }
0x6e: {  	_ =	shalt  }
0x6f: {  	_ =	shalt  }
0x70: {  	_ =	shalt  }
0x71: {  	_ =	shalt  }
0x72: {  	_ =	shalt  }
0x73: {  	_ =	shalt  }
0x74: {  	_ =	shalt  }
0x75: {  	_ =	shalt  }
0x76: {  	_ =	shalt  }
0x77: {  	_ =	shalt  }
0x78: {  	_ =	shalt  }
0x79: {  	_ =	shalt  }
0x7a: {  	_ =	shalt  }
0x7b: {  	_ =	shalt  }
0x7c: {  	_ =	shalt  }
0x7d: {  	_ =	shalt  }
0x7e: {  	_ =	shalt  }
0x7f: {  	_ =	shalt  }
0x80: {  	_ =	shalt  }
0x81: {  	_ =	shalt  }
0x82: {  	_ =	shalt  }
0x83: {  	_ =	shalt  }
0x84: {  	_ =	shalt  }
0x85: {  	_ =	shalt  }
0x86: {  	_ =	shalt  }
0x87: {  	_ =	shalt  }
.Lfunc_end0:
.L_simem_size_0:
called_computation_lowered:
.L_overlay_start_0:
0x88: {  	s0 =	sld [smem:$0x3FD9]  }
0x89: {  	s1 =	sld [smem:$0x3FFE];
	_ =	sdelay $0x3  }
0x8a: {  	s0 =	sadd.s32 s1, s0  }
0x8b: {  	[smem:$0x3FA8] =	sst s0  }
0x8c: {  	_ = 	snop  }
0x8d: {  	(tm) =	ssettm $0x1  }
0x8e: {  	s15 =	sld [smem:$0x3FFB];
	_ =	sdelay $0x3  }
0x8f: {  	_ =	strace s15  }
0x90: {  	s0 =	sld [smem:$0x3FFC];
	_ =	sdelay $0x3  }
0x91: {  	_ =	strace s0  }
0x92: {  	s0 =	sld [smem:$0x3FFD];
	_ =	sdelay $0x3  }
0x93: {  	_ =	strace s0  }
0x94: {  	_ =	strace $0x8FFFFFFF  }
0x95: {  	s16 =	sld [smem:$0x3FDB];
	_ =	sdelay $0x1  }
0x96: {  	s17 =	simm.s32 $_scs_section_size  }
0x97: {  	s2 =	simm.s32 $_size__tile_overlayer_lowered;
	s3 =	simm.s32 $_tile_overlayer_lowered  }
0x98: {  	s20 =	simm.s32 $0x1BFF;
	s19 =	sshll.u32 s3, $0x1;
	s0 =	sadd.s32 s17, s16  }
0x99: {  	s4 =	simm.s32 $0x0;
	s18 =	sshll.u32 s2, $0x1;
	s2 =	sadd.s32 s19, s0  }
0x9a: {  	[timem:s4], [sflag:s20] =	dma.local [hbm:s2], s18  }
0x9b: {  	_ =	swait.ge [sflag:s20], s18  }
0x9c: {  	s1 =	ssub.s32 $0x0, s18;
	[sflag:s20] =	ssyncset.done $0x0  }
0x9d: {  	[sflag:s20] =	ssyncadd.s32 s1;
	_ =	sdelay $0x1  }
0x9e: {  	s21 =	simm.s32 $0x1B8B  }
0x9f: {  	_ =	swait.ge [sflag:s21], $0x1  }
0xa0: {  	[sflag:s21] =	ssyncset.done $0x0  }
0xa1: {  	s23 =	simm.s32 $0x1B8E;
	s22 =	sld [smem:$0x3FFE];
	[sflag:s21] =	ssyncadd.s32 $0xFFFFFFFF  }
0xa2: {  	s24 =	simm.s32 $execute0_lowered;
	[smem:$0x3FD2] =	sst s23  }
0xa3: {  	s2 =	sshll.u32 s24, $0x1;
	_ =	strace $0x80000057;
	[dreg:$0x1] =	wrdreg $0xFFFFFFFF  }
0xa4: {  	s25 =	simm.s32 $_size_execute0_lowered;
	s0 =	sadd.s32 s0, s2;
	[dreg:$0x0] =	wrdreg $0x0  }
0xa5: {  	s2 =	sshll.u32 s25, $0x1;
	[dreg:$0x2] =	wrdreg s0  }
0xa6: {  	[dreg:$0x3] =	wrdreg s2  }
0xa7: {  	[dreg:$0x4] =	wrdreg $0xC0  }
0xa8: {  	_ =	task [dreg:s4], $0x5FFFF  }
0xa9: {  	[dreg:$0x1] =	wrdreg $0xFFFFFFFF  }
0xaa: {  	[dreg:$0x0] =	wrdreg $0x60  }
0xab: {  	[dreg:$0x2] =	wrdreg s22  }
0xac: {  	[dreg:$0x3] =	wrdreg $0x9  }
0xad: {  	_ =	task.clear_ibuf [dreg:s4], $0x4FFFF;
	_ =	strace $0x90000057  }
0xae: {  	s26 =	simm.s32 $0x9;
	_ =	strace $0x80000059  }
0xaf: {  	_ =	swait.ge [sflag:s26], $0x1  }
0xb0: {  	[sflag:s26] =	ssyncadd.s32 $0xFFFFFFFF  }
0xb1: {  	_ =	strace $0x90000059  }
0xb2: {  	_ =	sfence  }
0xb3: {  	s28 =	sld [smem:$0x0];
	_ =	sdelay $0x1  }
0xb4: {  	s29 =	srdreg.scid  }
0xb5: {  	s30 =	sshll.u32 s29, $0xD;
	s31 =	sshrl.u32 s29, $0x2  }
0xb6: {  	s1 =	sand.u32 $0x1, s29;
	s2 =	sand.u32 $0x4000, s30;
	s0 =	sadd.s32 s31, s28  }
0xb7: {  	s1 =	sor.u32 s2, s1;
	s0 =	sshll.u32 s0, $0x11  }
0xb8: {  	s0 =	sor.u32 s0, s1  }
0xb9: {  	s0 =	sadd.s32 $0x8F2B, s0  }
0xba: {  	[sflag:s0] =	ssyncadd.remote.s32 $0x1  }
0xbb: {  	_ =	sfence.sel $0xFFFF  }
0xbc: {  	[dreg:$0x0] =	wrdreg $0xFFFFFFFF;
	(pc) =	sbr.abs _section_cstart, $3  }
0xbd: {  	[dreg:$0x1] =	wrdreg $0xFFFFFFFF  }
0xbe: {  	_ =	task.clear_ibuf [dreg:s4], $0x2FFFF;
	_ =	strace $0x9FFFFFFF  }
0xbf: {  	(tm) =	ssettm $0x7FFFFFFF  }
tec
execute0_lowered:
.L_overlay_start_1:
0x0: {  	(tag) =	ssettag $0x1  }
0x1: {  	s0 =	rddreg [dreg:$0x0];
	_ =	strace $0x80000058;
	s3 =	simm.s32 $0x1  }
0x2: {  	v1 =	vimm.s32 $0xFFFFFFFF;
	[sflag:s3] =	ssyncpa.u1 $0x0  }
0x3: {  	[tilespmem:$0x10] =	vst v1  }
0x4: {  	v0 =	vimm.s32 $0x80000000;
	[tilespmem:$0x20] =	vst v1  }
0x5: {  	[tilespmem:$0x30] =	vst v0  }
0x6: {  	s2 =	simm.s32 $0x2;
	s6 =	simm.s32 $0x7;
	[tilespmem:$0x40] =	vst v0  }
0x7: {  	s26 =	stileid.u32;
	s7 =	simm.s32 $0x8;
	s31 =	simm.s32 $0x9;
	[tilespmem:$0x50] =	vst v0  }
0x8: {  	s14 =	simm.s32 $0x0;
	s15 =	simm.s32 $0x100;
	s19 =	simm.s32 $0x1300;
	[tilespmem:$0x60] =	vst v1  }
0x9: {  	s20 =	simm.s32 $0xF;
	s21 =	simm.s32 $0x50;
	s22 =	simm.s32 $0x8FF;
	[tilespmem:$0x70] =	vst v1  }
0xa: {  	s23 =	simm.s32 $0x20;
	s24 =	simm.s32 $0x30;
	s25 =	simm.s32 $0x10FF;
	[tilespmem:$0x80] =	vst v1  }
0xb: {  	s30 =	simm.s32 $0x0;
	s29 =	simm.s32 $0x0;
	s4 =	sadd.s32 $0x9C5800, s0;
	v1 =	vimm.s32 $0x0;
	[tilespmem:$0xB0] =	vst v0  }
.Ltmp0:
0xc: {  	s1 =	sadd.s32 $0x9C9000, s0;
	s5 =	sadd.s32 $0x9C5C00, s0;
	[tilespmem:$0x90] =	vst v1;
	(pc) =	sbr.rel .LBB2_1-.Ltmp0, $4  }
0xd: {  	s8 =	sshll.u32 s26, $0x9;
	s10 =	sshll.u32 s26, $0x1;
	[tilespmem:$0xA0] =	vst v1;
	[sflag:s2] =	ssyncpa.u1 $0x0  }
0xe: {  	s12 =	sshllo.u32 s26, $0x1;
	s26 =	simm.s32 $0x80;
	[sflag:s6] =	ssyncpa.u1 $0x0  }
0xf: {  	vm0 =	vmmov $0xffff;
	v2 =	vlaneseq.u32;
	s9 =	sadd.s32 $0x200, s8;
	s11 =	sor.u32 $0x81, s10;
	[sflag:s7] =	ssyncpa.u1 $0x0  }
0x10: {  	vm1 =	vmxor vm1, vm1;
	vm2 =	vmmov $0x1;
	vm3 =	vcmask $0x3F3C;
	s13 =	sor.u32 $0x80, s10;
	s28 =	smov.u32 s8;
	[sflag:s31] =	ssyncpa.u1 $0x0  }
.LBB2_3:
0x11: {  	s0 =	sshrl.u32 s28, $0x3  }
0x12: {  	s2 =	sand.u32 $0x7, s28;
	s0 =	sadd.s32 s4, s0  }
0x13: {  	[tilespmem:s15], [sflag:$0x7] =	stream.linear.gather [hbm4b:s0+s2], $0x200, $0x38;
	[tilespmem:$0x1320] =	vst v63  }
.LBB2_4:
0x14: {  	s0 =	sadd.s32 $0x200, s28  }
0x15: {  	s2 =	smov.u32 s8;
	s29 =	sadd.s32 $0x1, s29;
	p0 =	slt.s32 s0, s9  }
0x16: {  	s2 =	smov.u32 @p0 s0;
	p0 =	sne.s32 s29, $0x4  }
.Ltmp1:
0x17: {  	_ = 	snop;
	(pc) =	sbr.rel @!p0 .LBB2_13-.Ltmp1, $2  }
0x18: {  	_ =	sdelay $0x2  }
0x19: {  	s30 =	smov.u32 s28;
	s28 =	smov.u32 s2  }
.LBB2_1:
0x1a: {  	p0 =	sgt.s32 s29, $0x1  }
.Ltmp2:
0x1b: {  	_ = 	snop;
	(pc) =	sbr.rel @p0 .LBB2_11-.Ltmp2, $1  }
0x1c: {  	_ =	sdelay $0x3  }
0x1d: {  	p0 =	seq.s32 s29, $0x0  }
.Ltmp3:
0x1e: {  	_ = 	snop;
	(pc) =	sbr.rel @p0 .LBB2_3-.Ltmp3, $1  }
0x1f: {  	_ =	sdelay $0x3  }
0x20: {  	_ =	swait.ge [sflag:s6], $0x200  }
0x21: {  	[sflag:s6] =	ssyncset.done $0x0  }
0x22: {  	[sflag:s6] =	ssyncadd.s32 $0xFFFFFE00;
	(ifvalue) =	ssetifvalue $0xFFFFFFFF;
	v3 =	vld.msk [tilespmem:s15+$0x0 ss:$0x1], $0xffff;
	_ =	sdelay $0x4  }
0x23: {  	v4 =	vperm.xlane v3, v1  }
0x24: {  	vm4 =	vlt.u32 v3, $0x18800  }
0x25: {  	v3 =	vnsel vm4, $0xFFFFFFFE, v3;
	vm4 =	vlt.u32 v4, $0x18800  }
0x26: {  	[tilespmem:$0x70] =	vst v3;
	v3 =	vnsel vm4, $0xFFFFFFFE, v4  }
0x27: {  	s17 =	simm.s32 $0x2F0;
	[tilespmem:$0x80] =	vst v3  }
0x28: {  	v3 =	vld.msk [tilespmem:s17+$0x0 ss:$0x1], $0xffff;
	_ =	sdelay $0x4  }
0x29: {  	(xrf1) =	vunique.msk.u32 $0xffff, v3;
	_ =	sdelay $0xd  }
0x2a: {  	v4 =	vimm.s32 $0xFFFFFFFF;
	v5, _, _ =	vpop (xrf1)  }
0x2b: {  	vm5 =	vne.s32 v3, v4;
	vm4 =	veq.s32 v5, v2  }
0x2c: {  	vm6 =	vlt.u32 v3, $0x18800;
	vm4 =	vmand vm5, vm4  }
0x2d: {  	vm4 =	vmand vm6, vm4  }
0x2e: {  	v4 =	vnsel vm4, $0xFFFFFFFF, v3;
	_ =	sdelay $0x3  }
0x2f: {  	s0 =	simm.s32 $0x8F0;
	(ifvalue) =	ssetifvalue $0xFFFFFFFF  }
0x30: {  	v3 =	vperm.xlane v3, v1;
	[tilespmem:s0], [sflag:$0x8] =	stream.indirect_vreg.gather [hbm4b:s1+s14], $0x1, v4, vm0, $0x4038;
	v4 =	vnsel vm6, $0xFFFFFFFE, v4;
	[tilespmem:$0x1320] =	vst v63  }
0x31: {  	s2 =	simm.s32 $0x0;
	s16 =	simm.s32 $0x2E0;
	[tilespmem:s17+$0x0] =	vst v4  }
.LBB2_6:
0x32: {  	v4 =	vld.msk [tilespmem:s16+$0x0 ss:$0x1], $0xffff;
	s2 =	sadd.s32 $0x10, s2;
	v5 =	vmov v3;
	s17 =	smov.u32 s16  }
0x33: {  	p0 =	slt.u32 s2, $0x1F0;
	_ =	sdelay $0x4  }
0x34: {  	v3 =	vperm.xlane v4, v1;
	(xrf1) =	vunique.msk.u32 $0xffff, v4;
	_ =	sdelay $0xd  }
0x35: {  	v6, _, _ =	vpop (xrf1)  }
0x36: {  	vm5 =	vne.s32 v4, v5;
	vm4 =	veq.s32 v6, v2  }
0x37: {  	vm6 =	vlt.u32 v4, $0x18800;
	vm4 =	vmand vm5, vm4  }
0x38: {  	vm4 =	vmand vm6, vm4  }
0x39: {  	v4 =	vnsel vm4, $0xFFFFFFFF, v4  }
.Ltmp4:
0x3a: {  	v5 =	vnsel vm6, $0xFFFFFFFE, v4;
	(pc) =	sbr.rel @p0 .LBB2_6-.Ltmp4, $3  }
0x3b: {  	_ =	sdelay $0x1  }
0x3c: {  	s16 =	sadd.s32 $0xFFFFFFF0, s16;
	s0 =	sadd.s32 $0xFFFFFFF0, s0;
	(ifvalue) =	ssetifvalue $0xFFFFFFFF  }
0x3d: {  	[tilespmem:s0], [sflag:$0x8] =	stream.indirect_vreg.gather [hbm4b:s1+s14], $0x1, v4, vm0, $0x4038;
	[tilespmem:s17+$0x0] =	vst v5  }
.Ltmp5:
0x3e: {  	(pc) =	sbr.rel .LBB2_4-.Ltmp5, $4  }
0x3f: {  	_ = 	snop  }
0x40: {  	s0 =	sshrl.u32 s30, $0x3  }
0x41: {  	s2 =	simm.s32 $0xB00;
	s0 =	sadd.s32 s5, s0  }
0x42: {  	[tilespmem:s2], [sflag:$0x8] =	stream.linear.gather [hbm:s0], $0x200, $0x38;
	[tilespmem:$0x1320] =	vst v63  }
.LBB2_11:
0x43: {  	p0 =	seq.s32 s29, $0x2  }
.Ltmp6:
0x44: {  	_ = 	snop;
	(pc) =	sbr.rel @!p0 .LBB2_12-.Ltmp6, $1  }
0x45: {  	_ =	sdelay $0x3  }
0x46: {  	_ =	swait.ge [sflag:s7], $0x400  }
0x47: {  	[sflag:s7] =	ssyncset.done $0x0  }
0x48: {  	s0 =	simm.s32 $0x2FF;
	[sflag:s7] =	ssyncadd.s32 $0xFFFFFC00  }
0x49: {  	[spmem:s11] =	stream.linear.scatter [tilespmem:s0], [sflag:$0x1], $0x1, $0x38;
	[tilespmem:$0x1320] =	vst v63  }
0x4a: {  	_ =	swait.ge [sflag:s3], $0x1  }
0x4b: {  	[sflag:s3] =	ssyncset.done $0x0  }
0x4c: {  	[sflag:s3] =	ssyncadd.s32 $0xFFFFFFFF  }
0x4d: {  	v4 =	vld [tilespmem:$0x10]  }
0x4e: {  	v5 =	vld [tilespmem:$0x70]  }
0x4f: {  	v3 =	vld [tilespmem:$0x80];
	_ =	sdelay $0x2  }
0x50: {  	(v2sf) =	vpush v4, $0x0  }
0x51: {  	(v2sf) =	vpush v5, $0x0  }
0x52: {  	(v2sf) =	vpush v3, $0x0;
	_ =	sdelay $0xc  }
0x53: {  	s18 =	spop (v2sf)  }
0x54: {  	s2 =	spop (v2sf)  }
0x55: {  	s30 =	spop (v2sf)  }
0x56: {  	p0 =	seq.s32 s18, s2;
	p1 =	seq.s32 s30, s18  }
0x57: {  	p1 =	por p0, p1  }
0x58: {  	s2 =	simm.s32 $0x10;
	v4 =	vpsel p1, $0xFFFFFFFF, v4  }
0x59: {  	[tilespmem:s2+$0x0] =	vst.msk $0x1, v4  }
0x5a: {  	v4 =	vld [tilespmem:$0x30]  }
0x5b: {  	v5 =	vld [tilespmem:$0xB00]  }
0x5c: {  	v6 =	vld [tilespmem:$0x40];
	_ =	sdelay $0x3  }
0x5d: {  	vm4 =	vmmov vm1;
	vm6 =	vmmov vm2;
	vm5 =	vgt.s32 v4, v5  }
0x5e: {  	s16 =	simm.s32 $0xB00;
	vm4 =	vmmov @p0 vm2;
	v5 =	vsel vm5, v4, v5;
	vm5 =	vgt.s32 v4, v6  }
0x5f: {  	vm6 =	vmmov @p1 vm1;
	v4 =	vsel vm5, v4, v6;
	[tilespmem:s16+$0x0] =	vst.msk vm4, v5  }
0x60: {  	[tilespmem:s19+$0x0] =	vst.msk vm6, v4  }
0x61: {  	v4 =	vld [tilespmem:$0x8F0];
	_ =	sdelay $0x4  }
0x62: {  	v4 =	vshift.insert v4, v1, s20;
	_ =	sdelay $0x1  }
0x63: {  	v5 =	vimm.s32 $0x80000000;
	[tilespmem:s21+$0x0] =	vst.msk $0x1, v4  }
0x64: {  	[tilespmem:s22+$0x0] =	vst.msk $0x1, v5  }
0x65: {  	v4 =	vld [tilespmem:$0x2F0];
	_ =	sdelay $0x4  }
0x66: {  	v4 =	vshift.insert v4, v1, s20;
	_ =	sdelay $0x1  }
0x67: {  	[tilespmem:s23+$0x0] =	vst.msk $0x1, v4  }
0x68: {  	v6 =	vld [tilespmem:s16+$0x0]  }
0x69: {  	s17 =	simm.s32 $0x100  }
0x6a: {  	v7 =	vld [tilespmem:s17+$0x0];
	_ =	sdelay $0x2  }
0x6b: {  	vm4 =	vgt.s32 v6, v5  }
0x6c: {  	v5 =	vsel vm4, v6, v5  }
0x6d: {  	vm4 =	vne.s32 v7, $0xFFFFFFFF;
	v5 =	vxor.u32 $0x80000000, v5  }
0x6e: {  	(xrf0) =	vmax.seg.scan.u32 vm4, v5  }
0x6f: {  	s18 =	simm.s32 $0x700  }
0x70: {  	v8 =	vld [tilespmem:s18+$0x0]  }
0x71: {  	v6 =	vld [tilespmem:$0xA0];
	_ =	sdelay $0x2  }
0x72: {  	v5 =	vperm.xlane v4, v1;
	v9, _, _ =	vpop (xrf0)  }
0x73: {  	vm6 =	veq.s32 v7, v3;
	v9 =	vxor.u32 $0x80000000, v9  }
0x74: {  	vm8 =	veq.s32 v7, v5;
	vm5 =	veq.s32 v6, $0x1;
	vm7 =	vgt.s32 v9, v8  }
0x75: {  	vm8 =	vmor vm8, vm6;
	v6 =	vsel vm7, v9, v8;
	vm7 =	vgt.u32 v7, $0xFFFFFFFD  }
0x76: {  	v10 =	vld [tilespmem:$0x90];
	vm9 =	vmand vm4, vm3;
	vm4 =	vmor vm5, vm6;
	vm5 =	vmor vm8, vm7  }
0x77: {  	v8 =	vsel vm5, $0xFFFFFFFF, v7;
	_ =	sdelay $0x1  }
0x78: {  	s31 =	simm.s32 $0xF00  }
0x79: {  	s0 =	simm.s32 $0x0;
	s2 =	simm.s32 $0xB10;
	s16 =	simm.s32 $0x110;
	v11 =	vsel vm9, $0x80000000, v9;
	v6 =	vsel vm6, v9, v6  }
0x7a: {  	s17 =	simm.s32 $0xF10;
	s18 =	simm.s32 $0x710;
	[tilespmem:s31+$0x0] =	vst v6;
	v6 =	vsel vm6, v9, v10;
	v7 =	vshift.insert v11, v0, s20;
	(ifvalue) =	ssetifvalue $0xFFFFFFFF  }
.LBB2_9:
0x7b: {  	[hbm4b:s1+s14] =	stream.indirect_vreg.scatter [tilespmem:s31], [sflag:$0x2], $0x1, v8, vm0, $0x4038;
	[tilespmem:$0x1320] =	vst v63  }
0x7c: {  	s0 =	sadd.s32 $0x10, s0;
	s31 =	smov.u32 s17;
	v8 =	vld [tilespmem:s2+$0x0]  }
0x7d: {  	p0 =	slt.u32 s0, $0x1F0  }
0x7e: {  	v9 =	vld [tilespmem:s16+$0x0];
	_ =	sdelay $0x2  }
0x7f: {  	vm5 =	vgt.s32 v8, v7  }
0x80: {  	v7 =	vsel vm5, v8, v7  }
0x81: {  	vm5 =	vne.s32 v9, $0xFFFFFFFF;
	v7 =	vxor.u32 $0x80000000, v7  }
0x82: {  	(xrf0) =	vmax.seg.scan.u32 vm5, v7;
	_ =	sdelay $0x2  }
0x83: {  	v7 =	vld [tilespmem:s18+$0x0];
	_ =	sdelay $0x1  }
0x84: {  	vm6 =	veq.s32 v9, v3;
	vm7 =	veq.s32 v9, v5  }
0x85: {  	vm8 =	vgt.u32 v9, $0xFFFFFFFD;
	vm4 =	vmor vm4, vm6;
	vm7 =	vmor vm7, vm6;
	v8, _, _ =	vpop (xrf0)  }
0x86: {  	vm5 =	vmand vm5, vm3;
	vm7 =	vmor vm7, vm8;
	v10 =	vxor.u32 $0x80000000, v8  }
.Ltmp7:
0x87: {  	v8 =	vsel vm7, $0xFFFFFFFF, v9;
	vm7 =	vgt.s32 v10, v7;
	v9 =	vsel vm5, $0x80000000, v10;
	(pc) =	sbr.rel @p0 .LBB2_9-.Ltmp7, $4  }
0x88: {  	v6 =	vsel vm6, v10, v6;
	v11 =	vsel vm7, v10, v7;
	v7 =	vshift.insert v9, v0, s20  }
0x89: {  	v9 =	vsel vm6, v10, v11  }
0x8a: {  	s2 =	sadd.s32 $0x10, s2;
	s16 =	sadd.s32 $0x10, s16;
	[tilespmem:s17+$0x0] =	vst v9  }
0x8b: {  	s18 =	sadd.s32 $0x10, s18;
	s17 =	sadd.s32 $0x10, s17;
	(ifvalue) =	ssetifvalue $0xFFFFFFFF  }
0x8c: {  	_ =	sdelay $0x3  }
0x8d: {  	[hbm4b:s1+s14] =	stream.indirect_vreg.scatter [tilespmem:s31], [sflag:$0x2], $0x1, v8, vm0, $0x4038;
	[tilespmem:$0x1320] =	vst v63  }
0x8e: {  	v3 =	vld [tilespmem:$0x10F0];
	_ =	sdelay $0x4  }
0x8f: {  	v3 =	vshift.insert v3, v1, s20;
	_ =	sdelay $0x1  }
0x90: {  	[tilespmem:s24+$0x0] =	vst.msk $0x1, v3  }
0x91: {  	v3 =	vsel vm4, $0x1, v1;
	[tilespmem:$0x90] =	vst v6  }
0x92: {  	[tilespmem:$0xA0] =	vst v3  }
0x93: {  	[spmem:s12] =	stream.linear.scatter [tilespmem:s25], [sflag:$0x1], $0x1, $0x38;
	[tilespmem:$0x1320] =	vst v63  }
0x94: {  	v3 =	vmctz.xlane vm4;
	_ =	swait.ge [sflag:s3], $0x1  }
0x95: {  	(v2sf) =	vpush v4, $0x0  }
0x96: {  	(v2sf) =	vpush v3, $0x0;
	_ =	sdelay $0xd  }
0x97: {  	s0 =	spop (v2sf)  }
0x98: {  	s2 =	spop (v2sf)  }
0x99: {  	[sflag:s3] =	ssyncset.done $0x0;
	p0 =	sne.s32 s30, s0;
	p1 =	slt.s32 s2, $0xF  }
0x9a: {  	[sflag:s3] =	ssyncadd.s32 $0xFFFFFFFF;
	v3 =	vimm.s32 @!p0 $0xFFFFFFFF;
	s2 =	simm.s32 @!p1 $0xF  }
0x9b: {  	[tilespmem:$0x80] =	vst @!p0 v3;
	s31 =	sadd.s32 $0x90, s2  }
0x9c: {  	[spmem:s10] =	stream.linear.scatter [tilespmem:s31], [sflag:$0x1], $0x1, $0x38;
	[tilespmem:$0x1320] =	vst v63  }
0x9d: {  	_ =	swait.ge [sflag:s3], $0x1  }
0x9e: {  	[sflag:s3] =	ssyncset.done $0x0  }
0x9f: {  	[sflag:s3] =	ssyncadd.s32 $0xFFFFFFFF  }
0xa0: {  	[spmem:s13] =	stream.linear.scatter [tilespmem:s26], [sflag:$0x1], $0x1, $0x38;
	[tilespmem:$0x1320] =	vst v63  }
0xa1: {  	_ =	swait.ge [sflag:s3], $0x1  }
0xa2: {  	[sflag:s3] =	ssyncset.done $0x0  }
0xa3: {  	[sflag:s3] =	ssyncadd.s32 $0xFFFFFFFF;
	(ifvalue) =	ssetifvalue $0xFFFFFFFF;
	v3 =	vld [tilespmem:$0x10];
	_ =	sdelay $0x3  }
.Ltmp8:
0xa4: {  	_ = 	snop;
	(pc) =	sbr.rel .LBB2_4-.Ltmp8, $3  }
0xa5: {  	_ =	sdelay $0x1  }
0xa6: {  	(ifvalue) =	ssetifvalue $0xFFFFFFFF  }
0xa7: {  	[hbm4b:s1+s14] =	stream.indirect_vreg.scatter [tilespmem:s19], [sflag:$0x9], $0x1, v3, vm0, $0x4038;
	[tilespmem:$0x1320] =	vst v63  }
.LBB2_12:
0xa8: {  	s0 =	simm.s32 $0x2  }
0xa9: {  	_ =	swait.ge [sflag:s0], $0x200  }
0xaa: {  	[sflag:s0] =	ssyncset.done $0x0  }
0xab: {  	s31 =	simm.s32 $0x9;
	[sflag:s0] =	ssyncadd.s32 $0xFFFFFE00  }
0xac: {  	_ =	swait.ge [sflag:s31], $0x10  }
0xad: {  	[sflag:s31] =	ssyncset.done $0x0  }
0xae: {  	[sflag:s31] =	ssyncadd.s32 $0xFFFFFFF0  }
.LBB2_13:
0xaf: {  	_ =	sfence.sel $0x180000  }
0xb0: {  	s0 =	simm.s32 $0x7;
	[bflag:$0x0] =	sbarrier.arrive $0xFFFF  }
0xb1: {  	s26 =	simm.s32 $0x8;
	[sflag:s0] =	ssyncpa.u1 $0x1  }
0xb2: {  	s28 =	simm.s32 $0x9;
	[sflag:s26] =	ssyncpa.u1 $0x1  }
0xb3: {  	[sflag:s28] =	ssyncpa.u1 $0x1  }
0xb4: {  	_ =	sfence.stream.spmem  }
0xb5: {  	s29 =	simm.s32 $0x3;
	[bflag:$0x0] =	sbarrier.arrive $0xFFFF  }
0xb6: {  	s30 =	simm.s32 $0x4;
	[sflag:s29] =	ssyncpa.u1 $0x1  }
0xb7: {  	s31 =	simm.s32 $0x3C;
	s2 =	stileid.u32;
	[sflag:s30] =	ssyncpa.u1 $0x1  }
0xb8: {  	p0 =	sne.s32 s2, $0x0;
	[sflag:s31] =	ssyncpa.u1 $0x1  }
0xb9: {  	s0 =	simm.s32 @p0 $0x1;
	_ =	sfence @p0  }
0xba: {  	[sflag:s0] =	ssyncpa.u1 @p0 $0x1;
	s0 =	simm.s32 @p0 $0x2  }
0xbb: {  	[sflag:s0] =	ssyncpa.u1 @p0 $0x1  }
0xbc: {  	_ =	strace @p0 $0x90000058  }
0xbd: {  	[bflag:$0x2] =	sbarrier.arrive @p0 $0xFFFF  }
0xbe: {  	_ =	shalt @p0  }
.LBB2_14:
0xbf: {  	_ =	sfence.stream.spmem;
	s0 =	simm.s32 $0x5  }
0xc0: {  	s2 =	simm.s32 $0x80;
	s3 =	simm.s32 $0xC0;
	[sflag:s0] =	ssyncpa.u1 $0x0  }
0xc1: {  	[tilespmem:s3], [sflag:$0x5] =	stream.linear.gather [spmem:s2], $0x20, $0x38;
	[tilespmem:$0x1320] =	vst v63  }
0xc2: {  	s30 =	simm.s32 $0xE0;
	s2 =	simm.s32 $0x0  }
0xc3: {  	[tilespmem:s30], [sflag:$0x5] =	stream.linear.gather [spmem:s2], $0x20, $0x38;
	[tilespmem:$0x1320] =	vst v63  }
.Ltmp9:
0xc4: {  	_ = 	snop;
	(pc) =	sbr.rel .LBB2_15-.Ltmp9, $4  }
0xc5: {  	_ =	swait.ge [sflag:s0], $0x40  }
0xc6: {  	[sflag:s0] =	ssyncset.done $0x0  }
0xc7: {  	s31 =	simm.s32 $0x6;
	[sflag:s0] =	ssyncadd.s32 $0xFFFFFFC0  }
0xc8: {  	s3 =	simm.s32 $0x0;
	[sflag:s31] =	ssyncpa.u1 $0x0  }
.LBB2_20:
0xc9: {  	p0 =	sgt.u32 s4, $0x187FF  }
0xca: {  	s0 =	sshrl.u32 @!p0 s4, $0x3  }
0xcb: {  	s4 =	sand.u32 @!p0 $0x7, s4;
	s5 =	simm.s32 @!p0 $0xB0;
	s0 =	sadd.s32 @!p0 s1, s0  }
0xcc: {  	[tilespmem:s5], [sflag:$0x6] =	stream.linear.gather @!p0 [hbm4b:s0+s4], $0x1, $0x38;
	[tilespmem:$0x1320] =	vst v63  }
0xcd: {  	s0 =	simm.s32 @!p0 $0x6  }
0xce: {  	_ =	swait.ge @!p0 [sflag:s0], $0x1  }
0xcf: {  	[sflag:s0] =	ssyncset.done @!p0 $0x0  }
0xd0: {  	[sflag:s0] =	ssyncadd.s32 @!p0 $0xFFFFFFFF  }
0xd1: {  	v1 =	vld.msk @!p0 [tilespmem:$0xB0], $0x1  }
0xd2: {  	v2 =	vld.msk @!p0 [tilespmem:s3+$0xE0], $0x1;
	_ =	sdelay $0x4  }
0xd3: {  	vm0 =	vgt.s32 @!p0 v2, v1  }
0xd4: {  	v1 =	vsel @!p0 vm0, v2, v1  }
0xd5: {  	[tilespmem:s3+$0xE0] =	vst.msk @!p0 $0x1, v1  }
0xd6: {  	[tilespmem:s2+$0xC0] =	vst.msk $0x1, v0  }
0xd7: {  	v0 =	vld.msk [tilespmem:s3+$0xE0], $0x1;
	_ =	sdelay $0x4  }
0xd8: {  	[tilespmem:s2+$0xE0] =	vst.msk $0x1, v0;
	s2 =	sadd.s32 $0x1, s2  }
.LBB2_22:
0xd9: {  	s3 =	sadd.s32 $0x1, s3  }
0xda: {  	p0 =	sne.s32 s3, $0x20  }
.Ltmp10:
0xdb: {  	_ = 	snop;
	(pc) =	sbr.rel @!p0 .LBB2_23-.Ltmp10, $1  }
0xdc: {  	_ =	sdelay $0x3  }
.LBB2_15:
0xdd: {  	v0 =	vld.msk [tilespmem:s3+$0xC0], $0x1;
	_ =	sdelay $0x4  }
0xde: {  	(v2sf) =	vpush v0, $0x0;
	_ =	sdelay $0xe  }
0xdf: {  	s4 =	spop (v2sf)  }
0xe0: {  	p0 =	seq.s32 s4, $0xFFFFFFFF  }
.Ltmp11:
0xe1: {  	_ = 	snop;
	(pc) =	sbr.rel @p0 .LBB2_22-.Ltmp11, $1  }
0xe2: {  	_ =	sdelay $0x3  }
0xe3: {  	p0 =	slt.s32 s2, $0x1  }
.Ltmp12:
0xe4: {  	_ = 	snop;
	(pc) =	sbr.rel @p0 .LBB2_20-.Ltmp12, $1  }
0xe5: {  	_ =	sdelay $0x3  }
0xe6: {  	s0 =	simm.s32 $0xC0;
	p0 =	por $0x0, $0x0  }
0xe7: {  	v1 =	vld.msk @!p0 [tilespmem:s0+$0x0], $0x1;
	_ =	sdelay $0x4  }
0xe8: {  	(v2sf) =	vpush @!p0 v1, $0x0;
	_ =	sdelay $0xd  }
0xe9: {  	p2 =	sne.s32 s2, $0x1  }
.Ltmp13:
0xea: {  	s5 =	spop @!p0 (v2sf);
	(pc) =	sbr.rel @!p2 .LBB2_19-.Ltmp13, $4  }
0xeb: {  	p1 =	seq.s32 @!p0 s4, s5  }
0xec: {  	s5 =	simm.s32 $0x0;
	p1 =	por !p1, p0  }
0xed: {  	s7 =	simm.s32 $0xFFFFFFFF;
	s5 =	simm.s32 @p1 $0xFFFFFFFF  }
0xee: {  	s6 =	simm.s32 $0x1;
	s5 =	smov.u32 @p0 s7  }
.LBB2_18:
0xef: {  	s7 =	smov.u32 s5;
	p0 =	sne.s32 s5, $0xFFFFFFFF  }
0xf0: {  	s0 =	sadd.s32 $0x1, s0;
	s5 =	smov.u32 s6;
	s6 =	sadd.s32 $0x1, s6  }
0xf1: {  	p1 =	sne.s32 s2, s6;
	v1 =	vld.msk @!p0 [tilespmem:s0+$0x0], $0x1;
	_ =	sdelay $0x4  }
0xf2: {  	(v2sf) =	vpush @!p0 v1, $0x0;
	_ =	sdelay $0xe  }
.Ltmp14:
0xf3: {  	s8 =	spop @!p0 (v2sf);
	(pc) =	sbr.rel @p1 .LBB2_18-.Ltmp14, $4  }
0xf4: {  	p2 =	seq.s32 @!p0 s4, s8  }
0xf5: {  	p2 =	por !p2, p0  }
0xf6: {  	s5 =	simm.s32 @p2 $0xFFFFFFFF  }
0xf7: {  	s5 =	smov.u32 @p0 s7  }
.LBB2_19:
0xf8: {  	p0 =	sne.s32 s5, $0xFFFFFFFF  }
.Ltmp15:
0xf9: {  	_ = 	snop;
	(pc) =	sbr.rel @!p0 .LBB2_20-.Ltmp15, $1  }
0xfa: {  	_ =	sdelay $0x3  }
0xfb: {  	v0 =	vld.msk [tilespmem:s3+$0xE0], $0x1  }
0xfc: {  	v1 =	vld.msk [tilespmem:s5+$0xE0], $0x1;
	_ =	sdelay $0x2  }
.Ltmp16:
0xfd: {  	_ = 	snop;
	(pc) =	sbr.rel .LBB2_22-.Ltmp16, $4  }
0xfe: {  	_ = 	snop  }
0xff: {  	vm0 =	vgt.s32 v1, v0  }
0x100: {  	v0 =	vsel vm0, v1, v0  }
0x101: {  	[tilespmem:s5+$0xE0] =	vst.msk $0x1, v0  }
.LBB2_23:
0x102: {  	p0 =	slt.s32 s2, $0x1  }
.Ltmp17:
0x103: {  	_ = 	snop;
	(pc) =	sbr.rel @p0 .LBB2_27-.Ltmp17, $3  }
0x104: {  	_ =	sdelay $0x1  }
0x105: {  	s0 =	simm.s32 $0x6  }
0x106: {  	[sflag:s0] =	ssyncpa.u1 $0x1;
	s0 =	simm.s32 $0x0  }
0x107: {  	s3 =	simm.s32 $0xC0  }
0x108: {  	v0 =	vld.msk [tilespmem:s3+$0x0], $0x1;
	_ =	sdelay $0x4  }
0x109: {  	(v2sf) =	vpush v0, $0x0;
	_ =	sdelay $0xe  }
0x10a: {  	s2 =	sadd.s32 $0xFFFFFFFF, s2;
	s4 =	spop (v2sf)  }
0x10b: {  	p1 =	sne.s32 s2, $0x0;
	p0 =	sgt.u32 s4, $0x187FF  }
.Ltmp18:
0x10c: {  	s5 =	sshrl.u32 @!p0 s4, $0x3;
	(pc) =	sbr.rel @!p1 .LBB2_26-.Ltmp18, $4  }
0x10d: {  	s3 =	simm.s32 $0xE0;
	s4 =	sand.u32 @!p0 $0x7, s4;
	s5 =	sadd.s32 @!p0 s1, s5  }
0x10e: {  	[hbm4b:s5+s4] =	stream.linear.scatter @!p0 [tilespmem:s3], [sflag:$0x5], $0x1, $0x38;
	[tilespmem:$0x1320] =	vst v63  }
0x10f: {  	s5 =	simm.s32 $0x0  }
0x110: {  	s4 =	simm.s32 $0xC1;
	s5 =	simm.s32 @!p0 $0x4  }
.LBB2_25:
0x111: {  	v0 =	vld.msk [tilespmem:s4+$0x0], $0x1;
	s2 =	sadd.s32 $0xFFFFFFFF, s2;
	s0 =	sadd.s32 s0, s5  }
0x112: {  	p0 =	sne.s32 s2, $0x0;
	_ =	sdelay $0x3  }
0x113: {  	(v2sf) =	vpush v0, $0x0;
	_ =	sdelay $0xe  }
.Ltmp19:
0x114: {  	s6 =	spop (v2sf);
	(pc) =	sbr.rel @p0 .LBB2_25-.Ltmp19, $4  }
0x115: {  	s5 =	simm.s32 $0x0;
	p1 =	sgt.u32 s6, $0x187FF  }
0x116: {  	s3 =	sadd.s32 $0x1, s3;
	s5 =	simm.s32 @!p1 $0x4;
	s7 =	sshrl.u32 @!p1 s6, $0x3  }
0x117: {  	s4 =	sadd.s32 $0x1, s4;
	s6 =	sand.u32 @!p1 $0x7, s6;
	s7 =	sadd.s32 @!p1 s1, s7  }
0x118: {  	[hbm4b:s7+s6] =	stream.linear.scatter @!p1 [tilespmem:s3], [sflag:$0x5], $0x1, $0x38;
	[tilespmem:$0x1320] =	vst v63  }
.LBB2_26:
0x119: {  	s0 =	sadd.s32 s0, s5  }
0x11a: {  	s0 =	sshrl.u32 s0, $0x2  }
.LBB2_27:
0x11b: {  	s1 =	simm.s32 $0x5  }
0x11c: {  	_ =	swait.ge [sflag:s1], s0  }
0x11d: {  	s28 =	ssub.s32 $0x0, s0;
	[sflag:s1] =	ssyncset.done $0x0  }
0x11e: {  	[sflag:s1] =	ssyncadd.s32 s28  }
0x11f: {  	[sflag:s1] =	ssyncpa.u1 $0x1  }
0x120: {  	s29 =	simm.s32 $0x1;
	_ =	sfence  }
0x121: {  	s30 =	simm.s32 $0x2;
	[sflag:s29] =	ssyncpa.u1 $0x1  }
0x122: {  	[sflag:s30] =	ssyncpa.u1 $0x1  }
0x123: {  	_ =	strace $0x90000058  }
0x124: {  	[bflag:$0x2] =	sbarrier.arrive $0xFFFF  }
0x125: {  	s31 =	rddreg [dreg:$0x1]  }
0x126: {  	s0 =	sadd.s32 $0x100000, s31  }
0x127: {  	[sflag:s0] =	ssyncadd.tile.s32 $0x1;
	_ =	shalt  }
.Lfunc_end2:
_tile_overlayer_lowered:
.L_overlay_start_2:
0x128: {  	(tag) =	ssettag $0x2  }
0x129: {  	s0 =	rddreg [dreg:$0x0];
	s2 =	stileid.u32  }
0x12a: {  	s1 =	rddreg [dreg:$0x1];
	p0 =	sne.s32 s2, $0x0  }
0x12b: {  	s3 =	rddreg [dreg:$0x2];
	[bflag:$0x3] =	sbarrier.arrive $0xFFFF;
	s2 =	simm.s32 @!p0 $0x1C01  }
0x12c: {  	[timem:s3], [sflag:s2] =	dma.local @!p0 [hbm:s0], s1  }
0x12d: {  	s0 =	simm.s32 @!p0 $0x1  }
0x12e: {  	_ =	swait.ge @!p0 [sflag:s0], s1  }
0x12f: {  	s1 =	ssub.s32 @!p0 $0x0, s1;
	[sflag:s0] =	ssyncset.done @!p0 $0x0  }
0x130: {  	[sflag:s0] =	ssyncadd.s32 @!p0 s1  }
0x131: {  	[bflag:$0x3] =	sbarrier.arrive $0xFFFF  }
0x132: {  	_ =	shalt  }

</sc_bundles>
